<compile_context>
chip_gen: v7x
topology: tpu7x:2x2x1
jax: 0.10.2.dev20260603
libtpu: 0.0.44.dev20260713+nightly
codegen_flags: <defaults>
</compile_context>

<pallas_src>
import functools

import jax
import jax.numpy as jnp
from jax import lax
from jax.experimental import pallas as pl
from jax.experimental.pallas import tpu as pltpu
from jax.experimental.pallas import tpu_sc as plsc

_NBUF = 8
_GR = 1


@functools.lru_cache(maxsize=None)
def _make_gather(batch, hist, n_dim, nc, ns, pair):
    mesh = plsc.VectorSubcoreMesh(core_axis_name="c", subcore_axis_name="s")
    nw = nc * ns
    rows_w = batch // nw
    n_chunks = rows_w // pair
    n_groups = n_chunks // _NBUF
    assert rows_w % pair == 0 and n_chunks % _NBUF == 0 and n_groups >= 2

    scratch = (
        [pltpu.VMEM((n_chunks, pair * hist), jnp.int32)]
        + [pltpu.VMEM((pair * hist, n_dim), jnp.float32)
           for _ in range(_NBUF)]
        + [pltpu.SemaphoreType.DMA for _ in range(2 * _NBUF)]
    )

    hp = (hist + 7) // 8 * 8
    dp = 128

    @functools.partial(
        pl.kernel,
        out_type=jax.ShapeDtypeStruct((batch, hp, dp), jnp.float32),
        mesh=mesh,
        scratch_types=scratch,
        compiler_params=pltpu.CompilerParams(use_tc_tiling_on_sc=False),
    )
    def k(idx_hbm, table_hbm, out_hbm, idx_v, *bufs_and_sems):
        rows = bufs_and_sems[:_NBUF]
        gsem = bufs_and_sems[_NBUF:2 * _NBUF]
        ssem = bufs_and_sems[2 * _NBUF:]
        wid = lax.axis_index("s") * nc + lax.axis_index("c")
        base = wid * rows_w
        pltpu.sync_copy(idx_hbm.at[pl.ds(wid * n_chunks, n_chunks)], idx_v)

        def fire_gather(j, b):
            pltpu.async_copy(table_hbm.at[idx_v.at[j]], rows[b], gsem[b])

        def wait_gather(b):
            pltpu.make_async_copy(
                table_hbm.at[idx_v.at[0]], rows[b], gsem[b]).wait()

        def fire_store(j, b):
            for u in range(pair):
                pltpu.async_copy(
                    rows[b].at[pl.ds(u * hist, hist)],
                    out_hbm.at[base + j * pair + u,
                               pl.ds(0, hist), pl.ds(0, n_dim)],
                    ssem[b])

        def wait_store(b):
            for u in range(pair):
                pltpu.make_async_copy(
                    rows[b].at[pl.ds(u * hist, hist)],
                    out_hbm.at[base + u, pl.ds(0, hist), pl.ds(0, n_dim)],
                    ssem[b]).wait()

        for b in range(_NBUF):
            fire_gather(b, b)

        def body(gi, carry):
            g = gi * _NBUF
            for b in range(_NBUF):
                wait_gather(b)
                fire_store(g + b, b)
            for b in range(_NBUF):
                wait_store(b)
                fire_gather(g + _NBUF + b, b)
            return carry

        lax.fori_loop(0, n_groups - 1, body, 0)

        g = (n_groups - 1) * _NBUF
        for b in range(_NBUF):
            wait_gather(b)
            fire_store(g + b, b)
        for b in range(_NBUF):
            wait_store(b)

    return k


def kernel(indices, table):
    batch, hist = indices.shape
    n_classes, n_dim = table.shape
    info = plsc.get_sparse_core_info()
    nc, ns = info.num_cores, info.num_subcores
    pair = 2 if (batch % 2 == 0 and 2 * hist <= 128) else 1
    idx = indices.reshape(batch // pair, pair * hist)
    padded = _make_gather(batch, hist, n_dim, nc, ns, pair)(idx, table)
    return padded[:, :hist, :n_dim]

# --- scband reference (transcript-rebuilt; emitter-appended) ---
"""Pipeline reference for scband-centroids-48661979464407 (READ-ONLY COPY).

The authoritative reference and input builder live on the scoring server;
editing this copy changes nothing except your own understanding.
"""

import jax, jax.numpy as jnp
import numpy as np

N_CLASSES = 1000000
N_DIM = 32
BATCH = 16384
HIST = 50

def setup_inputs(seed: int = 0) -> dict:
    key = jax.random.key(seed)
    k1, k2 = jax.random.split(key)
    indices = jax.random.randint(k1, (BATCH, HIST), 0, N_CLASSES, dtype=jnp.int64 if jax.config.jax_enable_x64 else jnp.int32)
    # nn.Embedding default init: N(0, 1)
    table = jax.random.normal(k2, (N_CLASSES, N_DIM), dtype=jnp.float32)
    return {"indices": indices, "table": table}

def reference(indices, table):
    # Centroids.forward: embedding lookup
    return jnp.take(table, indices, axis=0)

if __name__ == "__main__":
    import jax
    _d = setup_inputs()
    print(jax.jit(kernel)(*tuple(_d.values())))

</pallas_src>

<mosaic_0001>
#map = affine_map<(d0, d1) -> (0, 0)>
#map1 = affine_map<(d0, d1) -> (0, 0, 0)>
module attributes {stable_mosaic.version = 14 : i64} {
  func.func @k(%arg0: i32, %arg1: i32, %arg2: memref<8192x100xi32, #tpu.memory_space<hbm>>, %arg3: memref<1000000x32xf32, #tpu.memory_space<hbm>>, %arg4: memref<16384x56x128xf32, #tpu.memory_space<hbm>>, %arg5: memref<256x100xi32, #tpu.memory_space<vmem>>, %arg6: memref<100x32xf32, #tpu.memory_space<vmem>>, %arg7: memref<100x32xf32, #tpu.memory_space<vmem>>, %arg8: memref<100x32xf32, #tpu.memory_space<vmem>>, %arg9: memref<100x32xf32, #tpu.memory_space<vmem>>, %arg10: memref<100x32xf32, #tpu.memory_space<vmem>>, %arg11: memref<100x32xf32, #tpu.memory_space<vmem>>, %arg12: memref<100x32xf32, #tpu.memory_space<vmem>>, %arg13: memref<100x32xf32, #tpu.memory_space<vmem>>, %arg14: memref<!tpu.dma_semaphore, #tpu.memory_space<semaphore_mem>>, %arg15: memref<!tpu.dma_semaphore, #tpu.memory_space<semaphore_mem>>, %arg16: memref<!tpu.dma_semaphore, #tpu.memory_space<semaphore_mem>>, %arg17: memref<!tpu.dma_semaphore, #tpu.memory_space<semaphore_mem>>, %arg18: memref<!tpu.dma_semaphore, #tpu.memory_space<semaphore_mem>>, %arg19: memref<!tpu.dma_semaphore, #tpu.memory_space<semaphore_mem>>, %arg20: memref<!tpu.dma_semaphore, #tpu.memory_space<semaphore_mem>>, %arg21: memref<!tpu.dma_semaphore, #tpu.memory_space<semaphore_mem>>, %arg22: memref<!tpu.dma_semaphore, #tpu.memory_space<semaphore_mem>>, %arg23: memref<!tpu.dma_semaphore, #tpu.memory_space<semaphore_mem>>, %arg24: memref<!tpu.dma_semaphore, #tpu.memory_space<semaphore_mem>>, %arg25: memref<!tpu.dma_semaphore, #tpu.memory_space<semaphore_mem>>, %arg26: memref<!tpu.dma_semaphore, #tpu.memory_space<semaphore_mem>>, %arg27: memref<!tpu.dma_semaphore, #tpu.memory_space<semaphore_mem>>, %arg28: memref<!tpu.dma_semaphore, #tpu.memory_space<semaphore_mem>>, %arg29: memref<!tpu.dma_semaphore, #tpu.memory_space<semaphore_mem>>) attributes {dimension_semantics = [#tpu.dimension_semantics<core_parallel>, #tpu.dimension_semantics<subcore_parallel>], iteration_bounds = array<i64: 2, 16>, scalar_prefetch = 0 : i64, scratch_operands = 25 : i64, tpu.core_type = #tpu.core_type<sc_vector_subcore>, window_params = [{transform_indices = #map}, {transform_indices = #map}, {transform_indices = #map1}]} {
    %mul3A = arith.constant 2 : i32
    %mul3A_0 = arith.muli %arg1, %mul3A : i32
    %add3A = arith.addi %mul3A_0, %arg0 : i32
    %mul3A_1 = arith.constant 512 : i32
    %mul3A_2 = arith.muli %add3A, %mul3A_1 : i32
    %mul3A_3 = arith.constant 256 : i32
    %mul3A_4 = arith.muli %add3A, %mul3A_3 : i32
    "tpu.region"() ({
      %run_scoped3A = tpu.sem_alloc : memref<!tpu.dma_semaphore, #tpu.memory_space<semaphore_mem>>
      %dma_start3A_664 = arith.constant 0 : i32
      %dma_start3A_665 = tpu.memref_slice %arg2[%mul3A_4, %dma_start3A_664] : memref<8192x100xi32, #tpu.memory_space<hbm>> -> memref<256x100xi32, #tpu.memory_space<hbm>>
      %dma_start3A_666 = arith.constant 0 : i32
      %dma_start3A_667 = tpu.memref_slice %arg2[%mul3A_4, %dma_start3A_666] : memref<8192x100xi32, #tpu.memory_space<hbm>> -> memref<256x100xi32, #tpu.memory_space<hbm>>
      tpu.enqueue_dma source(%dma_start3A_667 : memref<256x100xi32, #tpu.memory_space<hbm>>) target(%arg5 : memref<256x100xi32, #tpu.memory_space<vmem>>) target_semaphore(%run_scoped3A : memref<!tpu.dma_semaphore, #tpu.memory_space<semaphore_mem>>)
      %dma_wait3A_668 = arith.constant 0 : i32
      %dma_wait3A_669 = tpu.memref_slice %arg2[%mul3A_4, %dma_wait3A_668] : memref<8192x100xi32, #tpu.memory_space<hbm>> -> memref<256x100xi32, #tpu.memory_space<hbm>>
      %dma_wait3A_670 = arith.constant 0 : i32
      %dma_wait3A_671 = tpu.memref_slice %arg2[%mul3A_4, %dma_wait3A_670] : memref<8192x100xi32, #tpu.memory_space<hbm>> -> memref<256x100xi32, #tpu.memory_space<hbm>>
      tpu.wait_dma2 semaphore(%run_scoped3A : memref<!tpu.dma_semaphore, #tpu.memory_space<semaphore_mem>>) src(%dma_wait3A_671 : memref<256x100xi32, #tpu.memory_space<hbm>>) dst(%arg5 : memref<256x100xi32, #tpu.memory_space<vmem>>)
      tpu.yield
    }) : () -> ()
    %dma_start3A = arith.constant 0 : i32
    %dma_start3A_5 = arith.constant 0 : i32
    %dma_start3A_6 = tpu.memref_slice %arg5[%dma_start3A, %dma_start3A_5] : memref<256x100xi32, #tpu.memory_space<vmem>> -> memref<1x100xi32, #tpu.memory_space<vmem>>
    %dma_start3A_7 = tpu.memref_squeeze %dma_start3A_6 : memref<1x100xi32, #tpu.memory_space<vmem>> -> memref<100xi32, #tpu.memory_space<vmem>>
    %dma_start3A_8 = arith.constant 0 : i32
    %dma_start3A_9 = arith.constant 0 : i32
    %dma_start3A_10 = tpu.memref_slice %arg3[%dma_start3A_8, %dma_start3A_9] : memref<1000000x32xf32, #tpu.memory_space<hbm>> -> memref<1000000x32xf32, #tpu.memory_space<hbm>>
    tpu.enqueue_indirect_dma source(%dma_start3A_10 : memref<1000000x32xf32, #tpu.memory_space<hbm>>) target(%arg6 : memref<100x32xf32, #tpu.memory_space<vmem>>) offsets(%dma_start3A_7 : memref<100xi32, #tpu.memory_space<vmem>>) semaphore(%arg14 : memref<!tpu.dma_semaphore, #tpu.memory_space<semaphore_mem>>)
    %dma_start3A_11 = arith.constant 1 : i32
    %dma_start3A_12 = arith.constant 0 : i32
    %dma_start3A_13 = tpu.memref_slice %arg5[%dma_start3A_11, %dma_start3A_12] : memref<256x100xi32, #tpu.memory_space<vmem>> -> memref<1x100xi32, #tpu.memory_space<vmem>>
    %dma_start3A_14 = tpu.memref_squeeze %dma_start3A_13 : memref<1x100xi32, #tpu.memory_space<vmem>> -> memref<100xi32, #tpu.memory_space<vmem>>
    %dma_start3A_15 = arith.constant 0 : i32
    %dma_start3A_16 = arith.constant 0 : i32
    %dma_start3A_17 = tpu.memref_slice %arg3[%dma_start3A_15, %dma_start3A_16] : memref<1000000x32xf32, #tpu.memory_space<hbm>> -> memref<1000000x32xf32, #tpu.memory_space<hbm>>
    tpu.enqueue_indirect_dma source(%dma_start3A_17 : memref<1000000x32xf32, #tpu.memory_space<hbm>>) target(%arg7 : memref<100x32xf32, #tpu.memory_space<vmem>>) offsets(%dma_start3A_14 : memref<100xi32, #tpu.memory_space<vmem>>) semaphore(%arg15 : memref<!tpu.dma_semaphore, #tpu.memory_space<semaphore_mem>>)
    %dma_start3A_18 = arith.constant 2 : i32
    %dma_start3A_19 = arith.constant 0 : i32
    %dma_start3A_20 = tpu.memref_slice %arg5[%dma_start3A_18, %dma_start3A_19] : memref<256x100xi32, #tpu.memory_space<vmem>> -> memref<1x100xi32, #tpu.memory_space<vmem>>
    %dma_start3A_21 = tpu.memref_squeeze %dma_start3A_20 : memref<1x100xi32, #tpu.memory_space<vmem>> -> memref<100xi32, #tpu.memory_space<vmem>>
    %dma_start3A_22 = arith.constant 0 : i32
    %dma_start3A_23 = arith.constant 0 : i32
    %dma_start3A_24 = tpu.memref_slice %arg3[%dma_start3A_22, %dma_start3A_23] : memref<1000000x32xf32, #tpu.memory_space<hbm>> -> memref<1000000x32xf32, #tpu.memory_space<hbm>>
    tpu.enqueue_indirect_dma source(%dma_start3A_24 : memref<1000000x32xf32, #tpu.memory_space<hbm>>) target(%arg8 : memref<100x32xf32, #tpu.memory_space<vmem>>) offsets(%dma_start3A_21 : memref<100xi32, #tpu.memory_space<vmem>>) semaphore(%arg16 : memref<!tpu.dma_semaphore, #tpu.memory_space<semaphore_mem>>)
    %dma_start3A_25 = arith.constant 3 : i32
    %dma_start3A_26 = arith.constant 0 : i32
    %dma_start3A_27 = tpu.memref_slice %arg5[%dma_start3A_25, %dma_start3A_26] : memref<256x100xi32, #tpu.memory_space<vmem>> -> memref<1x100xi32, #tpu.memory_space<vmem>>
    %dma_start3A_28 = tpu.memref_squeeze %dma_start3A_27 : memref<1x100xi32, #tpu.memory_space<vmem>> -> memref<100xi32, #tpu.memory_space<vmem>>
    %dma_start3A_29 = arith.constant 0 : i32
    %dma_start3A_30 = arith.constant 0 : i32
    %dma_start3A_31 = tpu.memref_slice %arg3[%dma_start3A_29, %dma_start3A_30] : memref<1000000x32xf32, #tpu.memory_space<hbm>> -> memref<1000000x32xf32, #tpu.memory_space<hbm>>
    tpu.enqueue_indirect_dma source(%dma_start3A_31 : memref<1000000x32xf32, #tpu.memory_space<hbm>>) target(%arg9 : memref<100x32xf32, #tpu.memory_space<vmem>>) offsets(%dma_start3A_28 : memref<100xi32, #tpu.memory_space<vmem>>) semaphore(%arg17 : memref<!tpu.dma_semaphore, #tpu.memory_space<semaphore_mem>>)
    %dma_start3A_32 = arith.constant 4 : i32
    %dma_start3A_33 = arith.constant 0 : i32
    %dma_start3A_34 = tpu.memref_slice %arg5[%dma_start3A_32, %dma_start3A_33] : memref<256x100xi32, #tpu.memory_space<vmem>> -> memref<1x100xi32, #tpu.memory_space<vmem>>
    %dma_start3A_35 = tpu.memref_squeeze %dma_start3A_34 : memref<1x100xi32, #tpu.memory_space<vmem>> -> memref<100xi32, #tpu.memory_space<vmem>>
    %dma_start3A_36 = arith.constant 0 : i32
    %dma_start3A_37 = arith.constant 0 : i32
    %dma_start3A_38 = tpu.memref_slice %arg3[%dma_start3A_36, %dma_start3A_37] : memref<1000000x32xf32, #tpu.memory_space<hbm>> -> memref<1000000x32xf32, #tpu.memory_space<hbm>>
    tpu.enqueue_indirect_dma source(%dma_start3A_38 : memref<1000000x32xf32, #tpu.memory_space<hbm>>) target(%arg10 : memref<100x32xf32, #tpu.memory_space<vmem>>) offsets(%dma_start3A_35 : memref<100xi32, #tpu.memory_space<vmem>>) semaphore(%arg18 : memref<!tpu.dma_semaphore, #tpu.memory_space<semaphore_mem>>)
    %dma_start3A_39 = arith.constant 5 : i32
    %dma_start3A_40 = arith.constant 0 : i32
    %dma_start3A_41 = tpu.memref_slice %arg5[%dma_start3A_39, %dma_start3A_40] : memref<256x100xi32, #tpu.memory_space<vmem>> -> memref<1x100xi32, #tpu.memory_space<vmem>>
    %dma_start3A_42 = tpu.memref_squeeze %dma_start3A_41 : memref<1x100xi32, #tpu.memory_space<vmem>> -> memref<100xi32, #tpu.memory_space<vmem>>
    %dma_start3A_43 = arith.constant 0 : i32
    %dma_start3A_44 = arith.constant 0 : i32
    %dma_start3A_45 = tpu.memref_slice %arg3[%dma_start3A_43, %dma_start3A_44] : memref<1000000x32xf32, #tpu.memory_space<hbm>> -> memref<1000000x32xf32, #tpu.memory_space<hbm>>
    tpu.enqueue_indirect_dma source(%dma_start3A_45 : memref<1000000x32xf32, #tpu.memory_space<hbm>>) target(%arg11 : memref<100x32xf32, #tpu.memory_space<vmem>>) offsets(%dma_start3A_42 : memref<100xi32, #tpu.memory_space<vmem>>) semaphore(%arg19 : memref<!tpu.dma_semaphore, #tpu.memory_space<semaphore_mem>>)
    %dma_start3A_46 = arith.constant 6 : i32
    %dma_start3A_47 = arith.constant 0 : i32
    %dma_start3A_48 = tpu.memref_slice %arg5[%dma_start3A_46, %dma_start3A_47] : memref<256x100xi32, #tpu.memory_space<vmem>> -> memref<1x100xi32, #tpu.memory_space<vmem>>
    %dma_start3A_49 = tpu.memref_squeeze %dma_start3A_48 : memref<1x100xi32, #tpu.memory_space<vmem>> -> memref<100xi32, #tpu.memory_space<vmem>>
    %dma_start3A_50 = arith.constant 0 : i32
    %dma_start3A_51 = arith.constant 0 : i32
    %dma_start3A_52 = tpu.memref_slice %arg3[%dma_start3A_50, %dma_start3A_51] : memref<1000000x32xf32, #tpu.memory_space<hbm>> -> memref<1000000x32xf32, #tpu.memory_space<hbm>>
    tpu.enqueue_indirect_dma source(%dma_start3A_52 : memref<1000000x32xf32, #tpu.memory_space<hbm>>) target(%arg12 : memref<100x32xf32, #tpu.memory_space<vmem>>) offsets(%dma_start3A_49 : memref<100xi32, #tpu.memory_space<vmem>>) semaphore(%arg20 : memref<!tpu.dma_semaphore, #tpu.memory_space<semaphore_mem>>)
    %dma_start3A_53 = arith.constant 7 : i32
    %dma_start3A_54 = arith.constant 0 : i32
    %dma_start3A_55 = tpu.memref_slice %arg5[%dma_start3A_53, %dma_start3A_54] : memref<256x100xi32, #tpu.memory_space<vmem>> -> memref<1x100xi32, #tpu.memory_space<vmem>>
    %dma_start3A_56 = tpu.memref_squeeze %dma_start3A_55 : memref<1x100xi32, #tpu.memory_space<vmem>> -> memref<100xi32, #tpu.memory_space<vmem>>
    %dma_start3A_57 = arith.constant 0 : i32
    %dma_start3A_58 = arith.constant 0 : i32
    %dma_start3A_59 = tpu.memref_slice %arg3[%dma_start3A_57, %dma_start3A_58] : memref<1000000x32xf32, #tpu.memory_space<hbm>> -> memref<1000000x32xf32, #tpu.memory_space<hbm>>
    tpu.enqueue_indirect_dma source(%dma_start3A_59 : memref<1000000x32xf32, #tpu.memory_space<hbm>>) target(%arg13 : memref<100x32xf32, #tpu.memory_space<vmem>>) offsets(%dma_start3A_56 : memref<100xi32, #tpu.memory_space<vmem>>) semaphore(%arg21 : memref<!tpu.dma_semaphore, #tpu.memory_space<semaphore_mem>>)
    %scan3A = arith.constant 0 : i32
    %scan3A_60 = arith.constant 0 : i32
    %scan3A_61 = arith.constant 31 : i32
    %scan3A_62 = arith.addi %scan3A_60, %scan3A_61 : i32
    %scan3A_63 = arith.constant 1 : i32
    scf.for %scan3A_664 = %scan3A_60 to %scan3A_62 step %scan3A_63  : i32 {
      %mul3A_665 = arith.constant 8 : i32
      %mul3A_666 = arith.muli %scan3A_664, %mul3A_665 : i32
      %dma_wait3A_667 = arith.constant 0 : i32
      %dma_wait3A_668 = arith.constant 0 : i32
      %dma_wait3A_669 = tpu.memref_slice %arg5[%dma_wait3A_667, %dma_wait3A_668] : memref<256x100xi32, #tpu.memory_space<vmem>> -> memref<1x100xi32, #tpu.memory_space<vmem>>
      %dma_wait3A_670 = tpu.memref_squeeze %dma_wait3A_669 : memref<1x100xi32, #tpu.memory_space<vmem>> -> memref<100xi32, #tpu.memory_space<vmem>>
      %dma_wait3A_671 = arith.constant 0 : i32
      %dma_wait3A_672 = arith.constant 0 : i32
      %dma_wait3A_673 = tpu.memref_slice %arg3[%dma_wait3A_671, %dma_wait3A_672] : memref<1000000x32xf32, #tpu.memory_space<hbm>> -> memref<1000000x32xf32, #tpu.memory_space<hbm>>
      tpu.wait_indirect_dma semaphore(%arg14 : memref<!tpu.dma_semaphore, #tpu.memory_space<semaphore_mem>>) src(%dma_wait3A_673 : memref<1000000x32xf32, #tpu.memory_space<hbm>>) dst(%arg6 : memref<100x32xf32, #tpu.memory_space<vmem>>)
      %add3A_674 = arith.constant 0 : i32
      %add3A_675 = arith.addi %mul3A_666, %add3A_674 : i32
      %mul3A_676 = arith.constant 2 : i32
      %mul3A_677 = arith.muli %add3A_675, %mul3A_676 : i32
      %add3A_678 = arith.addi %mul3A_2, %mul3A_677 : i32
      %add3A_679 = arith.constant 0 : i32
      %add3A_680 = arith.addi %add3A_678, %add3A_679 : i32
      %dma_start3A_681 = arith.constant 0 : i32
      %dma_start3A_682 = arith.constant 0 : i32
      %dma_start3A_683 = tpu.memref_slice %arg6[%dma_start3A_681, %dma_start3A_682] : memref<100x32xf32, #tpu.memory_space<vmem>> -> memref<50x32xf32, #tpu.memory_space<vmem>>
      %dma_start3A_684 = arith.constant 0 : i32
      %dma_start3A_685 = arith.constant 0 : i32
      %dma_start3A_686 = tpu.memref_slice %arg4[%add3A_680, %dma_start3A_684, %dma_start3A_685] : memref<16384x56x128xf32, #tpu.memory_space<hbm>> -> memref<1x50x32xf32, #tpu.memory_space<hbm>>
      %dma_start3A_687 = tpu.memref_squeeze %dma_start3A_686 : memref<1x50x32xf32, #tpu.memory_space<hbm>> -> memref<50x32xf32, #tpu.memory_space<hbm>>
      %dma_start3A_688 = arith.constant 0 : i32
      %dma_start3A_689 = arith.constant 0 : i32
      %dma_start3A_690 = tpu.memref_slice %arg4[%add3A_680, %dma_start3A_688, %dma_start3A_689] : memref<16384x56x128xf32, #tpu.memory_space<hbm>> -> memref<1x50x32xf32, #tpu.memory_space<hbm>>
      %dma_start3A_691 = tpu.memref_squeeze %dma_start3A_690 : memref<1x50x32xf32, #tpu.memory_space<hbm>> -> memref<50x32xf32, #tpu.memory_space<hbm>>
      %dma_start3A_692 = arith.constant 0 : i32
      %dma_start3A_693 = arith.constant 0 : i32
      %dma_start3A_694 = tpu.memref_slice %arg6[%dma_start3A_692, %dma_start3A_693] : memref<100x32xf32, #tpu.memory_space<vmem>> -> memref<50x32xf32, #tpu.memory_space<vmem>>
      tpu.enqueue_dma source(%dma_start3A_694 : memref<50x32xf32, #tpu.memory_space<vmem>>) target(%dma_start3A_691 : memref<50x32xf32, #tpu.memory_space<hbm>>) target_semaphore(%arg22 : memref<!tpu.dma_semaphore, #tpu.memory_space<semaphore_mem>>)
      %mul3A_695 = arith.constant 2 : i32
      %mul3A_696 = arith.muli %add3A_675, %mul3A_695 : i32
      %add3A_697 = arith.addi %mul3A_2, %mul3A_696 : i32
      %add3A_698 = arith.constant 1 : i32
      %add3A_699 = arith.addi %add3A_697, %add3A_698 : i32
      %dma_start3A_700 = arith.constant 50 : i32
      %dma_start3A_701 = arith.constant 0 : i32
      %dma_start3A_702 = tpu.memref_slice %arg6[%dma_start3A_700, %dma_start3A_701] : memref<100x32xf32, #tpu.memory_space<vmem>> -> memref<50x32xf32, #tpu.memory_space<vmem>>
      %dma_start3A_703 = arith.constant 0 : i32
      %dma_start3A_704 = arith.constant 0 : i32
      %dma_start3A_705 = tpu.memref_slice %arg4[%add3A_699, %dma_start3A_703, %dma_start3A_704] : memref<16384x56x128xf32, #tpu.memory_space<hbm>> -> memref<1x50x32xf32, #tpu.memory_space<hbm>>
      %dma_start3A_706 = tpu.memref_squeeze %dma_start3A_705 : memref<1x50x32xf32, #tpu.memory_space<hbm>> -> memref<50x32xf32, #tpu.memory_space<hbm>>
      %dma_start3A_707 = arith.constant 0 : i32
      %dma_start3A_708 = arith.constant 0 : i32
      %dma_start3A_709 = tpu.memref_slice %arg4[%add3A_699, %dma_start3A_707, %dma_start3A_708] : memref<16384x56x128xf32, #tpu.memory_space<hbm>> -> memref<1x50x32xf32, #tpu.memory_space<hbm>>
      %dma_start3A_710 = tpu.memref_squeeze %dma_start3A_709 : memref<1x50x32xf32, #tpu.memory_space<hbm>> -> memref<50x32xf32, #tpu.memory_space<hbm>>
      %dma_start3A_711 = arith.constant 50 : i32
      %dma_start3A_712 = arith.constant 0 : i32
      %dma_start3A_713 = tpu.memref_slice %arg6[%dma_start3A_711, %dma_start3A_712] : memref<100x32xf32, #tpu.memory_space<vmem>> -> memref<50x32xf32, #tpu.memory_space<vmem>>
      tpu.enqueue_dma source(%dma_start3A_713 : memref<50x32xf32, #tpu.memory_space<vmem>>) target(%dma_start3A_710 : memref<50x32xf32, #tpu.memory_space<hbm>>) target_semaphore(%arg22 : memref<!tpu.dma_semaphore, #tpu.memory_space<semaphore_mem>>)
      %dma_wait3A_714 = arith.constant 0 : i32
      %dma_wait3A_715 = arith.constant 0 : i32
      %dma_wait3A_716 = tpu.memref_slice %arg5[%dma_wait3A_714, %dma_wait3A_715] : memref<256x100xi32, #tpu.memory_space<vmem>> -> memref<1x100xi32, #tpu.memory_space<vmem>>
      %dma_wait3A_717 = tpu.memref_squeeze %dma_wait3A_716 : memref<1x100xi32, #tpu.memory_space<vmem>> -> memref<100xi32, #tpu.memory_space<vmem>>
      %dma_wait3A_718 = arith.constant 0 : i32
      %dma_wait3A_719 = arith.constant 0 : i32
      %dma_wait3A_720 = tpu.memref_slice %arg3[%dma_wait3A_718, %dma_wait3A_719] : memref<1000000x32xf32, #tpu.memory_space<hbm>> -> memref<1000000x32xf32, #tpu.memory_space<hbm>>
      tpu.wait_indirect_dma semaphore(%arg15 : memref<!tpu.dma_semaphore, #tpu.memory_space<semaphore_mem>>) src(%dma_wait3A_720 : memref<1000000x32xf32, #tpu.memory_space<hbm>>) dst(%arg7 : memref<100x32xf32, #tpu.memory_space<vmem>>)
      %add3A_721 = arith.constant 1 : i32
      %add3A_722 = arith.addi %mul3A_666, %add3A_721 : i32
      %mul3A_723 = arith.constant 2 : i32
      %mul3A_724 = arith.muli %add3A_722, %mul3A_723 : i32
      %add3A_725 = arith.addi %mul3A_2, %mul3A_724 : i32
      %add3A_726 = arith.constant 0 : i32
      %add3A_727 = arith.addi %add3A_725, %add3A_726 : i32
      %dma_start3A_728 = arith.constant 0 : i32
      %dma_start3A_729 = arith.constant 0 : i32
      %dma_start3A_730 = tpu.memref_slice %arg7[%dma_start3A_728, %dma_start3A_729] : memref<100x32xf32, #tpu.memory_space<vmem>> -> memref<50x32xf32, #tpu.memory_space<vmem>>
      %dma_start3A_731 = arith.constant 0 : i32
      %dma_start3A_732 = arith.constant 0 : i32
      %dma_start3A_733 = tpu.memref_slice %arg4[%add3A_727, %dma_start3A_731, %dma_start3A_732] : memref<16384x56x128xf32, #tpu.memory_space<hbm>> -> memref<1x50x32xf32, #tpu.memory_space<hbm>>
      %dma_start3A_734 = tpu.memref_squeeze %dma_start3A_733 : memref<1x50x32xf32, #tpu.memory_space<hbm>> -> memref<50x32xf32, #tpu.memory_space<hbm>>
      %dma_start3A_735 = arith.constant 0 : i32
      %dma_start3A_736 = arith.constant 0 : i32
      %dma_start3A_737 = tpu.memref_slice %arg4[%add3A_727, %dma_start3A_735, %dma_start3A_736] : memref<16384x56x128xf32, #tpu.memory_space<hbm>> -> memref<1x50x32xf32, #tpu.memory_space<hbm>>
      %dma_start3A_738 = tpu.memref_squeeze %dma_start3A_737 : memref<1x50x32xf32, #tpu.memory_space<hbm>> -> memref<50x32xf32, #tpu.memory_space<hbm>>
      %dma_start3A_739 = arith.constant 0 : i32
      %dma_start3A_740 = arith.constant 0 : i32
      %dma_start3A_741 = tpu.memref_slice %arg7[%dma_start3A_739, %dma_start3A_740] : memref<100x32xf32, #tpu.memory_space<vmem>> -> memref<50x32xf32, #tpu.memory_space<vmem>>
      tpu.enqueue_dma source(%dma_start3A_741 : memref<50x32xf32, #tpu.memory_space<vmem>>) target(%dma_start3A_738 : memref<50x32xf32, #tpu.memory_space<hbm>>) target_semaphore(%arg23 : memref<!tpu.dma_semaphore, #tpu.memory_space<semaphore_mem>>)
      %mul3A_742 = arith.constant 2 : i32
      %mul3A_743 = arith.muli %add3A_722, %mul3A_742 : i32
      %add3A_744 = arith.addi %mul3A_2, %mul3A_743 : i32
      %add3A_745 = arith.constant 1 : i32
      %add3A_746 = arith.addi %add3A_744, %add3A_745 : i32
      %dma_start3A_747 = arith.constant 50 : i32
      %dma_start3A_748 = arith.constant 0 : i32
      %dma_start3A_749 = tpu.memref_slice %arg7[%dma_start3A_747, %dma_start3A_748] : memref<100x32xf32, #tpu.memory_space<vmem>> -> memref<50x32xf32, #tpu.memory_space<vmem>>
      %dma_start3A_750 = arith.constant 0 : i32
      %dma_start3A_751 = arith.constant 0 : i32
      %dma_start3A_752 = tpu.memref_slice %arg4[%add3A_746, %dma_start3A_750, %dma_start3A_751] : memref<16384x56x128xf32, #tpu.memory_space<hbm>> -> memref<1x50x32xf32, #tpu.memory_space<hbm>>
      %dma_start3A_753 = tpu.memref_squeeze %dma_start3A_752 : memref<1x50x32xf32, #tpu.memory_space<hbm>> -> memref<50x32xf32, #tpu.memory_space<hbm>>
      %dma_start3A_754 = arith.constant 0 : i32
      %dma_start3A_755 = arith.constant 0 : i32
      %dma_start3A_756 = tpu.memref_slice %arg4[%add3A_746, %dma_start3A_754, %dma_start3A_755] : memref<16384x56x128xf32, #tpu.memory_space<hbm>> -> memref<1x50x32xf32, #tpu.memory_space<hbm>>
      %dma_start3A_757 = tpu.memref_squeeze %dma_start3A_756 : memref<1x50x32xf32, #tpu.memory_space<hbm>> -> memref<50x32xf32, #tpu.memory_space<hbm>>
      %dma_start3A_758 = arith.constant 50 : i32
      %dma_start3A_759 = arith.constant 0 : i32
      %dma_start3A_760 = tpu.memref_slice %arg7[%dma_start3A_758, %dma_start3A_759] : memref<100x32xf32, #tpu.memory_space<vmem>> -> memref<50x32xf32, #tpu.memory_space<vmem>>
      tpu.enqueue_dma source(%dma_start3A_760 : memref<50x32xf32, #tpu.memory_space<vmem>>) target(%dma_start3A_757 : memref<50x32xf32, #tpu.memory_space<hbm>>) target_semaphore(%arg23 : memref<!tpu.dma_semaphore, #tpu.memory_space<semaphore_mem>>)
      %dma_wait3A_761 = arith.constant 0 : i32
      %dma_wait3A_762 = arith.constant 0 : i32
      %dma_wait3A_763 = tpu.memref_slice %arg5[%dma_wait3A_761, %dma_wait3A_762] : memref<256x100xi32, #tpu.memory_space<vmem>> -> memref<1x100xi32, #tpu.memory_space<vmem>>
      %dma_wait3A_764 = tpu.memref_squeeze %dma_wait3A_763 : memref<1x100xi32, #tpu.memory_space<vmem>> -> memref<100xi32, #tpu.memory_space<vmem>>
      %dma_wait3A_765 = arith.constant 0 : i32
      %dma_wait3A_766 = arith.constant 0 : i32
      %dma_wait3A_767 = tpu.memref_slice %arg3[%dma_wait3A_765, %dma_wait3A_766] : memref<1000000x32xf32, #tpu.memory_space<hbm>> -> memref<1000000x32xf32, #tpu.memory_space<hbm>>
      tpu.wait_indirect_dma semaphore(%arg16 : memref<!tpu.dma_semaphore, #tpu.memory_space<semaphore_mem>>) src(%dma_wait3A_767 : memref<1000000x32xf32, #tpu.memory_space<hbm>>) dst(%arg8 : memref<100x32xf32, #tpu.memory_space<vmem>>)
      %add3A_768 = arith.constant 2 : i32
      %add3A_769 = arith.addi %mul3A_666, %add3A_768 : i32
      %mul3A_770 = arith.constant 2 : i32
      %mul3A_771 = arith.muli %add3A_769, %mul3A_770 : i32
      %add3A_772 = arith.addi %mul3A_2, %mul3A_771 : i32
      %add3A_773 = arith.constant 0 : i32
      %add3A_774 = arith.addi %add3A_772, %add3A_773 : i32
      %dma_start3A_775 = arith.constant 0 : i32
      %dma_start3A_776 = arith.constant 0 : i32
      %dma_start3A_777 = tpu.memref_slice %arg8[%dma_start3A_775, %dma_start3A_776] : memref<100x32xf32, #tpu.memory_space<vmem>> -> memref<50x32xf32, #tpu.memory_space<vmem>>
      %dma_start3A_778 = arith.constant 0 : i32
      %dma_start3A_779 = arith.constant 0 : i32
      %dma_start3A_780 = tpu.memref_slice %arg4[%add3A_774, %dma_start3A_778, %dma_start3A_779] : memref<16384x56x128xf32, #tpu.memory_space<hbm>> -> memref<1x50x32xf32, #tpu.memory_space<hbm>>
      %dma_start3A_781 = tpu.memref_squeeze %dma_start3A_780 : memref<1x50x32xf32, #tpu.memory_space<hbm>> -> memref<50x32xf32, #tpu.memory_space<hbm>>
      %dma_start3A_782 = arith.constant 0 : i32
      %dma_start3A_783 = arith.constant 0 : i32
      %dma_start3A_784 = tpu.memref_slice %arg4[%add3A_774, %dma_start3A_782, %dma_start3A_783] : memref<16384x56x128xf32, #tpu.memory_space<hbm>> -> memref<1x50x32xf32, #tpu.memory_space<hbm>>
      %dma_start3A_785 = tpu.memref_squeeze %dma_start3A_784 : memref<1x50x32xf32, #tpu.memory_space<hbm>> -> memref<50x32xf32, #tpu.memory_space<hbm>>
      %dma_start3A_786 = arith.constant 0 : i32
      %dma_start3A_787 = arith.constant 0 : i32
      %dma_start3A_788 = tpu.memref_slice %arg8[%dma_start3A_786, %dma_start3A_787] : memref<100x32xf32, #tpu.memory_space<vmem>> -> memref<50x32xf32, #tpu.memory_space<vmem>>
      tpu.enqueue_dma source(%dma_start3A_788 : memref<50x32xf32, #tpu.memory_space<vmem>>) target(%dma_start3A_785 : memref<50x32xf32, #tpu.memory_space<hbm>>) target_semaphore(%arg24 : memref<!tpu.dma_semaphore, #tpu.memory_space<semaphore_mem>>)
      %mul3A_789 = arith.constant 2 : i32
      %mul3A_790 = arith.muli %add3A_769, %mul3A_789 : i32
      %add3A_791 = arith.addi %mul3A_2, %mul3A_790 : i32
      %add3A_792 = arith.constant 1 : i32
      %add3A_793 = arith.addi %add3A_791, %add3A_792 : i32
      %dma_start3A_794 = arith.constant 50 : i32
      %dma_start3A_795 = arith.constant 0 : i32
      %dma_start3A_796 = tpu.memref_slice %arg8[%dma_start3A_794, %dma_start3A_795] : memref<100x32xf32, #tpu.memory_space<vmem>> -> memref<50x32xf32, #tpu.memory_space<vmem>>
      %dma_start3A_797 = arith.constant 0 : i32
      %dma_start3A_798 = arith.constant 0 : i32
      %dma_start3A_799 = tpu.memref_slice %arg4[%add3A_793, %dma_start3A_797, %dma_start3A_798] : memref<16384x56x128xf32, #tpu.memory_space<hbm>> -> memref<1x50x32xf32, #tpu.memory_space<hbm>>
      %dma_start3A_800 = tpu.memref_squeeze %dma_start3A_799 : memref<1x50x32xf32, #tpu.memory_space<hbm>> -> memref<50x32xf32, #tpu.memory_space<hbm>>
      %dma_start3A_801 = arith.constant 0 : i32
      %dma_start3A_802 = arith.constant 0 : i32
      %dma_start3A_803 = tpu.memref_slice %arg4[%add3A_793, %dma_start3A_801, %dma_start3A_802] : memref<16384x56x128xf32, #tpu.memory_space<hbm>> -> memref<1x50x32xf32, #tpu.memory_space<hbm>>
      %dma_start3A_804 = tpu.memref_squeeze %dma_start3A_803 : memref<1x50x32xf32, #tpu.memory_space<hbm>> -> memref<50x32xf32, #tpu.memory_space<hbm>>
      %dma_start3A_805 = arith.constant 50 : i32
      %dma_start3A_806 = arith.constant 0 : i32
      %dma_start3A_807 = tpu.memref_slice %arg8[%dma_start3A_805, %dma_start3A_806] : memref<100x32xf32, #tpu.memory_space<vmem>> -> memref<50x32xf32, #tpu.memory_space<vmem>>
      tpu.enqueue_dma source(%dma_start3A_807 : memref<50x32xf32, #tpu.memory_space<vmem>>) target(%dma_start3A_804 : memref<50x32xf32, #tpu.memory_space<hbm>>) target_semaphore(%arg24 : memref<!tpu.dma_semaphore, #tpu.memory_space<semaphore_mem>>)
      %dma_wait3A_808 = arith.constant 0 : i32
      %dma_wait3A_809 = arith.constant 0 : i32
      %dma_wait3A_810 = tpu.memref_slice %arg5[%dma_wait3A_808, %dma_wait3A_809] : memref<256x100xi32, #tpu.memory_space<vmem>> -> memref<1x100xi32, #tpu.memory_space<vmem>>
      %dma_wait3A_811 = tpu.memref_squeeze %dma_wait3A_810 : memref<1x100xi32, #tpu.memory_space<vmem>> -> memref<100xi32, #tpu.memory_space<vmem>>
      %dma_wait3A_812 = arith.constant 0 : i32
      %dma_wait3A_813 = arith.constant 0 : i32
      %dma_wait3A_814 = tpu.memref_slice %arg3[%dma_wait3A_812, %dma_wait3A_813] : memref<1000000x32xf32, #tpu.memory_space<hbm>> -> memref<1000000x32xf32, #tpu.memory_space<hbm>>
      tpu.wait_indirect_dma semaphore(%arg17 : memref<!tpu.dma_semaphore, #tpu.memory_space<semaphore_mem>>) src(%dma_wait3A_814 : memref<1000000x32xf32, #tpu.memory_space<hbm>>) dst(%arg9 : memref<100x32xf32, #tpu.memory_space<vmem>>)
      %add3A_815 = arith.constant 3 : i32
      %add3A_816 = arith.addi %mul3A_666, %add3A_815 : i32
      %mul3A_817 = arith.constant 2 : i32
      %mul3A_818 = arith.muli %add3A_816, %mul3A_817 : i32
      %add3A_819 = arith.addi %mul3A_2, %mul3A_818 : i32
      %add3A_820 = arith.constant 0 : i32
      %add3A_821 = arith.addi %add3A_819, %add3A_820 : i32
      %dma_start3A_822 = arith.constant 0 : i32
      %dma_start3A_823 = arith.constant 0 : i32
      %dma_start3A_824 = tpu.memref_slice %arg9[%dma_start3A_822, %dma_start3A_823] : memref<100x32xf32, #tpu.memory_space<vmem>> -> memref<50x32xf32, #tpu.memory_space<vmem>>
      %dma_start3A_825 = arith.constant 0 : i32
      %dma_start3A_826 = arith.constant 0 : i32
      %dma_start3A_827 = tpu.memref_slice %arg4[%add3A_821, %dma_start3A_825, %dma_start3A_826] : memref<16384x56x128xf32, #tpu.memory_space<hbm>> -> memref<1x50x32xf32, #tpu.memory_space<hbm>>
      %dma_start3A_828 = tpu.memref_squeeze %dma_start3A_827 : memref<1x50x32xf32, #tpu.memory_space<hbm>> -> memref<50x32xf32, #tpu.memory_space<hbm>>
      %dma_start3A_829 = arith.constant 0 : i32
      %dma_start3A_830 = arith.constant 0 : i32
      %dma_start3A_831 = tpu.memref_slice %arg4[%add3A_821, %dma_start3A_829, %dma_start3A_830] : memref<16384x56x128xf32, #tpu.memory_space<hbm>> -> memref<1x50x32xf32, #tpu.memory_space<hbm>>
      %dma_start3A_832 = tpu.memref_squeeze %dma_start3A_831 : memref<1x50x32xf32, #tpu.memory_space<hbm>> -> memref<50x32xf32, #tpu.memory_space<hbm>>
      %dma_start3A_833 = arith.constant 0 : i32
      %dma_start3A_834 = arith.constant 0 : i32
      %dma_start3A_835 = tpu.memref_slice %arg9[%dma_start3A_833, %dma_start3A_834] : memref<100x32xf32, #tpu.memory_space<vmem>> -> memref<50x32xf32, #tpu.memory_space<vmem>>
      tpu.enqueue_dma source(%dma_start3A_835 : memref<50x32xf32, #tpu.memory_space<vmem>>) target(%dma_start3A_832 : memref<50x32xf32, #tpu.memory_space<hbm>>) target_semaphore(%arg25 : memref<!tpu.dma_semaphore, #tpu.memory_space<semaphore_mem>>)
      %mul3A_836 = arith.constant 2 : i32
      %mul3A_837 = arith.muli %add3A_816, %mul3A_836 : i32
      %add3A_838 = arith.addi %mul3A_2, %mul3A_837 : i32
      %add3A_839 = arith.constant 1 : i32
      %add3A_840 = arith.addi %add3A_838, %add3A_839 : i32
      %dma_start3A_841 = arith.constant 50 : i32
      %dma_start3A_842 = arith.constant 0 : i32
      %dma_start3A_843 = tpu.memref_slice %arg9[%dma_start3A_841, %dma_start3A_842] : memref<100x32xf32, #tpu.memory_space<vmem>> -> memref<50x32xf32, #tpu.memory_space<vmem>>
      %dma_start3A_844 = arith.constant 0 : i32
      %dma_start3A_845 = arith.constant 0 : i32
      %dma_start3A_846 = tpu.memref_slice %arg4[%add3A_840, %dma_start3A_844, %dma_start3A_845] : memref<16384x56x128xf32, #tpu.memory_space<hbm>> -> memref<1x50x32xf32, #tpu.memory_space<hbm>>
      %dma_start3A_847 = tpu.memref_squeeze %dma_start3A_846 : memref<1x50x32xf32, #tpu.memory_space<hbm>> -> memref<50x32xf32, #tpu.memory_space<hbm>>
      %dma_start3A_848 = arith.constant 0 : i32
      %dma_start3A_849 = arith.constant 0 : i32
      %dma_start3A_850 = tpu.memref_slice %arg4[%add3A_840, %dma_start3A_848, %dma_start3A_849] : memref<16384x56x128xf32, #tpu.memory_space<hbm>> -> memref<1x50x32xf32, #tpu.memory_space<hbm>>
      %dma_start3A_851 = tpu.memref_squeeze %dma_start3A_850 : memref<1x50x32xf32, #tpu.memory_space<hbm>> -> memref<50x32xf32, #tpu.memory_space<hbm>>
      %dma_start3A_852 = arith.constant 50 : i32
      %dma_start3A_853 = arith.constant 0 : i32
      %dma_start3A_854 = tpu.memref_slice %arg9[%dma_start3A_852, %dma_start3A_853] : memref<100x32xf32, #tpu.memory_space<vmem>> -> memref<50x32xf32, #tpu.memory_space<vmem>>
      tpu.enqueue_dma source(%dma_start3A_854 : memref<50x32xf32, #tpu.memory_space<vmem>>) target(%dma_start3A_851 : memref<50x32xf32, #tpu.memory_space<hbm>>) target_semaphore(%arg25 : memref<!tpu.dma_semaphore, #tpu.memory_space<semaphore_mem>>)
      %dma_wait3A_855 = arith.constant 0 : i32
      %dma_wait3A_856 = arith.constant 0 : i32
      %dma_wait3A_857 = tpu.memref_slice %arg5[%dma_wait3A_855, %dma_wait3A_856] : memref<256x100xi32, #tpu.memory_space<vmem>> -> memref<1x100xi32, #tpu.memory_space<vmem>>
      %dma_wait3A_858 = tpu.memref_squeeze %dma_wait3A_857 : memref<1x100xi32, #tpu.memory_space<vmem>> -> memref<100xi32, #tpu.memory_space<vmem>>
      %dma_wait3A_859 = arith.constant 0 : i32
      %dma_wait3A_860 = arith.constant 0 : i32
      %dma_wait3A_861 = tpu.memref_slice %arg3[%dma_wait3A_859, %dma_wait3A_860] : memref<1000000x32xf32, #tpu.memory_space<hbm>> -> memref<1000000x32xf32, #tpu.memory_space<hbm>>
      tpu.wait_indirect_dma semaphore(%arg18 : memref<!tpu.dma_semaphore, #tpu.memory_space<semaphore_mem>>) src(%dma_wait3A_861 : memref<1000000x32xf32, #tpu.memory_space<hbm>>) dst(%arg10 : memref<100x32xf32, #tpu.memory_space<vmem>>)
      %add3A_862 = arith.constant 4 : i32
      %add3A_863 = arith.addi %mul3A_666, %add3A_862 : i32
      %mul3A_864 = arith.constant 2 : i32
      %mul3A_865 = arith.muli %add3A_863, %mul3A_864 : i32
      %add3A_866 = arith.addi %mul3A_2, %mul3A_865 : i32
      %add3A_867 = arith.constant 0 : i32
      %add3A_868 = arith.addi %add3A_866, %add3A_867 : i32
      %dma_start3A_869 = arith.constant 0 : i32
      %dma_start3A_870 = arith.constant 0 : i32
      %dma_start3A_871 = tpu.memref_slice %arg10[%dma_start3A_869, %dma_start3A_870] : memref<100x32xf32, #tpu.memory_space<vmem>> -> memref<50x32xf32, #tpu.memory_space<vmem>>
      %dma_start3A_872 = arith.constant 0 : i32
      %dma_start3A_873 = arith.constant 0 : i32
      %dma_start3A_874 = tpu.memref_slice %arg4[%add3A_868, %dma_start3A_872, %dma_start3A_873] : memref<16384x56x128xf32, #tpu.memory_space<hbm>> -> memref<1x50x32xf32, #tpu.memory_space<hbm>>
      %dma_start3A_875 = tpu.memref_squeeze %dma_start3A_874 : memref<1x50x32xf32, #tpu.memory_space<hbm>> -> memref<50x32xf32, #tpu.memory_space<hbm>>
      %dma_start3A_876 = arith.constant 0 : i32
      %dma_start3A_877 = arith.constant 0 : i32
      %dma_start3A_878 = tpu.memref_slice %arg4[%add3A_868, %dma_start3A_876, %dma_start3A_877] : memref<16384x56x128xf32, #tpu.memory_space<hbm>> -> memref<1x50x32xf32, #tpu.memory_space<hbm>>
      %dma_start3A_879 = tpu.memref_squeeze %dma_start3A_878 : memref<1x50x32xf32, #tpu.memory_space<hbm>> -> memref<50x32xf32, #tpu.memory_space<hbm>>
      %dma_start3A_880 = arith.constant 0 : i32
      %dma_start3A_881 = arith.constant 0 : i32
      %dma_start3A_882 = tpu.memref_slice %arg10[%dma_start3A_880, %dma_start3A_881] : memref<100x32xf32, #tpu.memory_space<vmem>> -> memref<50x32xf32, #tpu.memory_space<vmem>>
      tpu.enqueue_dma source(%dma_start3A_882 : memref<50x32xf32, #tpu.memory_space<vmem>>) target(%dma_start3A_879 : memref<50x32xf32, #tpu.memory_space<hbm>>) target_semaphore(%arg26 : memref<!tpu.dma_semaphore, #tpu.memory_space<semaphore_mem>>)
      %mul3A_883 = arith.constant 2 : i32
      %mul3A_884 = arith.muli %add3A_863, %mul3A_883 : i32
      %add3A_885 = arith.addi %mul3A_2, %mul3A_884 : i32
      %add3A_886 = arith.constant 1 : i32
      %add3A_887 = arith.addi %add3A_885, %add3A_886 : i32
      %dma_start3A_888 = arith.constant 50 : i32
      %dma_start3A_889 = arith.constant 0 : i32
      %dma_start3A_890 = tpu.memref_slice %arg10[%dma_start3A_888, %dma_start3A_889] : memref<100x32xf32, #tpu.memory_space<vmem>> -> memref<50x32xf32, #tpu.memory_space<vmem>>
      %dma_start3A_891 = arith.constant 0 : i32
      %dma_start3A_892 = arith.constant 0 : i32
      %dma_start3A_893 = tpu.memref_slice %arg4[%add3A_887, %dma_start3A_891, %dma_start3A_892] : memref<16384x56x128xf32, #tpu.memory_space<hbm>> -> memref<1x50x32xf32, #tpu.memory_space<hbm>>
      %dma_start3A_894 = tpu.memref_squeeze %dma_start3A_893 : memref<1x50x32xf32, #tpu.memory_space<hbm>> -> memref<50x32xf32, #tpu.memory_space<hbm>>
      %dma_start3A_895 = arith.constant 0 : i32
      %dma_start3A_896 = arith.constant 0 : i32
      %dma_start3A_897 = tpu.memref_slice %arg4[%add3A_887, %dma_start3A_895, %dma_start3A_896] : memref<16384x56x128xf32, #tpu.memory_space<hbm>> -> memref<1x50x32xf32, #tpu.memory_space<hbm>>
      %dma_start3A_898 = tpu.memref_squeeze %dma_start3A_897 : memref<1x50x32xf32, #tpu.memory_space<hbm>> -> memref<50x32xf32, #tpu.memory_space<hbm>>
      %dma_start3A_899 = arith.constant 50 : i32
      %dma_start3A_900 = arith.constant 0 : i32
      %dma_start3A_901 = tpu.memref_slice %arg10[%dma_start3A_899, %dma_start3A_900] : memref<100x32xf32, #tpu.memory_space<vmem>> -> memref<50x32xf32, #tpu.memory_space<vmem>>
      tpu.enqueue_dma source(%dma_start3A_901 : memref<50x32xf32, #tpu.memory_space<vmem>>) target(%dma_start3A_898 : memref<50x32xf32, #tpu.memory_space<hbm>>) target_semaphore(%arg26 : memref<!tpu.dma_semaphore, #tpu.memory_space<semaphore_mem>>)
      %dma_wait3A_902 = arith.constant 0 : i32
      %dma_wait3A_903 = arith.constant 0 : i32
      %dma_wait3A_904 = tpu.memref_slice %arg5[%dma_wait3A_902, %dma_wait3A_903] : memref<256x100xi32, #tpu.memory_space<vmem>> -> memref<1x100xi32, #tpu.memory_space<vmem>>
      %dma_wait3A_905 = tpu.memref_squeeze %dma_wait3A_904 : memref<1x100xi32, #tpu.memory_space<vmem>> -> memref<100xi32, #tpu.memory_space<vmem>>
      %dma_wait3A_906 = arith.constant 0 : i32
      %dma_wait3A_907 = arith.constant 0 : i32
      %dma_wait3A_908 = tpu.memref_slice %arg3[%dma_wait3A_906, %dma_wait3A_907] : memref<1000000x32xf32, #tpu.memory_space<hbm>> -> memref<1000000x32xf32, #tpu.memory_space<hbm>>
      tpu.wait_indirect_dma semaphore(%arg19 : memref<!tpu.dma_semaphore, #tpu.memory_space<semaphore_mem>>) src(%dma_wait3A_908 : memref<1000000x32xf32, #tpu.memory_space<hbm>>) dst(%arg11 : memref<100x32xf32, #tpu.memory_space<vmem>>)
      %add3A_909 = arith.constant 5 : i32
      %add3A_910 = arith.addi %mul3A_666, %add3A_909 : i32
      %mul3A_911 = arith.constant 2 : i32
      %mul3A_912 = arith.muli %add3A_910, %mul3A_911 : i32
      %add3A_913 = arith.addi %mul3A_2, %mul3A_912 : i32
      %add3A_914 = arith.constant 0 : i32
      %add3A_915 = arith.addi %add3A_913, %add3A_914 : i32
      %dma_start3A_916 = arith.constant 0 : i32
      %dma_start3A_917 = arith.constant 0 : i32
      %dma_start3A_918 = tpu.memref_slice %arg11[%dma_start3A_916, %dma_start3A_917] : memref<100x32xf32, #tpu.memory_space<vmem>> -> memref<50x32xf32, #tpu.memory_space<vmem>>
      %dma_start3A_919 = arith.constant 0 : i32
      %dma_start3A_920 = arith.constant 0 : i32
      %dma_start3A_921 = tpu.memref_slice %arg4[%add3A_915, %dma_start3A_919, %dma_start3A_920] : memref<16384x56x128xf32, #tpu.memory_space<hbm>> -> memref<1x50x32xf32, #tpu.memory_space<hbm>>
      %dma_start3A_922 = tpu.memref_squeeze %dma_start3A_921 : memref<1x50x32xf32, #tpu.memory_space<hbm>> -> memref<50x32xf32, #tpu.memory_space<hbm>>
      %dma_start3A_923 = arith.constant 0 : i32
      %dma_start3A_924 = arith.constant 0 : i32
      %dma_start3A_925 = tpu.memref_slice %arg4[%add3A_915, %dma_start3A_923, %dma_start3A_924] : memref<16384x56x128xf32, #tpu.memory_space<hbm>> -> memref<1x50x32xf32, #tpu.memory_space<hbm>>
      %dma_start3A_926 = tpu.memref_squeeze %dma_start3A_925 : memref<1x50x32xf32, #tpu.memory_space<hbm>> -> memref<50x32xf32, #tpu.memory_space<hbm>>
      %dma_start3A_927 = arith.constant 0 : i32
      %dma_start3A_928 = arith.constant 0 : i32
      %dma_start3A_929 = tpu.memref_slice %arg11[%dma_start3A_927, %dma_start3A_928] : memref<100x32xf32, #tpu.memory_space<vmem>> -> memref<50x32xf32, #tpu.memory_space<vmem>>
      tpu.enqueue_dma source(%dma_start3A_929 : memref<50x32xf32, #tpu.memory_space<vmem>>) target(%dma_start3A_926 : memref<50x32xf32, #tpu.memory_space<hbm>>) target_semaphore(%arg27 : memref<!tpu.dma_semaphore, #tpu.memory_space<semaphore_mem>>)
      %mul3A_930 = arith.constant 2 : i32
      %mul3A_931 = arith.muli %add3A_910, %mul3A_930 : i32
      %add3A_932 = arith.addi %mul3A_2, %mul3A_931 : i32
      %add3A_933 = arith.constant 1 : i32
      %add3A_934 = arith.addi %add3A_932, %add3A_933 : i32
      %dma_start3A_935 = arith.constant 50 : i32
      %dma_start3A_936 = arith.constant 0 : i32
      %dma_start3A_937 = tpu.memref_slice %arg11[%dma_start3A_935, %dma_start3A_936] : memref<100x32xf32, #tpu.memory_space<vmem>> -> memref<50x32xf32, #tpu.memory_space<vmem>>
      %dma_start3A_938 = arith.constant 0 : i32
      %dma_start3A_939 = arith.constant 0 : i32
      %dma_start3A_940 = tpu.memref_slice %arg4[%add3A_934, %dma_start3A_938, %dma_start3A_939] : memref<16384x56x128xf32, #tpu.memory_space<hbm>> -> memref<1x50x32xf32, #tpu.memory_space<hbm>>
      %dma_start3A_941 = tpu.memref_squeeze %dma_start3A_940 : memref<1x50x32xf32, #tpu.memory_space<hbm>> -> memref<50x32xf32, #tpu.memory_space<hbm>>
      %dma_start3A_942 = arith.constant 0 : i32
      %dma_start3A_943 = arith.constant 0 : i32
      %dma_start3A_944 = tpu.memref_slice %arg4[%add3A_934, %dma_start3A_942, %dma_start3A_943] : memref<16384x56x128xf32, #tpu.memory_space<hbm>> -> memref<1x50x32xf32, #tpu.memory_space<hbm>>
      %dma_start3A_945 = tpu.memref_squeeze %dma_start3A_944 : memref<1x50x32xf32, #tpu.memory_space<hbm>> -> memref<50x32xf32, #tpu.memory_space<hbm>>
      %dma_start3A_946 = arith.constant 50 : i32
      %dma_start3A_947 = arith.constant 0 : i32
      %dma_start3A_948 = tpu.memref_slice %arg11[%dma_start3A_946, %dma_start3A_947] : memref<100x32xf32, #tpu.memory_space<vmem>> -> memref<50x32xf32, #tpu.memory_space<vmem>>
      tpu.enqueue_dma source(%dma_start3A_948 : memref<50x32xf32, #tpu.memory_space<vmem>>) target(%dma_start3A_945 : memref<50x32xf32, #tpu.memory_space<hbm>>) target_semaphore(%arg27 : memref<!tpu.dma_semaphore, #tpu.memory_space<semaphore_mem>>)
      %dma_wait3A_949 = arith.constant 0 : i32
      %dma_wait3A_950 = arith.constant 0 : i32
      %dma_wait3A_951 = tpu.memref_slice %arg5[%dma_wait3A_949, %dma_wait3A_950] : memref<256x100xi32, #tpu.memory_space<vmem>> -> memref<1x100xi32, #tpu.memory_space<vmem>>
      %dma_wait3A_952 = tpu.memref_squeeze %dma_wait3A_951 : memref<1x100xi32, #tpu.memory_space<vmem>> -> memref<100xi32, #tpu.memory_space<vmem>>
      %dma_wait3A_953 = arith.constant 0 : i32
      %dma_wait3A_954 = arith.constant 0 : i32
      %dma_wait3A_955 = tpu.memref_slice %arg3[%dma_wait3A_953, %dma_wait3A_954] : memref<1000000x32xf32, #tpu.memory_space<hbm>> -> memref<1000000x32xf32, #tpu.memory_space<hbm>>
      tpu.wait_indirect_dma semaphore(%arg20 : memref<!tpu.dma_semaphore, #tpu.memory_space<semaphore_mem>>) src(%dma_wait3A_955 : memref<1000000x32xf32, #tpu.memory_space<hbm>>) dst(%arg12 : memref<100x32xf32, #tpu.memory_space<vmem>>)
      %add3A_956 = arith.constant 6 : i32
      %add3A_957 = arith.addi %mul3A_666, %add3A_956 : i32
      %mul3A_958 = arith.constant 2 : i32
      %mul3A_959 = arith.muli %add3A_957, %mul3A_958 : i32
      %add3A_960 = arith.addi %mul3A_2, %mul3A_959 : i32
      %add3A_961 = arith.constant 0 : i32
      %add3A_962 = arith.addi %add3A_960, %add3A_961 : i32
      %dma_start3A_963 = arith.constant 0 : i32
      %dma_start3A_964 = arith.constant 0 : i32
      %dma_start3A_965 = tpu.memref_slice %arg12[%dma_start3A_963, %dma_start3A_964] : memref<100x32xf32, #tpu.memory_space<vmem>> -> memref<50x32xf32, #tpu.memory_space<vmem>>
      %dma_start3A_966 = arith.constant 0 : i32
      %dma_start3A_967 = arith.constant 0 : i32
      %dma_start3A_968 = tpu.memref_slice %arg4[%add3A_962, %dma_start3A_966, %dma_start3A_967] : memref<16384x56x128xf32, #tpu.memory_space<hbm>> -> memref<1x50x32xf32, #tpu.memory_space<hbm>>
      %dma_start3A_969 = tpu.memref_squeeze %dma_start3A_968 : memref<1x50x32xf32, #tpu.memory_space<hbm>> -> memref<50x32xf32, #tpu.memory_space<hbm>>
      %dma_start3A_970 = arith.constant 0 : i32
      %dma_start3A_971 = arith.constant 0 : i32
      %dma_start3A_972 = tpu.memref_slice %arg4[%add3A_962, %dma_start3A_970, %dma_start3A_971] : memref<16384x56x128xf32, #tpu.memory_space<hbm>> -> memref<1x50x32xf32, #tpu.memory_space<hbm>>
      %dma_start3A_973 = tpu.memref_squeeze %dma_start3A_972 : memref<1x50x32xf32, #tpu.memory_space<hbm>> -> memref<50x32xf32, #tpu.memory_space<hbm>>
      %dma_start3A_974 = arith.constant 0 : i32
      %dma_start3A_975 = arith.constant 0 : i32
      %dma_start3A_976 = tpu.memref_slice %arg12[%dma_start3A_974, %dma_start3A_975] : memref<100x32xf32, #tpu.memory_space<vmem>> -> memref<50x32xf32, #tpu.memory_space<vmem>>
      tpu.enqueue_dma source(%dma_start3A_976 : memref<50x32xf32, #tpu.memory_space<vmem>>) target(%dma_start3A_973 : memref<50x32xf32, #tpu.memory_space<hbm>>) target_semaphore(%arg28 : memref<!tpu.dma_semaphore, #tpu.memory_space<semaphore_mem>>)
      %mul3A_977 = arith.constant 2 : i32
      %mul3A_978 = arith.muli %add3A_957, %mul3A_977 : i32
      %add3A_979 = arith.addi %mul3A_2, %mul3A_978 : i32
      %add3A_980 = arith.constant 1 : i32
      %add3A_981 = arith.addi %add3A_979, %add3A_980 : i32
      %dma_start3A_982 = arith.constant 50 : i32
      %dma_start3A_983 = arith.constant 0 : i32
      %dma_start3A_984 = tpu.memref_slice %arg12[%dma_start3A_982, %dma_start3A_983] : memref<100x32xf32, #tpu.memory_space<vmem>> -> memref<50x32xf32, #tpu.memory_space<vmem>>
      %dma_start3A_985 = arith.constant 0 : i32
      %dma_start3A_986 = arith.constant 0 : i32
      %dma_start3A_987 = tpu.memref_slice %arg4[%add3A_981, %dma_start3A_985, %dma_start3A_986] : memref<16384x56x128xf32, #tpu.memory_space<hbm>> -> memref<1x50x32xf32, #tpu.memory_space<hbm>>
      %dma_start3A_988 = tpu.memref_squeeze %dma_start3A_987 : memref<1x50x32xf32, #tpu.memory_space<hbm>> -> memref<50x32xf32, #tpu.memory_space<hbm>>
      %dma_start3A_989 = arith.constant 0 : i32
      %dma_start3A_990 = arith.constant 0 : i32
      %dma_start3A_991 = tpu.memref_slice %arg4[%add3A_981, %dma_start3A_989, %dma_start3A_990] : memref<16384x56x128xf32, #tpu.memory_space<hbm>> -> memref<1x50x32xf32, #tpu.memory_space<hbm>>
      %dma_start3A_992 = tpu.memref_squeeze %dma_start3A_991 : memref<1x50x32xf32, #tpu.memory_space<hbm>> -> memref<50x32xf32, #tpu.memory_space<hbm>>
      %dma_start3A_993 = arith.constant 50 : i32
      %dma_start3A_994 = arith.constant 0 : i32
      %dma_start3A_995 = tpu.memref_slice %arg12[%dma_start3A_993, %dma_start3A_994] : memref<100x32xf32, #tpu.memory_space<vmem>> -> memref<50x32xf32, #tpu.memory_space<vmem>>
      tpu.enqueue_dma source(%dma_start3A_995 : memref<50x32xf32, #tpu.memory_space<vmem>>) target(%dma_start3A_992 : memref<50x32xf32, #tpu.memory_space<hbm>>) target_semaphore(%arg28 : memref<!tpu.dma_semaphore, #tpu.memory_space<semaphore_mem>>)
      %dma_wait3A_996 = arith.constant 0 : i32
      %dma_wait3A_997 = arith.constant 0 : i32
      %dma_wait3A_998 = tpu.memref_slice %arg5[%dma_wait3A_996, %dma_wait3A_997] : memref<256x100xi32, #tpu.memory_space<vmem>> -> memref<1x100xi32, #tpu.memory_space<vmem>>
      %dma_wait3A_999 = tpu.memref_squeeze %dma_wait3A_998 : memref<1x100xi32, #tpu.memory_space<vmem>> -> memref<100xi32, #tpu.memory_space<vmem>>
      %dma_wait3A_1000 = arith.constant 0 : i32
      %dma_wait3A_1001 = arith.constant 0 : i32
      %dma_wait3A_1002 = tpu.memref_slice %arg3[%dma_wait3A_1000, %dma_wait3A_1001] : memref<1000000x32xf32, #tpu.memory_space<hbm>> -> memref<1000000x32xf32, #tpu.memory_space<hbm>>
      tpu.wait_indirect_dma semaphore(%arg21 : memref<!tpu.dma_semaphore, #tpu.memory_space<semaphore_mem>>) src(%dma_wait3A_1002 : memref<1000000x32xf32, #tpu.memory_space<hbm>>) dst(%arg13 : memref<100x32xf32, #tpu.memory_space<vmem>>)
      %add3A_1003 = arith.constant 7 : i32
      %add3A_1004 = arith.addi %mul3A_666, %add3A_1003 : i32
      %mul3A_1005 = arith.constant 2 : i32
      %mul3A_1006 = arith.muli %add3A_1004, %mul3A_1005 : i32
      %add3A_1007 = arith.addi %mul3A_2, %mul3A_1006 : i32
      %add3A_1008 = arith.constant 0 : i32
      %add3A_1009 = arith.addi %add3A_1007, %add3A_1008 : i32
      %dma_start3A_1010 = arith.constant 0 : i32
      %dma_start3A_1011 = arith.constant 0 : i32
      %dma_start3A_1012 = tpu.memref_slice %arg13[%dma_start3A_1010, %dma_start3A_1011] : memref<100x32xf32, #tpu.memory_space<vmem>> -> memref<50x32xf32, #tpu.memory_space<vmem>>
      %dma_start3A_1013 = arith.constant 0 : i32
      %dma_start3A_1014 = arith.constant 0 : i32
      %dma_start3A_1015 = tpu.memref_slice %arg4[%add3A_1009, %dma_start3A_1013, %dma_start3A_1014] : memref<16384x56x128xf32, #tpu.memory_space<hbm>> -> memref<1x50x32xf32, #tpu.memory_space<hbm>>
      %dma_start3A_1016 = tpu.memref_squeeze %dma_start3A_1015 : memref<1x50x32xf32, #tpu.memory_space<hbm>> -> memref<50x32xf32, #tpu.memory_space<hbm>>
      %dma_start3A_1017 = arith.constant 0 : i32
      %dma_start3A_1018 = arith.constant 0 : i32
      %dma_start3A_1019 = tpu.memref_slice %arg4[%add3A_1009, %dma_start3A_1017, %dma_start3A_1018] : memref<16384x56x128xf32, #tpu.memory_space<hbm>> -> memref<1x50x32xf32, #tpu.memory_space<hbm>>
      %dma_start3A_1020 = tpu.memref_squeeze %dma_start3A_1019 : memref<1x50x32xf32, #tpu.memory_space<hbm>> -> memref<50x32xf32, #tpu.memory_space<hbm>>
      %dma_start3A_1021 = arith.constant 0 : i32
      %dma_start3A_1022 = arith.constant 0 : i32
      %dma_start3A_1023 = tpu.memref_slice %arg13[%dma_start3A_1021, %dma_start3A_1022] : memref<100x32xf32, #tpu.memory_space<vmem>> -> memref<50x32xf32, #tpu.memory_space<vmem>>
      tpu.enqueue_dma source(%dma_start3A_1023 : memref<50x32xf32, #tpu.memory_space<vmem>>) target(%dma_start3A_1020 : memref<50x32xf32, #tpu.memory_space<hbm>>) target_semaphore(%arg29 : memref<!tpu.dma_semaphore, #tpu.memory_space<semaphore_mem>>)
      %mul3A_1024 = arith.constant 2 : i32
      %mul3A_1025 = arith.muli %add3A_1004, %mul3A_1024 : i32
      %add3A_1026 = arith.addi %mul3A_2, %mul3A_1025 : i32
      %add3A_1027 = arith.constant 1 : i32
      %add3A_1028 = arith.addi %add3A_1026, %add3A_1027 : i32
      %dma_start3A_1029 = arith.constant 50 : i32
      %dma_start3A_1030 = arith.constant 0 : i32
      %dma_start3A_1031 = tpu.memref_slice %arg13[%dma_start3A_1029, %dma_start3A_1030] : memref<100x32xf32, #tpu.memory_space<vmem>> -> memref<50x32xf32, #tpu.memory_space<vmem>>
      %dma_start3A_1032 = arith.constant 0 : i32
      %dma_start3A_1033 = arith.constant 0 : i32
      %dma_start3A_1034 = tpu.memref_slice %arg4[%add3A_1028, %dma_start3A_1032, %dma_start3A_1033] : memref<16384x56x128xf32, #tpu.memory_space<hbm>> -> memref<1x50x32xf32, #tpu.memory_space<hbm>>
      %dma_start3A_1035 = tpu.memref_squeeze %dma_start3A_1034 : memref<1x50x32xf32, #tpu.memory_space<hbm>> -> memref<50x32xf32, #tpu.memory_space<hbm>>
      %dma_start3A_1036 = arith.constant 0 : i32
      %dma_start3A_1037 = arith.constant 0 : i32
      %dma_start3A_1038 = tpu.memref_slice %arg4[%add3A_1028, %dma_start3A_1036, %dma_start3A_1037] : memref<16384x56x128xf32, #tpu.memory_space<hbm>> -> memref<1x50x32xf32, #tpu.memory_space<hbm>>
      %dma_start3A_1039 = tpu.memref_squeeze %dma_start3A_1038 : memref<1x50x32xf32, #tpu.memory_space<hbm>> -> memref<50x32xf32, #tpu.memory_space<hbm>>
      %dma_start3A_1040 = arith.constant 50 : i32
      %dma_start3A_1041 = arith.constant 0 : i32
      %dma_start3A_1042 = tpu.memref_slice %arg13[%dma_start3A_1040, %dma_start3A_1041] : memref<100x32xf32, #tpu.memory_space<vmem>> -> memref<50x32xf32, #tpu.memory_space<vmem>>
      tpu.enqueue_dma source(%dma_start3A_1042 : memref<50x32xf32, #tpu.memory_space<vmem>>) target(%dma_start3A_1039 : memref<50x32xf32, #tpu.memory_space<hbm>>) target_semaphore(%arg29 : memref<!tpu.dma_semaphore, #tpu.memory_space<semaphore_mem>>)
      %add3A_1043 = arith.constant 0 : i32
      %add3A_1044 = arith.addi %mul3A_2, %add3A_1043 : i32
      %dma_wait3A_1045 = arith.constant 0 : i32
      %dma_wait3A_1046 = arith.constant 0 : i32
      %dma_wait3A_1047 = tpu.memref_slice %arg6[%dma_wait3A_1045, %dma_wait3A_1046] : memref<100x32xf32, #tpu.memory_space<vmem>> -> memref<50x32xf32, #tpu.memory_space<vmem>>
      %dma_wait3A_1048 = arith.constant 0 : i32
      %dma_wait3A_1049 = arith.constant 0 : i32
      %dma_wait3A_1050 = tpu.memref_slice %arg4[%add3A_1044, %dma_wait3A_1048, %dma_wait3A_1049] : memref<16384x56x128xf32, #tpu.memory_space<hbm>> -> memref<1x50x32xf32, #tpu.memory_space<hbm>>
      %dma_wait3A_1051 = tpu.memref_squeeze %dma_wait3A_1050 : memref<1x50x32xf32, #tpu.memory_space<hbm>> -> memref<50x32xf32, #tpu.memory_space<hbm>>
      %dma_wait3A_1052 = arith.constant 0 : i32
      %dma_wait3A_1053 = arith.constant 0 : i32
      %dma_wait3A_1054 = tpu.memref_slice %arg4[%add3A_1044, %dma_wait3A_1052, %dma_wait3A_1053] : memref<16384x56x128xf32, #tpu.memory_space<hbm>> -> memref<1x50x32xf32, #tpu.memory_space<hbm>>
      %dma_wait3A_1055 = tpu.memref_squeeze %dma_wait3A_1054 : memref<1x50x32xf32, #tpu.memory_space<hbm>> -> memref<50x32xf32, #tpu.memory_space<hbm>>
      %dma_wait3A_1056 = arith.constant 0 : i32
      %dma_wait3A_1057 = arith.constant 0 : i32
      %dma_wait3A_1058 = tpu.memref_slice %arg6[%dma_wait3A_1056, %dma_wait3A_1057] : memref<100x32xf32, #tpu.memory_space<vmem>> -> memref<50x32xf32, #tpu.memory_space<vmem>>
      tpu.wait_dma2 semaphore(%arg22 : memref<!tpu.dma_semaphore, #tpu.memory_space<semaphore_mem>>) src(%dma_wait3A_1058 : memref<50x32xf32, #tpu.memory_space<vmem>>) dst(%dma_wait3A_1055 : memref<50x32xf32, #tpu.memory_space<hbm>>)
      %add3A_1059 = arith.constant 1 : i32
      %add3A_1060 = arith.addi %mul3A_2, %add3A_1059 : i32
      %dma_wait3A_1061 = arith.constant 50 : i32
      %dma_wait3A_1062 = arith.constant 0 : i32
      %dma_wait3A_1063 = tpu.memref_slice %arg6[%dma_wait3A_1061, %dma_wait3A_1062] : memref<100x32xf32, #tpu.memory_space<vmem>> -> memref<50x32xf32, #tpu.memory_space<vmem>>
      %dma_wait3A_1064 = arith.constant 0 : i32
      %dma_wait3A_1065 = arith.constant 0 : i32
      %dma_wait3A_1066 = tpu.memref_slice %arg4[%add3A_1060, %dma_wait3A_1064, %dma_wait3A_1065] : memref<16384x56x128xf32, #tpu.memory_space<hbm>> -> memref<1x50x32xf32, #tpu.memory_space<hbm>>
      %dma_wait3A_1067 = tpu.memref_squeeze %dma_wait3A_1066 : memref<1x50x32xf32, #tpu.memory_space<hbm>> -> memref<50x32xf32, #tpu.memory_space<hbm>>
      %dma_wait3A_1068 = arith.constant 0 : i32
      %dma_wait3A_1069 = arith.constant 0 : i32
      %dma_wait3A_1070 = tpu.memref_slice %arg4[%add3A_1060, %dma_wait3A_1068, %dma_wait3A_1069] : memref<16384x56x128xf32, #tpu.memory_space<hbm>> -> memref<1x50x32xf32, #tpu.memory_space<hbm>>
      %dma_wait3A_1071 = tpu.memref_squeeze %dma_wait3A_1070 : memref<1x50x32xf32, #tpu.memory_space<hbm>> -> memref<50x32xf32, #tpu.memory_space<hbm>>
      %dma_wait3A_1072 = arith.constant 50 : i32
      %dma_wait3A_1073 = arith.constant 0 : i32
      %dma_wait3A_1074 = tpu.memref_slice %arg6[%dma_wait3A_1072, %dma_wait3A_1073] : memref<100x32xf32, #tpu.memory_space<vmem>> -> memref<50x32xf32, #tpu.memory_space<vmem>>
      tpu.wait_dma2 semaphore(%arg22 : memref<!tpu.dma_semaphore, #tpu.memory_space<semaphore_mem>>) src(%dma_wait3A_1074 : memref<50x32xf32, #tpu.memory_space<vmem>>) dst(%dma_wait3A_1071 : memref<50x32xf32, #tpu.memory_space<hbm>>)
      %add3A_1075 = arith.constant 8 : i32
      %add3A_1076 = arith.addi %mul3A_666, %add3A_1075 : i32
      %add3A_1077 = arith.constant 0 : i32
      %add3A_1078 = arith.addi %add3A_1076, %add3A_1077 : i32
      %dma_start3A_1079 = arith.constant 0 : i32
      %dma_start3A_1080 = tpu.memref_slice %arg5[%add3A_1078, %dma_start3A_1079] : memref<256x100xi32, #tpu.memory_space<vmem>> -> memref<1x100xi32, #tpu.memory_space<vmem>>
      %dma_start3A_1081 = tpu.memref_squeeze %dma_start3A_1080 : memref<1x100xi32, #tpu.memory_space<vmem>> -> memref<100xi32, #tpu.memory_space<vmem>>
      %dma_start3A_1082 = arith.constant 0 : i32
      %dma_start3A_1083 = arith.constant 0 : i32
      %dma_start3A_1084 = tpu.memref_slice %arg3[%dma_start3A_1082, %dma_start3A_1083] : memref<1000000x32xf32, #tpu.memory_space<hbm>> -> memref<1000000x32xf32, #tpu.memory_space<hbm>>
      tpu.enqueue_indirect_dma source(%dma_start3A_1084 : memref<1000000x32xf32, #tpu.memory_space<hbm>>) target(%arg6 : memref<100x32xf32, #tpu.memory_space<vmem>>) offsets(%dma_start3A_1081 : memref<100xi32, #tpu.memory_space<vmem>>) semaphore(%arg14 : memref<!tpu.dma_semaphore, #tpu.memory_space<semaphore_mem>>)
      %add3A_1085 = arith.constant 0 : i32
      %add3A_1086 = arith.addi %mul3A_2, %add3A_1085 : i32
      %dma_wait3A_1087 = arith.constant 0 : i32
      %dma_wait3A_1088 = arith.constant 0 : i32
      %dma_wait3A_1089 = tpu.memref_slice %arg7[%dma_wait3A_1087, %dma_wait3A_1088] : memref<100x32xf32, #tpu.memory_space<vmem>> -> memref<50x32xf32, #tpu.memory_space<vmem>>
      %dma_wait3A_1090 = arith.constant 0 : i32
      %dma_wait3A_1091 = arith.constant 0 : i32
      %dma_wait3A_1092 = tpu.memref_slice %arg4[%add3A_1086, %dma_wait3A_1090, %dma_wait3A_1091] : memref<16384x56x128xf32, #tpu.memory_space<hbm>> -> memref<1x50x32xf32, #tpu.memory_space<hbm>>
      %dma_wait3A_1093 = tpu.memref_squeeze %dma_wait3A_1092 : memref<1x50x32xf32, #tpu.memory_space<hbm>> -> memref<50x32xf32, #tpu.memory_space<hbm>>
      %dma_wait3A_1094 = arith.constant 0 : i32
      %dma_wait3A_1095 = arith.constant 0 : i32
      %dma_wait3A_1096 = tpu.memref_slice %arg4[%add3A_1086, %dma_wait3A_1094, %dma_wait3A_1095] : memref<16384x56x128xf32, #tpu.memory_space<hbm>> -> memref<1x50x32xf32, #tpu.memory_space<hbm>>
      %dma_wait3A_1097 = tpu.memref_squeeze %dma_wait3A_1096 : memref<1x50x32xf32, #tpu.memory_space<hbm>> -> memref<50x32xf32, #tpu.memory_space<hbm>>
      %dma_wait3A_1098 = arith.constant 0 : i32
      %dma_wait3A_1099 = arith.constant 0 : i32
      %dma_wait3A_1100 = tpu.memref_slice %arg7[%dma_wait3A_1098, %dma_wait3A_1099] : memref<100x32xf32, #tpu.memory_space<vmem>> -> memref<50x32xf32, #tpu.memory_space<vmem>>
      tpu.wait_dma2 semaphore(%arg23 : memref<!tpu.dma_semaphore, #tpu.memory_space<semaphore_mem>>) src(%dma_wait3A_1100 : memref<50x32xf32, #tpu.memory_space<vmem>>) dst(%dma_wait3A_1097 : memref<50x32xf32, #tpu.memory_space<hbm>>)
      %add3A_1101 = arith.constant 1 : i32
      %add3A_1102 = arith.addi %mul3A_2, %add3A_1101 : i32
      %dma_wait3A_1103 = arith.constant 50 : i32
      %dma_wait3A_1104 = arith.constant 0 : i32
      %dma_wait3A_1105 = tpu.memref_slice %arg7[%dma_wait3A_1103, %dma_wait3A_1104] : memref<100x32xf32, #tpu.memory_space<vmem>> -> memref<50x32xf32, #tpu.memory_space<vmem>>
      %dma_wait3A_1106 = arith.constant 0 : i32
      %dma_wait3A_1107 = arith.constant 0 : i32
      %dma_wait3A_1108 = tpu.memref_slice %arg4[%add3A_1102, %dma_wait3A_1106, %dma_wait3A_1107] : memref<16384x56x128xf32, #tpu.memory_space<hbm>> -> memref<1x50x32xf32, #tpu.memory_space<hbm>>
      %dma_wait3A_1109 = tpu.memref_squeeze %dma_wait3A_1108 : memref<1x50x32xf32, #tpu.memory_space<hbm>> -> memref<50x32xf32, #tpu.memory_space<hbm>>
      %dma_wait3A_1110 = arith.constant 0 : i32
      %dma_wait3A_1111 = arith.constant 0 : i32
      %dma_wait3A_1112 = tpu.memref_slice %arg4[%add3A_1102, %dma_wait3A_1110, %dma_wait3A_1111] : memref<16384x56x128xf32, #tpu.memory_space<hbm>> -> memref<1x50x32xf32, #tpu.memory_space<hbm>>
      %dma_wait3A_1113 = tpu.memref_squeeze %dma_wait3A_1112 : memref<1x50x32xf32, #tpu.memory_space<hbm>> -> memref<50x32xf32, #tpu.memory_space<hbm>>
      %dma_wait3A_1114 = arith.constant 50 : i32
      %dma_wait3A_1115 = arith.constant 0 : i32
      %dma_wait3A_1116 = tpu.memref_slice %arg7[%dma_wait3A_1114, %dma_wait3A_1115] : memref<100x32xf32, #tpu.memory_space<vmem>> -> memref<50x32xf32, #tpu.memory_space<vmem>>
      tpu.wait_dma2 semaphore(%arg23 : memref<!tpu.dma_semaphore, #tpu.memory_space<semaphore_mem>>) src(%dma_wait3A_1116 : memref<50x32xf32, #tpu.memory_space<vmem>>) dst(%dma_wait3A_1113 : memref<50x32xf32, #tpu.memory_space<hbm>>)
      %add3A_1117 = arith.constant 8 : i32
      %add3A_1118 = arith.addi %mul3A_666, %add3A_1117 : i32
      %add3A_1119 = arith.constant 1 : i32
      %add3A_1120 = arith.addi %add3A_1118, %add3A_1119 : i32
      %dma_start3A_1121 = arith.constant 0 : i32
      %dma_start3A_1122 = tpu.memref_slice %arg5[%add3A_1120, %dma_start3A_1121] : memref<256x100xi32, #tpu.memory_space<vmem>> -> memref<1x100xi32, #tpu.memory_space<vmem>>
      %dma_start3A_1123 = tpu.memref_squeeze %dma_start3A_1122 : memref<1x100xi32, #tpu.memory_space<vmem>> -> memref<100xi32, #tpu.memory_space<vmem>>
      %dma_start3A_1124 = arith.constant 0 : i32
      %dma_start3A_1125 = arith.constant 0 : i32
      %dma_start3A_1126 = tpu.memref_slice %arg3[%dma_start3A_1124, %dma_start3A_1125] : memref<1000000x32xf32, #tpu.memory_space<hbm>> -> memref<1000000x32xf32, #tpu.memory_space<hbm>>
      tpu.enqueue_indirect_dma source(%dma_start3A_1126 : memref<1000000x32xf32, #tpu.memory_space<hbm>>) target(%arg7 : memref<100x32xf32, #tpu.memory_space<vmem>>) offsets(%dma_start3A_1123 : memref<100xi32, #tpu.memory_space<vmem>>) semaphore(%arg15 : memref<!tpu.dma_semaphore, #tpu.memory_space<semaphore_mem>>)
      %add3A_1127 = arith.constant 0 : i32
      %add3A_1128 = arith.addi %mul3A_2, %add3A_1127 : i32
      %dma_wait3A_1129 = arith.constant 0 : i32
      %dma_wait3A_1130 = arith.constant 0 : i32
      %dma_wait3A_1131 = tpu.memref_slice %arg8[%dma_wait3A_1129, %dma_wait3A_1130] : memref<100x32xf32, #tpu.memory_space<vmem>> -> memref<50x32xf32, #tpu.memory_space<vmem>>
      %dma_wait3A_1132 = arith.constant 0 : i32
      %dma_wait3A_1133 = arith.constant 0 : i32
      %dma_wait3A_1134 = tpu.memref_slice %arg4[%add3A_1128, %dma_wait3A_1132, %dma_wait3A_1133] : memref<16384x56x128xf32, #tpu.memory_space<hbm>> -> memref<1x50x32xf32, #tpu.memory_space<hbm>>
      %dma_wait3A_1135 = tpu.memref_squeeze %dma_wait3A_1134 : memref<1x50x32xf32, #tpu.memory_space<hbm>> -> memref<50x32xf32, #tpu.memory_space<hbm>>
      %dma_wait3A_1136 = arith.constant 0 : i32
      %dma_wait3A_1137 = arith.constant 0 : i32
      %dma_wait3A_1138 = tpu.memref_slice %arg4[%add3A_1128, %dma_wait3A_1136, %dma_wait3A_1137] : memref<16384x56x128xf32, #tpu.memory_space<hbm>> -> memref<1x50x32xf32, #tpu.memory_space<hbm>>
      %dma_wait3A_1139 = tpu.memref_squeeze %dma_wait3A_1138 : memref<1x50x32xf32, #tpu.memory_space<hbm>> -> memref<50x32xf32, #tpu.memory_space<hbm>>
      %dma_wait3A_1140 = arith.constant 0 : i32
      %dma_wait3A_1141 = arith.constant 0 : i32
      %dma_wait3A_1142 = tpu.memref_slice %arg8[%dma_wait3A_1140, %dma_wait3A_1141] : memref<100x32xf32, #tpu.memory_space<vmem>> -> memref<50x32xf32, #tpu.memory_space<vmem>>
      tpu.wait_dma2 semaphore(%arg24 : memref<!tpu.dma_semaphore, #tpu.memory_space<semaphore_mem>>) src(%dma_wait3A_1142 : memref<50x32xf32, #tpu.memory_space<vmem>>) dst(%dma_wait3A_1139 : memref<50x32xf32, #tpu.memory_space<hbm>>)
      %add3A_1143 = arith.constant 1 : i32
      %add3A_1144 = arith.addi %mul3A_2, %add3A_1143 : i32
      %dma_wait3A_1145 = arith.constant 50 : i32
      %dma_wait3A_1146 = arith.constant 0 : i32
      %dma_wait3A_1147 = tpu.memref_slice %arg8[%dma_wait3A_1145, %dma_wait3A_1146] : memref<100x32xf32, #tpu.memory_space<vmem>> -> memref<50x32xf32, #tpu.memory_space<vmem>>
      %dma_wait3A_1148 = arith.constant 0 : i32
      %dma_wait3A_1149 = arith.constant 0 : i32
      %dma_wait3A_1150 = tpu.memref_slice %arg4[%add3A_1144, %dma_wait3A_1148, %dma_wait3A_1149] : memref<16384x56x128xf32, #tpu.memory_space<hbm>> -> memref<1x50x32xf32, #tpu.memory_space<hbm>>
      %dma_wait3A_1151 = tpu.memref_squeeze %dma_wait3A_1150 : memref<1x50x32xf32, #tpu.memory_space<hbm>> -> memref<50x32xf32, #tpu.memory_space<hbm>>
      %dma_wait3A_1152 = arith.constant 0 : i32
      %dma_wait3A_1153 = arith.constant 0 : i32
      %dma_wait3A_1154 = tpu.memref_slice %arg4[%add3A_1144, %dma_wait3A_1152, %dma_wait3A_1153] : memref<16384x56x128xf32, #tpu.memory_space<hbm>> -> memref<1x50x32xf32, #tpu.memory_space<hbm>>
      %dma_wait3A_1155 = tpu.memref_squeeze %dma_wait3A_1154 : memref<1x50x32xf32, #tpu.memory_space<hbm>> -> memref<50x32xf32, #tpu.memory_space<hbm>>
      %dma_wait3A_1156 = arith.constant 50 : i32
      %dma_wait3A_1157 = arith.constant 0 : i32
      %dma_wait3A_1158 = tpu.memref_slice %arg8[%dma_wait3A_1156, %dma_wait3A_1157] : memref<100x32xf32, #tpu.memory_space<vmem>> -> memref<50x32xf32, #tpu.memory_space<vmem>>
      tpu.wait_dma2 semaphore(%arg24 : memref<!tpu.dma_semaphore, #tpu.memory_space<semaphore_mem>>) src(%dma_wait3A_1158 : memref<50x32xf32, #tpu.memory_space<vmem>>) dst(%dma_wait3A_1155 : memref<50x32xf32, #tpu.memory_space<hbm>>)
      %add3A_1159 = arith.constant 8 : i32
      %add3A_1160 = arith.addi %mul3A_666, %add3A_1159 : i32
      %add3A_1161 = arith.constant 2 : i32
      %add3A_1162 = arith.addi %add3A_1160, %add3A_1161 : i32
      %dma_start3A_1163 = arith.constant 0 : i32
      %dma_start3A_1164 = tpu.memref_slice %arg5[%add3A_1162, %dma_start3A_1163] : memref<256x100xi32, #tpu.memory_space<vmem>> -> memref<1x100xi32, #tpu.memory_space<vmem>>
      %dma_start3A_1165 = tpu.memref_squeeze %dma_start3A_1164 : memref<1x100xi32, #tpu.memory_space<vmem>> -> memref<100xi32, #tpu.memory_space<vmem>>
      %dma_start3A_1166 = arith.constant 0 : i32
      %dma_start3A_1167 = arith.constant 0 : i32
      %dma_start3A_1168 = tpu.memref_slice %arg3[%dma_start3A_1166, %dma_start3A_1167] : memref<1000000x32xf32, #tpu.memory_space<hbm>> -> memref<1000000x32xf32, #tpu.memory_space<hbm>>
      tpu.enqueue_indirect_dma source(%dma_start3A_1168 : memref<1000000x32xf32, #tpu.memory_space<hbm>>) target(%arg8 : memref<100x32xf32, #tpu.memory_space<vmem>>) offsets(%dma_start3A_1165 : memref<100xi32, #tpu.memory_space<vmem>>) semaphore(%arg16 : memref<!tpu.dma_semaphore, #tpu.memory_space<semaphore_mem>>)
      %add3A_1169 = arith.constant 0 : i32
      %add3A_1170 = arith.addi %mul3A_2, %add3A_1169 : i32
      %dma_wait3A_1171 = arith.constant 0 : i32
      %dma_wait3A_1172 = arith.constant 0 : i32
      %dma_wait3A_1173 = tpu.memref_slice %arg9[%dma_wait3A_1171, %dma_wait3A_1172] : memref<100x32xf32, #tpu.memory_space<vmem>> -> memref<50x32xf32, #tpu.memory_space<vmem>>
      %dma_wait3A_1174 = arith.constant 0 : i32
      %dma_wait3A_1175 = arith.constant 0 : i32
      %dma_wait3A_1176 = tpu.memref_slice %arg4[%add3A_1170, %dma_wait3A_1174, %dma_wait3A_1175] : memref<16384x56x128xf32, #tpu.memory_space<hbm>> -> memref<1x50x32xf32, #tpu.memory_space<hbm>>
      %dma_wait3A_1177 = tpu.memref_squeeze %dma_wait3A_1176 : memref<1x50x32xf32, #tpu.memory_space<hbm>> -> memref<50x32xf32, #tpu.memory_space<hbm>>
      %dma_wait3A_1178 = arith.constant 0 : i32
      %dma_wait3A_1179 = arith.constant 0 : i32
      %dma_wait3A_1180 = tpu.memref_slice %arg4[%add3A_1170, %dma_wait3A_1178, %dma_wait3A_1179] : memref<16384x56x128xf32, #tpu.memory_space<hbm>> -> memref<1x50x32xf32, #tpu.memory_space<hbm>>
      %dma_wait3A_1181 = tpu.memref_squeeze %dma_wait3A_1180 : memref<1x50x32xf32, #tpu.memory_space<hbm>> -> memref<50x32xf32, #tpu.memory_space<hbm>>
      %dma_wait3A_1182 = arith.constant 0 : i32
      %dma_wait3A_1183 = arith.constant 0 : i32
      %dma_wait3A_1184 = tpu.memref_slice %arg9[%dma_wait3A_1182, %dma_wait3A_1183] : memref<100x32xf32, #tpu.memory_space<vmem>> -> memref<50x32xf32, #tpu.memory_space<vmem>>
      tpu.wait_dma2 semaphore(%arg25 : memref<!tpu.dma_semaphore, #tpu.memory_space<semaphore_mem>>) src(%dma_wait3A_1184 : memref<50x32xf32, #tpu.memory_space<vmem>>) dst(%dma_wait3A_1181 : memref<50x32xf32, #tpu.memory_space<hbm>>)
      %add3A_1185 = arith.constant 1 : i32
      %add3A_1186 = arith.addi %mul3A_2, %add3A_1185 : i32
      %dma_wait3A_1187 = arith.constant 50 : i32
      %dma_wait3A_1188 = arith.constant 0 : i32
      %dma_wait3A_1189 = tpu.memref_slice %arg9[%dma_wait3A_1187, %dma_wait3A_1188] : memref<100x32xf32, #tpu.memory_space<vmem>> -> memref<50x32xf32, #tpu.memory_space<vmem>>
      %dma_wait3A_1190 = arith.constant 0 : i32
      %dma_wait3A_1191 = arith.constant 0 : i32
      %dma_wait3A_1192 = tpu.memref_slice %arg4[%add3A_1186, %dma_wait3A_1190, %dma_wait3A_1191] : memref<16384x56x128xf32, #tpu.memory_space<hbm>> -> memref<1x50x32xf32, #tpu.memory_space<hbm>>
      %dma_wait3A_1193 = tpu.memref_squeeze %dma_wait3A_1192 : memref<1x50x32xf32, #tpu.memory_space<hbm>> -> memref<50x32xf32, #tpu.memory_space<hbm>>
      %dma_wait3A_1194 = arith.constant 0 : i32
      %dma_wait3A_1195 = arith.constant 0 : i32
      %dma_wait3A_1196 = tpu.memref_slice %arg4[%add3A_1186, %dma_wait3A_1194, %dma_wait3A_1195] : memref<16384x56x128xf32, #tpu.memory_space<hbm>> -> memref<1x50x32xf32, #tpu.memory_space<hbm>>
      %dma_wait3A_1197 = tpu.memref_squeeze %dma_wait3A_1196 : memref<1x50x32xf32, #tpu.memory_space<hbm>> -> memref<50x32xf32, #tpu.memory_space<hbm>>
      %dma_wait3A_1198 = arith.constant 50 : i32
      %dma_wait3A_1199 = arith.constant 0 : i32
      %dma_wait3A_1200 = tpu.memref_slice %arg9[%dma_wait3A_1198, %dma_wait3A_1199] : memref<100x32xf32, #tpu.memory_space<vmem>> -> memref<50x32xf32, #tpu.memory_space<vmem>>
      tpu.wait_dma2 semaphore(%arg25 : memref<!tpu.dma_semaphore, #tpu.memory_space<semaphore_mem>>) src(%dma_wait3A_1200 : memref<50x32xf32, #tpu.memory_space<vmem>>) dst(%dma_wait3A_1197 : memref<50x32xf32, #tpu.memory_space<hbm>>)
      %add3A_1201 = arith.constant 8 : i32
      %add3A_1202 = arith.addi %mul3A_666, %add3A_1201 : i32
      %add3A_1203 = arith.constant 3 : i32
      %add3A_1204 = arith.addi %add3A_1202, %add3A_1203 : i32
      %dma_start3A_1205 = arith.constant 0 : i32
      %dma_start3A_1206 = tpu.memref_slice %arg5[%add3A_1204, %dma_start3A_1205] : memref<256x100xi32, #tpu.memory_space<vmem>> -> memref<1x100xi32, #tpu.memory_space<vmem>>
      %dma_start3A_1207 = tpu.memref_squeeze %dma_start3A_1206 : memref<1x100xi32, #tpu.memory_space<vmem>> -> memref<100xi32, #tpu.memory_space<vmem>>
      %dma_start3A_1208 = arith.constant 0 : i32
      %dma_start3A_1209 = arith.constant 0 : i32
      %dma_start3A_1210 = tpu.memref_slice %arg3[%dma_start3A_1208, %dma_start3A_1209] : memref<1000000x32xf32, #tpu.memory_space<hbm>> -> memref<1000000x32xf32, #tpu.memory_space<hbm>>
      tpu.enqueue_indirect_dma source(%dma_start3A_1210 : memref<1000000x32xf32, #tpu.memory_space<hbm>>) target(%arg9 : memref<100x32xf32, #tpu.memory_space<vmem>>) offsets(%dma_start3A_1207 : memref<100xi32, #tpu.memory_space<vmem>>) semaphore(%arg17 : memref<!tpu.dma_semaphore, #tpu.memory_space<semaphore_mem>>)
      %add3A_1211 = arith.constant 0 : i32
      %add3A_1212 = arith.addi %mul3A_2, %add3A_1211 : i32
      %dma_wait3A_1213 = arith.constant 0 : i32
      %dma_wait3A_1214 = arith.constant 0 : i32
      %dma_wait3A_1215 = tpu.memref_slice %arg10[%dma_wait3A_1213, %dma_wait3A_1214] : memref<100x32xf32, #tpu.memory_space<vmem>> -> memref<50x32xf32, #tpu.memory_space<vmem>>
      %dma_wait3A_1216 = arith.constant 0 : i32
      %dma_wait3A_1217 = arith.constant 0 : i32
      %dma_wait3A_1218 = tpu.memref_slice %arg4[%add3A_1212, %dma_wait3A_1216, %dma_wait3A_1217] : memref<16384x56x128xf32, #tpu.memory_space<hbm>> -> memref<1x50x32xf32, #tpu.memory_space<hbm>>
      %dma_wait3A_1219 = tpu.memref_squeeze %dma_wait3A_1218 : memref<1x50x32xf32, #tpu.memory_space<hbm>> -> memref<50x32xf32, #tpu.memory_space<hbm>>
      %dma_wait3A_1220 = arith.constant 0 : i32
      %dma_wait3A_1221 = arith.constant 0 : i32
      %dma_wait3A_1222 = tpu.memref_slice %arg4[%add3A_1212, %dma_wait3A_1220, %dma_wait3A_1221] : memref<16384x56x128xf32, #tpu.memory_space<hbm>> -> memref<1x50x32xf32, #tpu.memory_space<hbm>>
      %dma_wait3A_1223 = tpu.memref_squeeze %dma_wait3A_1222 : memref<1x50x32xf32, #tpu.memory_space<hbm>> -> memref<50x32xf32, #tpu.memory_space<hbm>>
      %dma_wait3A_1224 = arith.constant 0 : i32
      %dma_wait3A_1225 = arith.constant 0 : i32
      %dma_wait3A_1226 = tpu.memref_slice %arg10[%dma_wait3A_1224, %dma_wait3A_1225] : memref<100x32xf32, #tpu.memory_space<vmem>> -> memref<50x32xf32, #tpu.memory_space<vmem>>
      tpu.wait_dma2 semaphore(%arg26 : memref<!tpu.dma_semaphore, #tpu.memory_space<semaphore_mem>>) src(%dma_wait3A_1226 : memref<50x32xf32, #tpu.memory_space<vmem>>) dst(%dma_wait3A_1223 : memref<50x32xf32, #tpu.memory_space<hbm>>)
      %add3A_1227 = arith.constant 1 : i32
      %add3A_1228 = arith.addi %mul3A_2, %add3A_1227 : i32
      %dma_wait3A_1229 = arith.constant 50 : i32
      %dma_wait3A_1230 = arith.constant 0 : i32
      %dma_wait3A_1231 = tpu.memref_slice %arg10[%dma_wait3A_1229, %dma_wait3A_1230] : memref<100x32xf32, #tpu.memory_space<vmem>> -> memref<50x32xf32, #tpu.memory_space<vmem>>
      %dma_wait3A_1232 = arith.constant 0 : i32
      %dma_wait3A_1233 = arith.constant 0 : i32
      %dma_wait3A_1234 = tpu.memref_slice %arg4[%add3A_1228, %dma_wait3A_1232, %dma_wait3A_1233] : memref<16384x56x128xf32, #tpu.memory_space<hbm>> -> memref<1x50x32xf32, #tpu.memory_space<hbm>>
      %dma_wait3A_1235 = tpu.memref_squeeze %dma_wait3A_1234 : memref<1x50x32xf32, #tpu.memory_space<hbm>> -> memref<50x32xf32, #tpu.memory_space<hbm>>
      %dma_wait3A_1236 = arith.constant 0 : i32
      %dma_wait3A_1237 = arith.constant 0 : i32
      %dma_wait3A_1238 = tpu.memref_slice %arg4[%add3A_1228, %dma_wait3A_1236, %dma_wait3A_1237] : memref<16384x56x128xf32, #tpu.memory_space<hbm>> -> memref<1x50x32xf32, #tpu.memory_space<hbm>>
      %dma_wait3A_1239 = tpu.memref_squeeze %dma_wait3A_1238 : memref<1x50x32xf32, #tpu.memory_space<hbm>> -> memref<50x32xf32, #tpu.memory_space<hbm>>
      %dma_wait3A_1240 = arith.constant 50 : i32
      %dma_wait3A_1241 = arith.constant 0 : i32
      %dma_wait3A_1242 = tpu.memref_slice %arg10[%dma_wait3A_1240, %dma_wait3A_1241] : memref<100x32xf32, #tpu.memory_space<vmem>> -> memref<50x32xf32, #tpu.memory_space<vmem>>
      tpu.wait_dma2 semaphore(%arg26 : memref<!tpu.dma_semaphore, #tpu.memory_space<semaphore_mem>>) src(%dma_wait3A_1242 : memref<50x32xf32, #tpu.memory_space<vmem>>) dst(%dma_wait3A_1239 : memref<50x32xf32, #tpu.memory_space<hbm>>)
      %add3A_1243 = arith.constant 8 : i32
      %add3A_1244 = arith.addi %mul3A_666, %add3A_1243 : i32
      %add3A_1245 = arith.constant 4 : i32
      %add3A_1246 = arith.addi %add3A_1244, %add3A_1245 : i32
      %dma_start3A_1247 = arith.constant 0 : i32
      %dma_start3A_1248 = tpu.memref_slice %arg5[%add3A_1246, %dma_start3A_1247] : memref<256x100xi32, #tpu.memory_space<vmem>> -> memref<1x100xi32, #tpu.memory_space<vmem>>
      %dma_start3A_1249 = tpu.memref_squeeze %dma_start3A_1248 : memref<1x100xi32, #tpu.memory_space<vmem>> -> memref<100xi32, #tpu.memory_space<vmem>>
      %dma_start3A_1250 = arith.constant 0 : i32
      %dma_start3A_1251 = arith.constant 0 : i32
      %dma_start3A_1252 = tpu.memref_slice %arg3[%dma_start3A_1250, %dma_start3A_1251] : memref<1000000x32xf32, #tpu.memory_space<hbm>> -> memref<1000000x32xf32, #tpu.memory_space<hbm>>
      tpu.enqueue_indirect_dma source(%dma_start3A_1252 : memref<1000000x32xf32, #tpu.memory_space<hbm>>) target(%arg10 : memref<100x32xf32, #tpu.memory_space<vmem>>) offsets(%dma_start3A_1249 : memref<100xi32, #tpu.memory_space<vmem>>) semaphore(%arg18 : memref<!tpu.dma_semaphore, #tpu.memory_space<semaphore_mem>>)
      %add3A_1253 = arith.constant 0 : i32
      %add3A_1254 = arith.addi %mul3A_2, %add3A_1253 : i32
      %dma_wait3A_1255 = arith.constant 0 : i32
      %dma_wait3A_1256 = arith.constant 0 : i32
      %dma_wait3A_1257 = tpu.memref_slice %arg11[%dma_wait3A_1255, %dma_wait3A_1256] : memref<100x32xf32, #tpu.memory_space<vmem>> -> memref<50x32xf32, #tpu.memory_space<vmem>>
      %dma_wait3A_1258 = arith.constant 0 : i32
      %dma_wait3A_1259 = arith.constant 0 : i32
      %dma_wait3A_1260 = tpu.memref_slice %arg4[%add3A_1254, %dma_wait3A_1258, %dma_wait3A_1259] : memref<16384x56x128xf32, #tpu.memory_space<hbm>> -> memref<1x50x32xf32, #tpu.memory_space<hbm>>
      %dma_wait3A_1261 = tpu.memref_squeeze %dma_wait3A_1260 : memref<1x50x32xf32, #tpu.memory_space<hbm>> -> memref<50x32xf32, #tpu.memory_space<hbm>>
      %dma_wait3A_1262 = arith.constant 0 : i32
      %dma_wait3A_1263 = arith.constant 0 : i32
      %dma_wait3A_1264 = tpu.memref_slice %arg4[%add3A_1254, %dma_wait3A_1262, %dma_wait3A_1263] : memref<16384x56x128xf32, #tpu.memory_space<hbm>> -> memref<1x50x32xf32, #tpu.memory_space<hbm>>
      %dma_wait3A_1265 = tpu.memref_squeeze %dma_wait3A_1264 : memref<1x50x32xf32, #tpu.memory_space<hbm>> -> memref<50x32xf32, #tpu.memory_space<hbm>>
      %dma_wait3A_1266 = arith.constant 0 : i32
      %dma_wait3A_1267 = arith.constant 0 : i32
      %dma_wait3A_1268 = tpu.memref_slice %arg11[%dma_wait3A_1266, %dma_wait3A_1267] : memref<100x32xf32, #tpu.memory_space<vmem>> -> memref<50x32xf32, #tpu.memory_space<vmem>>
      tpu.wait_dma2 semaphore(%arg27 : memref<!tpu.dma_semaphore, #tpu.memory_space<semaphore_mem>>) src(%dma_wait3A_1268 : memref<50x32xf32, #tpu.memory_space<vmem>>) dst(%dma_wait3A_1265 : memref<50x32xf32, #tpu.memory_space<hbm>>)
      %add3A_1269 = arith.constant 1 : i32
      %add3A_1270 = arith.addi %mul3A_2, %add3A_1269 : i32
      %dma_wait3A_1271 = arith.constant 50 : i32
      %dma_wait3A_1272 = arith.constant 0 : i32
      %dma_wait3A_1273 = tpu.memref_slice %arg11[%dma_wait3A_1271, %dma_wait3A_1272] : memref<100x32xf32, #tpu.memory_space<vmem>> -> memref<50x32xf32, #tpu.memory_space<vmem>>
      %dma_wait3A_1274 = arith.constant 0 : i32
      %dma_wait3A_1275 = arith.constant 0 : i32
      %dma_wait3A_1276 = tpu.memref_slice %arg4[%add3A_1270, %dma_wait3A_1274, %dma_wait3A_1275] : memref<16384x56x128xf32, #tpu.memory_space<hbm>> -> memref<1x50x32xf32, #tpu.memory_space<hbm>>
      %dma_wait3A_1277 = tpu.memref_squeeze %dma_wait3A_1276 : memref<1x50x32xf32, #tpu.memory_space<hbm>> -> memref<50x32xf32, #tpu.memory_space<hbm>>
      %dma_wait3A_1278 = arith.constant 0 : i32
      %dma_wait3A_1279 = arith.constant 0 : i32
      %dma_wait3A_1280 = tpu.memref_slice %arg4[%add3A_1270, %dma_wait3A_1278, %dma_wait3A_1279] : memref<16384x56x128xf32, #tpu.memory_space<hbm>> -> memref<1x50x32xf32, #tpu.memory_space<hbm>>
      %dma_wait3A_1281 = tpu.memref_squeeze %dma_wait3A_1280 : memref<1x50x32xf32, #tpu.memory_space<hbm>> -> memref<50x32xf32, #tpu.memory_space<hbm>>
      %dma_wait3A_1282 = arith.constant 50 : i32
      %dma_wait3A_1283 = arith.constant 0 : i32
      %dma_wait3A_1284 = tpu.memref_slice %arg11[%dma_wait3A_1282, %dma_wait3A_1283] : memref<100x32xf32, #tpu.memory_space<vmem>> -> memref<50x32xf32, #tpu.memory_space<vmem>>
      tpu.wait_dma2 semaphore(%arg27 : memref<!tpu.dma_semaphore, #tpu.memory_space<semaphore_mem>>) src(%dma_wait3A_1284 : memref<50x32xf32, #tpu.memory_space<vmem>>) dst(%dma_wait3A_1281 : memref<50x32xf32, #tpu.memory_space<hbm>>)
      %add3A_1285 = arith.constant 8 : i32
      %add3A_1286 = arith.addi %mul3A_666, %add3A_1285 : i32
      %add3A_1287 = arith.constant 5 : i32
      %add3A_1288 = arith.addi %add3A_1286, %add3A_1287 : i32
      %dma_start3A_1289 = arith.constant 0 : i32
      %dma_start3A_1290 = tpu.memref_slice %arg5[%add3A_1288, %dma_start3A_1289] : memref<256x100xi32, #tpu.memory_space<vmem>> -> memref<1x100xi32, #tpu.memory_space<vmem>>
      %dma_start3A_1291 = tpu.memref_squeeze %dma_start3A_1290 : memref<1x100xi32, #tpu.memory_space<vmem>> -> memref<100xi32, #tpu.memory_space<vmem>>
      %dma_start3A_1292 = arith.constant 0 : i32
      %dma_start3A_1293 = arith.constant 0 : i32
      %dma_start3A_1294 = tpu.memref_slice %arg3[%dma_start3A_1292, %dma_start3A_1293] : memref<1000000x32xf32, #tpu.memory_space<hbm>> -> memref<1000000x32xf32, #tpu.memory_space<hbm>>
      tpu.enqueue_indirect_dma source(%dma_start3A_1294 : memref<1000000x32xf32, #tpu.memory_space<hbm>>) target(%arg11 : memref<100x32xf32, #tpu.memory_space<vmem>>) offsets(%dma_start3A_1291 : memref<100xi32, #tpu.memory_space<vmem>>) semaphore(%arg19 : memref<!tpu.dma_semaphore, #tpu.memory_space<semaphore_mem>>)
      %add3A_1295 = arith.constant 0 : i32
      %add3A_1296 = arith.addi %mul3A_2, %add3A_1295 : i32
      %dma_wait3A_1297 = arith.constant 0 : i32
      %dma_wait3A_1298 = arith.constant 0 : i32
      %dma_wait3A_1299 = tpu.memref_slice %arg12[%dma_wait3A_1297, %dma_wait3A_1298] : memref<100x32xf32, #tpu.memory_space<vmem>> -> memref<50x32xf32, #tpu.memory_space<vmem>>
      %dma_wait3A_1300 = arith.constant 0 : i32
      %dma_wait3A_1301 = arith.constant 0 : i32
      %dma_wait3A_1302 = tpu.memref_slice %arg4[%add3A_1296, %dma_wait3A_1300, %dma_wait3A_1301] : memref<16384x56x128xf32, #tpu.memory_space<hbm>> -> memref<1x50x32xf32, #tpu.memory_space<hbm>>
      %dma_wait3A_1303 = tpu.memref_squeeze %dma_wait3A_1302 : memref<1x50x32xf32, #tpu.memory_space<hbm>> -> memref<50x32xf32, #tpu.memory_space<hbm>>
      %dma_wait3A_1304 = arith.constant 0 : i32
      %dma_wait3A_1305 = arith.constant 0 : i32
      %dma_wait3A_1306 = tpu.memref_slice %arg4[%add3A_1296, %dma_wait3A_1304, %dma_wait3A_1305] : memref<16384x56x128xf32, #tpu.memory_space<hbm>> -> memref<1x50x32xf32, #tpu.memory_space<hbm>>
      %dma_wait3A_1307 = tpu.memref_squeeze %dma_wait3A_1306 : memref<1x50x32xf32, #tpu.memory_space<hbm>> -> memref<50x32xf32, #tpu.memory_space<hbm>>
      %dma_wait3A_1308 = arith.constant 0 : i32
      %dma_wait3A_1309 = arith.constant 0 : i32
      %dma_wait3A_1310 = tpu.memref_slice %arg12[%dma_wait3A_1308, %dma_wait3A_1309] : memref<100x32xf32, #tpu.memory_space<vmem>> -> memref<50x32xf32, #tpu.memory_space<vmem>>
      tpu.wait_dma2 semaphore(%arg28 : memref<!tpu.dma_semaphore, #tpu.memory_space<semaphore_mem>>) src(%dma_wait3A_1310 : memref<50x32xf32, #tpu.memory_space<vmem>>) dst(%dma_wait3A_1307 : memref<50x32xf32, #tpu.memory_space<hbm>>)
      %add3A_1311 = arith.constant 1 : i32
      %add3A_1312 = arith.addi %mul3A_2, %add3A_1311 : i32
      %dma_wait3A_1313 = arith.constant 50 : i32
      %dma_wait3A_1314 = arith.constant 0 : i32
      %dma_wait3A_1315 = tpu.memref_slice %arg12[%dma_wait3A_1313, %dma_wait3A_1314] : memref<100x32xf32, #tpu.memory_space<vmem>> -> memref<50x32xf32, #tpu.memory_space<vmem>>
      %dma_wait3A_1316 = arith.constant 0 : i32
      %dma_wait3A_1317 = arith.constant 0 : i32
      %dma_wait3A_1318 = tpu.memref_slice %arg4[%add3A_1312, %dma_wait3A_1316, %dma_wait3A_1317] : memref<16384x56x128xf32, #tpu.memory_space<hbm>> -> memref<1x50x32xf32, #tpu.memory_space<hbm>>
      %dma_wait3A_1319 = tpu.memref_squeeze %dma_wait3A_1318 : memref<1x50x32xf32, #tpu.memory_space<hbm>> -> memref<50x32xf32, #tpu.memory_space<hbm>>
      %dma_wait3A_1320 = arith.constant 0 : i32
      %dma_wait3A_1321 = arith.constant 0 : i32
      %dma_wait3A_1322 = tpu.memref_slice %arg4[%add3A_1312, %dma_wait3A_1320, %dma_wait3A_1321] : memref<16384x56x128xf32, #tpu.memory_space<hbm>> -> memref<1x50x32xf32, #tpu.memory_space<hbm>>
      %dma_wait3A_1323 = tpu.memref_squeeze %dma_wait3A_1322 : memref<1x50x32xf32, #tpu.memory_space<hbm>> -> memref<50x32xf32, #tpu.memory_space<hbm>>
      %dma_wait3A_1324 = arith.constant 50 : i32
      %dma_wait3A_1325 = arith.constant 0 : i32
      %dma_wait3A_1326 = tpu.memref_slice %arg12[%dma_wait3A_1324, %dma_wait3A_1325] : memref<100x32xf32, #tpu.memory_space<vmem>> -> memref<50x32xf32, #tpu.memory_space<vmem>>
      tpu.wait_dma2 semaphore(%arg28 : memref<!tpu.dma_semaphore, #tpu.memory_space<semaphore_mem>>) src(%dma_wait3A_1326 : memref<50x32xf32, #tpu.memory_space<vmem>>) dst(%dma_wait3A_1323 : memref<50x32xf32, #tpu.memory_space<hbm>>)
      %add3A_1327 = arith.constant 8 : i32
      %add3A_1328 = arith.addi %mul3A_666, %add3A_1327 : i32
      %add3A_1329 = arith.constant 6 : i32
      %add3A_1330 = arith.addi %add3A_1328, %add3A_1329 : i32
      %dma_start3A_1331 = arith.constant 0 : i32
      %dma_start3A_1332 = tpu.memref_slice %arg5[%add3A_1330, %dma_start3A_1331] : memref<256x100xi32, #tpu.memory_space<vmem>> -> memref<1x100xi32, #tpu.memory_space<vmem>>
      %dma_start3A_1333 = tpu.memref_squeeze %dma_start3A_1332 : memref<1x100xi32, #tpu.memory_space<vmem>> -> memref<100xi32, #tpu.memory_space<vmem>>
      %dma_start3A_1334 = arith.constant 0 : i32
      %dma_start3A_1335 = arith.constant 0 : i32
      %dma_start3A_1336 = tpu.memref_slice %arg3[%dma_start3A_1334, %dma_start3A_1335] : memref<1000000x32xf32, #tpu.memory_space<hbm>> -> memref<1000000x32xf32, #tpu.memory_space<hbm>>
      tpu.enqueue_indirect_dma source(%dma_start3A_1336 : memref<1000000x32xf32, #tpu.memory_space<hbm>>) target(%arg12 : memref<100x32xf32, #tpu.memory_space<vmem>>) offsets(%dma_start3A_1333 : memref<100xi32, #tpu.memory_space<vmem>>) semaphore(%arg20 : memref<!tpu.dma_semaphore, #tpu.memory_space<semaphore_mem>>)
      %add3A_1337 = arith.constant 0 : i32
      %add3A_1338 = arith.addi %mul3A_2, %add3A_1337 : i32
      %dma_wait3A_1339 = arith.constant 0 : i32
      %dma_wait3A_1340 = arith.constant 0 : i32
      %dma_wait3A_1341 = tpu.memref_slice %arg13[%dma_wait3A_1339, %dma_wait3A_1340] : memref<100x32xf32, #tpu.memory_space<vmem>> -> memref<50x32xf32, #tpu.memory_space<vmem>>
      %dma_wait3A_1342 = arith.constant 0 : i32
      %dma_wait3A_1343 = arith.constant 0 : i32
      %dma_wait3A_1344 = tpu.memref_slice %arg4[%add3A_1338, %dma_wait3A_1342, %dma_wait3A_1343] : memref<16384x56x128xf32, #tpu.memory_space<hbm>> -> memref<1x50x32xf32, #tpu.memory_space<hbm>>
      %dma_wait3A_1345 = tpu.memref_squeeze %dma_wait3A_1344 : memref<1x50x32xf32, #tpu.memory_space<hbm>> -> memref<50x32xf32, #tpu.memory_space<hbm>>
      %dma_wait3A_1346 = arith.constant 0 : i32
      %dma_wait3A_1347 = arith.constant 0 : i32
      %dma_wait3A_1348 = tpu.memref_slice %arg4[%add3A_1338, %dma_wait3A_1346, %dma_wait3A_1347] : memref<16384x56x128xf32, #tpu.memory_space<hbm>> -> memref<1x50x32xf32, #tpu.memory_space<hbm>>
      %dma_wait3A_1349 = tpu.memref_squeeze %dma_wait3A_1348 : memref<1x50x32xf32, #tpu.memory_space<hbm>> -> memref<50x32xf32, #tpu.memory_space<hbm>>
      %dma_wait3A_1350 = arith.constant 0 : i32
      %dma_wait3A_1351 = arith.constant 0 : i32
      %dma_wait3A_1352 = tpu.memref_slice %arg13[%dma_wait3A_1350, %dma_wait3A_1351] : memref<100x32xf32, #tpu.memory_space<vmem>> -> memref<50x32xf32, #tpu.memory_space<vmem>>
      tpu.wait_dma2 semaphore(%arg29 : memref<!tpu.dma_semaphore, #tpu.memory_space<semaphore_mem>>) src(%dma_wait3A_1352 : memref<50x32xf32, #tpu.memory_space<vmem>>) dst(%dma_wait3A_1349 : memref<50x32xf32, #tpu.memory_space<hbm>>)
      %add3A_1353 = arith.constant 1 : i32
      %add3A_1354 = arith.addi %mul3A_2, %add3A_1353 : i32
      %dma_wait3A_1355 = arith.constant 50 : i32
      %dma_wait3A_1356 = arith.constant 0 : i32
      %dma_wait3A_1357 = tpu.memref_slice %arg13[%dma_wait3A_1355, %dma_wait3A_1356] : memref<100x32xf32, #tpu.memory_space<vmem>> -> memref<50x32xf32, #tpu.memory_space<vmem>>
      %dma_wait3A_1358 = arith.constant 0 : i32
      %dma_wait3A_1359 = arith.constant 0 : i32
      %dma_wait3A_1360 = tpu.memref_slice %arg4[%add3A_1354, %dma_wait3A_1358, %dma_wait3A_1359] : memref<16384x56x128xf32, #tpu.memory_space<hbm>> -> memref<1x50x32xf32, #tpu.memory_space<hbm>>
      %dma_wait3A_1361 = tpu.memref_squeeze %dma_wait3A_1360 : memref<1x50x32xf32, #tpu.memory_space<hbm>> -> memref<50x32xf32, #tpu.memory_space<hbm>>
      %dma_wait3A_1362 = arith.constant 0 : i32
      %dma_wait3A_1363 = arith.constant 0 : i32
      %dma_wait3A_1364 = tpu.memref_slice %arg4[%add3A_1354, %dma_wait3A_1362, %dma_wait3A_1363] : memref<16384x56x128xf32, #tpu.memory_space<hbm>> -> memref<1x50x32xf32, #tpu.memory_space<hbm>>
      %dma_wait3A_1365 = tpu.memref_squeeze %dma_wait3A_1364 : memref<1x50x32xf32, #tpu.memory_space<hbm>> -> memref<50x32xf32, #tpu.memory_space<hbm>>
      %dma_wait3A_1366 = arith.constant 50 : i32
      %dma_wait3A_1367 = arith.constant 0 : i32
      %dma_wait3A_1368 = tpu.memref_slice %arg13[%dma_wait3A_1366, %dma_wait3A_1367] : memref<100x32xf32, #tpu.memory_space<vmem>> -> memref<50x32xf32, #tpu.memory_space<vmem>>
      tpu.wait_dma2 semaphore(%arg29 : memref<!tpu.dma_semaphore, #tpu.memory_space<semaphore_mem>>) src(%dma_wait3A_1368 : memref<50x32xf32, #tpu.memory_space<vmem>>) dst(%dma_wait3A_1365 : memref<50x32xf32, #tpu.memory_space<hbm>>)
      %add3A_1369 = arith.constant 8 : i32
      %add3A_1370 = arith.addi %mul3A_666, %add3A_1369 : i32
      %add3A_1371 = arith.constant 7 : i32
      %add3A_1372 = arith.addi %add3A_1370, %add3A_1371 : i32
      %dma_start3A_1373 = arith.constant 0 : i32
      %dma_start3A_1374 = tpu.memref_slice %arg5[%add3A_1372, %dma_start3A_1373] : memref<256x100xi32, #tpu.memory_space<vmem>> -> memref<1x100xi32, #tpu.memory_space<vmem>>
      %dma_start3A_1375 = tpu.memref_squeeze %dma_start3A_1374 : memref<1x100xi32, #tpu.memory_space<vmem>> -> memref<100xi32, #tpu.memory_space<vmem>>
      %dma_start3A_1376 = arith.constant 0 : i32
      %dma_start3A_1377 = arith.constant 0 : i32
      %dma_start3A_1378 = tpu.memref_slice %arg3[%dma_start3A_1376, %dma_start3A_1377] : memref<1000000x32xf32, #tpu.memory_space<hbm>> -> memref<1000000x32xf32, #tpu.memory_space<hbm>>
      tpu.enqueue_indirect_dma source(%dma_start3A_1378 : memref<1000000x32xf32, #tpu.memory_space<hbm>>) target(%arg13 : memref<100x32xf32, #tpu.memory_space<vmem>>) offsets(%dma_start3A_1375 : memref<100xi32, #tpu.memory_space<vmem>>) semaphore(%arg21 : memref<!tpu.dma_semaphore, #tpu.memory_space<semaphore_mem>>)
    }
    %scan3A_64 = arith.constant 31 : i32
    %dma_wait3A = arith.constant 0 : i32
    %dma_wait3A_65 = arith.constant 0 : i32
    %dma_wait3A_66 = tpu.memref_slice %arg5[%dma_wait3A, %dma_wait3A_65] : memref<256x100xi32, #tpu.memory_space<vmem>> -> memref<1x100xi32, #tpu.memory_space<vmem>>
    %dma_wait3A_67 = tpu.memref_squeeze %dma_wait3A_66 : memref<1x100xi32, #tpu.memory_space<vmem>> -> memref<100xi32, #tpu.memory_space<vmem>>
    %dma_wait3A_68 = arith.constant 0 : i32
    %dma_wait3A_69 = arith.constant 0 : i32
    %dma_wait3A_70 = tpu.memref_slice %arg3[%dma_wait3A_68, %dma_wait3A_69] : memref<1000000x32xf32, #tpu.memory_space<hbm>> -> memref<1000000x32xf32, #tpu.memory_space<hbm>>
    tpu.wait_indirect_dma semaphore(%arg14 : memref<!tpu.dma_semaphore, #tpu.memory_space<semaphore_mem>>) src(%dma_wait3A_70 : memref<1000000x32xf32, #tpu.memory_space<hbm>>) dst(%arg6 : memref<100x32xf32, #tpu.memory_space<vmem>>)
    %add3A_71 = arith.constant 496 : i32
    %add3A_72 = arith.addi %mul3A_2, %add3A_71 : i32
    %add3A_73 = arith.constant 0 : i32
    %add3A_74 = arith.addi %add3A_72, %add3A_73 : i32
    %dma_start3A_75 = arith.constant 0 : i32
    %dma_start3A_76 = arith.constant 0 : i32
    %dma_start3A_77 = tpu.memref_slice %arg6[%dma_start3A_75, %dma_start3A_76] : memref<100x32xf32, #tpu.memory_space<vmem>> -> memref<50x32xf32, #tpu.memory_space<vmem>>
    %dma_start3A_78 = arith.constant 0 : i32
    %dma_start3A_79 = arith.constant 0 : i32
    %dma_start3A_80 = tpu.memref_slice %arg4[%add3A_74, %dma_start3A_78, %dma_start3A_79] : memref<16384x56x128xf32, #tpu.memory_space<hbm>> -> memref<1x50x32xf32, #tpu.memory_space<hbm>>
    %dma_start3A_81 = tpu.memref_squeeze %dma_start3A_80 : memref<1x50x32xf32, #tpu.memory_space<hbm>> -> memref<50x32xf32, #tpu.memory_space<hbm>>
    %dma_start3A_82 = arith.constant 0 : i32
    %dma_start3A_83 = arith.constant 0 : i32
    %dma_start3A_84 = tpu.memref_slice %arg4[%add3A_74, %dma_start3A_82, %dma_start3A_83] : memref<16384x56x128xf32, #tpu.memory_space<hbm>> -> memref<1x50x32xf32, #tpu.memory_space<hbm>>
    %dma_start3A_85 = tpu.memref_squeeze %dma_start3A_84 : memref<1x50x32xf32, #tpu.memory_space<hbm>> -> memref<50x32xf32, #tpu.memory_space<hbm>>
    %dma_start3A_86 = arith.constant 0 : i32
    %dma_start3A_87 = arith.constant 0 : i32
    %dma_start3A_88 = tpu.memref_slice %arg6[%dma_start3A_86, %dma_start3A_87] : memref<100x32xf32, #tpu.memory_space<vmem>> -> memref<50x32xf32, #tpu.memory_space<vmem>>
    tpu.enqueue_dma source(%dma_start3A_88 : memref<50x32xf32, #tpu.memory_space<vmem>>) target(%dma_start3A_85 : memref<50x32xf32, #tpu.memory_space<hbm>>) target_semaphore(%arg22 : memref<!tpu.dma_semaphore, #tpu.memory_space<semaphore_mem>>)
    %add3A_89 = arith.constant 496 : i32
    %add3A_90 = arith.addi %mul3A_2, %add3A_89 : i32
    %add3A_91 = arith.constant 1 : i32
    %add3A_92 = arith.addi %add3A_90, %add3A_91 : i32
    %dma_start3A_93 = arith.constant 50 : i32
    %dma_start3A_94 = arith.constant 0 : i32
    %dma_start3A_95 = tpu.memref_slice %arg6[%dma_start3A_93, %dma_start3A_94] : memref<100x32xf32, #tpu.memory_space<vmem>> -> memref<50x32xf32, #tpu.memory_space<vmem>>
    %dma_start3A_96 = arith.constant 0 : i32
    %dma_start3A_97 = arith.constant 0 : i32
    %dma_start3A_98 = tpu.memref_slice %arg4[%add3A_92, %dma_start3A_96, %dma_start3A_97] : memref<16384x56x128xf32, #tpu.memory_space<hbm>> -> memref<1x50x32xf32, #tpu.memory_space<hbm>>
    %dma_start3A_99 = tpu.memref_squeeze %dma_start3A_98 : memref<1x50x32xf32, #tpu.memory_space<hbm>> -> memref<50x32xf32, #tpu.memory_space<hbm>>
    %dma_start3A_100 = arith.constant 0 : i32
    %dma_start3A_101 = arith.constant 0 : i32
    %dma_start3A_102 = tpu.memref_slice %arg4[%add3A_92, %dma_start3A_100, %dma_start3A_101] : memref<16384x56x128xf32, #tpu.memory_space<hbm>> -> memref<1x50x32xf32, #tpu.memory_space<hbm>>
    %dma_start3A_103 = tpu.memref_squeeze %dma_start3A_102 : memref<1x50x32xf32, #tpu.memory_space<hbm>> -> memref<50x32xf32, #tpu.memory_space<hbm>>
    %dma_start3A_104 = arith.constant 50 : i32
    %dma_start3A_105 = arith.constant 0 : i32
    %dma_start3A_106 = tpu.memref_slice %arg6[%dma_start3A_104, %dma_start3A_105] : memref<100x32xf32, #tpu.memory_space<vmem>> -> memref<50x32xf32, #tpu.memory_space<vmem>>
    tpu.enqueue_dma source(%dma_start3A_106 : memref<50x32xf32, #tpu.memory_space<vmem>>) target(%dma_start3A_103 : memref<50x32xf32, #tpu.memory_space<hbm>>) target_semaphore(%arg22 : memref<!tpu.dma_semaphore, #tpu.memory_space<semaphore_mem>>)
    %dma_wait3A_107 = arith.constant 0 : i32
    %dma_wait3A_108 = arith.constant 0 : i32
    %dma_wait3A_109 = tpu.memref_slice %arg5[%dma_wait3A_107, %dma_wait3A_108] : memref<256x100xi32, #tpu.memory_space<vmem>> -> memref<1x100xi32, #tpu.memory_space<vmem>>
    %dma_wait3A_110 = tpu.memref_squeeze %dma_wait3A_109 : memref<1x100xi32, #tpu.memory_space<vmem>> -> memref<100xi32, #tpu.memory_space<vmem>>
    %dma_wait3A_111 = arith.constant 0 : i32
    %dma_wait3A_112 = arith.constant 0 : i32
    %dma_wait3A_113 = tpu.memref_slice %arg3[%dma_wait3A_111, %dma_wait3A_112] : memref<1000000x32xf32, #tpu.memory_space<hbm>> -> memref<1000000x32xf32, #tpu.memory_space<hbm>>
    tpu.wait_indirect_dma semaphore(%arg15 : memref<!tpu.dma_semaphore, #tpu.memory_space<semaphore_mem>>) src(%dma_wait3A_113 : memref<1000000x32xf32, #tpu.memory_space<hbm>>) dst(%arg7 : memref<100x32xf32, #tpu.memory_space<vmem>>)
    %add3A_114 = arith.constant 498 : i32
    %add3A_115 = arith.addi %mul3A_2, %add3A_114 : i32
    %add3A_116 = arith.constant 0 : i32
    %add3A_117 = arith.addi %add3A_115, %add3A_116 : i32
    %dma_start3A_118 = arith.constant 0 : i32
    %dma_start3A_119 = arith.constant 0 : i32
    %dma_start3A_120 = tpu.memref_slice %arg7[%dma_start3A_118, %dma_start3A_119] : memref<100x32xf32, #tpu.memory_space<vmem>> -> memref<50x32xf32, #tpu.memory_space<vmem>>
    %dma_start3A_121 = arith.constant 0 : i32
    %dma_start3A_122 = arith.constant 0 : i32
    %dma_start3A_123 = tpu.memref_slice %arg4[%add3A_117, %dma_start3A_121, %dma_start3A_122] : memref<16384x56x128xf32, #tpu.memory_space<hbm>> -> memref<1x50x32xf32, #tpu.memory_space<hbm>>
    %dma_start3A_124 = tpu.memref_squeeze %dma_start3A_123 : memref<1x50x32xf32, #tpu.memory_space<hbm>> -> memref<50x32xf32, #tpu.memory_space<hbm>>
    %dma_start3A_125 = arith.constant 0 : i32
    %dma_start3A_126 = arith.constant 0 : i32
    %dma_start3A_127 = tpu.memref_slice %arg4[%add3A_117, %dma_start3A_125, %dma_start3A_126] : memref<16384x56x128xf32, #tpu.memory_space<hbm>> -> memref<1x50x32xf32, #tpu.memory_space<hbm>>
    %dma_start3A_128 = tpu.memref_squeeze %dma_start3A_127 : memref<1x50x32xf32, #tpu.memory_space<hbm>> -> memref<50x32xf32, #tpu.memory_space<hbm>>
    %dma_start3A_129 = arith.constant 0 : i32
    %dma_start3A_130 = arith.constant 0 : i32
    %dma_start3A_131 = tpu.memref_slice %arg7[%dma_start3A_129, %dma_start3A_130] : memref<100x32xf32, #tpu.memory_space<vmem>> -> memref<50x32xf32, #tpu.memory_space<vmem>>
    tpu.enqueue_dma source(%dma_start3A_131 : memref<50x32xf32, #tpu.memory_space<vmem>>) target(%dma_start3A_128 : memref<50x32xf32, #tpu.memory_space<hbm>>) target_semaphore(%arg23 : memref<!tpu.dma_semaphore, #tpu.memory_space<semaphore_mem>>)
    %add3A_132 = arith.constant 498 : i32
    %add3A_133 = arith.addi %mul3A_2, %add3A_132 : i32
    %add3A_134 = arith.constant 1 : i32
    %add3A_135 = arith.addi %add3A_133, %add3A_134 : i32
    %dma_start3A_136 = arith.constant 50 : i32
    %dma_start3A_137 = arith.constant 0 : i32
    %dma_start3A_138 = tpu.memref_slice %arg7[%dma_start3A_136, %dma_start3A_137] : memref<100x32xf32, #tpu.memory_space<vmem>> -> memref<50x32xf32, #tpu.memory_space<vmem>>
    %dma_start3A_139 = arith.constant 0 : i32
    %dma_start3A_140 = arith.constant 0 : i32
    %dma_start3A_141 = tpu.memref_slice %arg4[%add3A_135, %dma_start3A_139, %dma_start3A_140] : memref<16384x56x128xf32, #tpu.memory_space<hbm>> -> memref<1x50x32xf32, #tpu.memory_space<hbm>>
    %dma_start3A_142 = tpu.memref_squeeze %dma_start3A_141 : memref<1x50x32xf32, #tpu.memory_space<hbm>> -> memref<50x32xf32, #tpu.memory_space<hbm>>
    %dma_start3A_143 = arith.constant 0 : i32
    %dma_start3A_144 = arith.constant 0 : i32
    %dma_start3A_145 = tpu.memref_slice %arg4[%add3A_135, %dma_start3A_143, %dma_start3A_144] : memref<16384x56x128xf32, #tpu.memory_space<hbm>> -> memref<1x50x32xf32, #tpu.memory_space<hbm>>
    %dma_start3A_146 = tpu.memref_squeeze %dma_start3A_145 : memref<1x50x32xf32, #tpu.memory_space<hbm>> -> memref<50x32xf32, #tpu.memory_space<hbm>>
    %dma_start3A_147 = arith.constant 50 : i32
    %dma_start3A_148 = arith.constant 0 : i32
    %dma_start3A_149 = tpu.memref_slice %arg7[%dma_start3A_147, %dma_start3A_148] : memref<100x32xf32, #tpu.memory_space<vmem>> -> memref<50x32xf32, #tpu.memory_space<vmem>>
    tpu.enqueue_dma source(%dma_start3A_149 : memref<50x32xf32, #tpu.memory_space<vmem>>) target(%dma_start3A_146 : memref<50x32xf32, #tpu.memory_space<hbm>>) target_semaphore(%arg23 : memref<!tpu.dma_semaphore, #tpu.memory_space<semaphore_mem>>)
    %dma_wait3A_150 = arith.constant 0 : i32
    %dma_wait3A_151 = arith.constant 0 : i32
    %dma_wait3A_152 = tpu.memref_slice %arg5[%dma_wait3A_150, %dma_wait3A_151] : memref<256x100xi32, #tpu.memory_space<vmem>> -> memref<1x100xi32, #tpu.memory_space<vmem>>
    %dma_wait3A_153 = tpu.memref_squeeze %dma_wait3A_152 : memref<1x100xi32, #tpu.memory_space<vmem>> -> memref<100xi32, #tpu.memory_space<vmem>>
    %dma_wait3A_154 = arith.constant 0 : i32
    %dma_wait3A_155 = arith.constant 0 : i32
    %dma_wait3A_156 = tpu.memref_slice %arg3[%dma_wait3A_154, %dma_wait3A_155] : memref<1000000x32xf32, #tpu.memory_space<hbm>> -> memref<1000000x32xf32, #tpu.memory_space<hbm>>
    tpu.wait_indirect_dma semaphore(%arg16 : memref<!tpu.dma_semaphore, #tpu.memory_space<semaphore_mem>>) src(%dma_wait3A_156 : memref<1000000x32xf32, #tpu.memory_space<hbm>>) dst(%arg8 : memref<100x32xf32, #tpu.memory_space<vmem>>)
    %add3A_157 = arith.constant 500 : i32
    %add3A_158 = arith.addi %mul3A_2, %add3A_157 : i32
    %add3A_159 = arith.constant 0 : i32
    %add3A_160 = arith.addi %add3A_158, %add3A_159 : i32
    %dma_start3A_161 = arith.constant 0 : i32
    %dma_start3A_162 = arith.constant 0 : i32
    %dma_start3A_163 = tpu.memref_slice %arg8[%dma_start3A_161, %dma_start3A_162] : memref<100x32xf32, #tpu.memory_space<vmem>> -> memref<50x32xf32, #tpu.memory_space<vmem>>
    %dma_start3A_164 = arith.constant 0 : i32
    %dma_start3A_165 = arith.constant 0 : i32
    %dma_start3A_166 = tpu.memref_slice %arg4[%add3A_160, %dma_start3A_164, %dma_start3A_165] : memref<16384x56x128xf32, #tpu.memory_space<hbm>> -> memref<1x50x32xf32, #tpu.memory_space<hbm>>
    %dma_start3A_167 = tpu.memref_squeeze %dma_start3A_166 : memref<1x50x32xf32, #tpu.memory_space<hbm>> -> memref<50x32xf32, #tpu.memory_space<hbm>>
    %dma_start3A_168 = arith.constant 0 : i32
    %dma_start3A_169 = arith.constant 0 : i32
    %dma_start3A_170 = tpu.memref_slice %arg4[%add3A_160, %dma_start3A_168, %dma_start3A_169] : memref<16384x56x128xf32, #tpu.memory_space<hbm>> -> memref<1x50x32xf32, #tpu.memory_space<hbm>>
    %dma_start3A_171 = tpu.memref_squeeze %dma_start3A_170 : memref<1x50x32xf32, #tpu.memory_space<hbm>> -> memref<50x32xf32, #tpu.memory_space<hbm>>
    %dma_start3A_172 = arith.constant 0 : i32
    %dma_start3A_173 = arith.constant 0 : i32
    %dma_start3A_174 = tpu.memref_slice %arg8[%dma_start3A_172, %dma_start3A_173] : memref<100x32xf32, #tpu.memory_space<vmem>> -> memref<50x32xf32, #tpu.memory_space<vmem>>
    tpu.enqueue_dma source(%dma_start3A_174 : memref<50x32xf32, #tpu.memory_space<vmem>>) target(%dma_start3A_171 : memref<50x32xf32, #tpu.memory_space<hbm>>) target_semaphore(%arg24 : memref<!tpu.dma_semaphore, #tpu.memory_space<semaphore_mem>>)
    %add3A_175 = arith.constant 500 : i32
    %add3A_176 = arith.addi %mul3A_2, %add3A_175 : i32
    %add3A_177 = arith.constant 1 : i32
    %add3A_178 = arith.addi %add3A_176, %add3A_177 : i32
    %dma_start3A_179 = arith.constant 50 : i32
    %dma_start3A_180 = arith.constant 0 : i32
    %dma_start3A_181 = tpu.memref_slice %arg8[%dma_start3A_179, %dma_start3A_180] : memref<100x32xf32, #tpu.memory_space<vmem>> -> memref<50x32xf32, #tpu.memory_space<vmem>>
    %dma_start3A_182 = arith.constant 0 : i32
    %dma_start3A_183 = arith.constant 0 : i32
    %dma_start3A_184 = tpu.memref_slice %arg4[%add3A_178, %dma_start3A_182, %dma_start3A_183] : memref<16384x56x128xf32, #tpu.memory_space<hbm>> -> memref<1x50x32xf32, #tpu.memory_space<hbm>>
    %dma_start3A_185 = tpu.memref_squeeze %dma_start3A_184 : memref<1x50x32xf32, #tpu.memory_space<hbm>> -> memref<50x32xf32, #tpu.memory_space<hbm>>
    %dma_start3A_186 = arith.constant 0 : i32
    %dma_start3A_187 = arith.constant 0 : i32
    %dma_start3A_188 = tpu.memref_slice %arg4[%add3A_178, %dma_start3A_186, %dma_start3A_187] : memref<16384x56x128xf32, #tpu.memory_space<hbm>> -> memref<1x50x32xf32, #tpu.memory_space<hbm>>
    %dma_start3A_189 = tpu.memref_squeeze %dma_start3A_188 : memref<1x50x32xf32, #tpu.memory_space<hbm>> -> memref<50x32xf32, #tpu.memory_space<hbm>>
    %dma_start3A_190 = arith.constant 50 : i32
    %dma_start3A_191 = arith.constant 0 : i32
    %dma_start3A_192 = tpu.memref_slice %arg8[%dma_start3A_190, %dma_start3A_191] : memref<100x32xf32, #tpu.memory_space<vmem>> -> memref<50x32xf32, #tpu.memory_space<vmem>>
    tpu.enqueue_dma source(%dma_start3A_192 : memref<50x32xf32, #tpu.memory_space<vmem>>) target(%dma_start3A_189 : memref<50x32xf32, #tpu.memory_space<hbm>>) target_semaphore(%arg24 : memref<!tpu.dma_semaphore, #tpu.memory_space<semaphore_mem>>)
    %dma_wait3A_193 = arith.constant 0 : i32
    %dma_wait3A_194 = arith.constant 0 : i32
    %dma_wait3A_195 = tpu.memref_slice %arg5[%dma_wait3A_193, %dma_wait3A_194] : memref<256x100xi32, #tpu.memory_space<vmem>> -> memref<1x100xi32, #tpu.memory_space<vmem>>
    %dma_wait3A_196 = tpu.memref_squeeze %dma_wait3A_195 : memref<1x100xi32, #tpu.memory_space<vmem>> -> memref<100xi32, #tpu.memory_space<vmem>>
    %dma_wait3A_197 = arith.constant 0 : i32
    %dma_wait3A_198 = arith.constant 0 : i32
    %dma_wait3A_199 = tpu.memref_slice %arg3[%dma_wait3A_197, %dma_wait3A_198] : memref<1000000x32xf32, #tpu.memory_space<hbm>> -> memref<1000000x32xf32, #tpu.memory_space<hbm>>
    tpu.wait_indirect_dma semaphore(%arg17 : memref<!tpu.dma_semaphore, #tpu.memory_space<semaphore_mem>>) src(%dma_wait3A_199 : memref<1000000x32xf32, #tpu.memory_space<hbm>>) dst(%arg9 : memref<100x32xf32, #tpu.memory_space<vmem>>)
    %add3A_200 = arith.constant 502 : i32
    %add3A_201 = arith.addi %mul3A_2, %add3A_200 : i32
    %add3A_202 = arith.constant 0 : i32
    %add3A_203 = arith.addi %add3A_201, %add3A_202 : i32
    %dma_start3A_204 = arith.constant 0 : i32
    %dma_start3A_205 = arith.constant 0 : i32
    %dma_start3A_206 = tpu.memref_slice %arg9[%dma_start3A_204, %dma_start3A_205] : memref<100x32xf32, #tpu.memory_space<vmem>> -> memref<50x32xf32, #tpu.memory_space<vmem>>
    %dma_start3A_207 = arith.constant 0 : i32
    %dma_start3A_208 = arith.constant 0 : i32
    %dma_start3A_209 = tpu.memref_slice %arg4[%add3A_203, %dma_start3A_207, %dma_start3A_208] : memref<16384x56x128xf32, #tpu.memory_space<hbm>> -> memref<1x50x32xf32, #tpu.memory_space<hbm>>
    %dma_start3A_210 = tpu.memref_squeeze %dma_start3A_209 : memref<1x50x32xf32, #tpu.memory_space<hbm>> -> memref<50x32xf32, #tpu.memory_space<hbm>>
    %dma_start3A_211 = arith.constant 0 : i32
    %dma_start3A_212 = arith.constant 0 : i32
    %dma_start3A_213 = tpu.memref_slice %arg4[%add3A_203, %dma_start3A_211, %dma_start3A_212] : memref<16384x56x128xf32, #tpu.memory_space<hbm>> -> memref<1x50x32xf32, #tpu.memory_space<hbm>>
    %dma_start3A_214 = tpu.memref_squeeze %dma_start3A_213 : memref<1x50x32xf32, #tpu.memory_space<hbm>> -> memref<50x32xf32, #tpu.memory_space<hbm>>
    %dma_start3A_215 = arith.constant 0 : i32
    %dma_start3A_216 = arith.constant 0 : i32
    %dma_start3A_217 = tpu.memref_slice %arg9[%dma_start3A_215, %dma_start3A_216] : memref<100x32xf32, #tpu.memory_space<vmem>> -> memref<50x32xf32, #tpu.memory_space<vmem>>
    tpu.enqueue_dma source(%dma_start3A_217 : memref<50x32xf32, #tpu.memory_space<vmem>>) target(%dma_start3A_214 : memref<50x32xf32, #tpu.memory_space<hbm>>) target_semaphore(%arg25 : memref<!tpu.dma_semaphore, #tpu.memory_space<semaphore_mem>>)
    %add3A_218 = arith.constant 502 : i32
    %add3A_219 = arith.addi %mul3A_2, %add3A_218 : i32
    %add3A_220 = arith.constant 1 : i32
    %add3A_221 = arith.addi %add3A_219, %add3A_220 : i32
    %dma_start3A_222 = arith.constant 50 : i32
    %dma_start3A_223 = arith.constant 0 : i32
    %dma_start3A_224 = tpu.memref_slice %arg9[%dma_start3A_222, %dma_start3A_223] : memref<100x32xf32, #tpu.memory_space<vmem>> -> memref<50x32xf32, #tpu.memory_space<vmem>>
    %dma_start3A_225 = arith.constant 0 : i32
    %dma_start3A_226 = arith.constant 0 : i32
    %dma_start3A_227 = tpu.memref_slice %arg4[%add3A_221, %dma_start3A_225, %dma_start3A_226] : memref<16384x56x128xf32, #tpu.memory_space<hbm>> -> memref<1x50x32xf32, #tpu.memory_space<hbm>>
    %dma_start3A_228 = tpu.memref_squeeze %dma_start3A_227 : memref<1x50x32xf32, #tpu.memory_space<hbm>> -> memref<50x32xf32, #tpu.memory_space<hbm>>
    %dma_start3A_229 = arith.constant 0 : i32
    %dma_start3A_230 = arith.constant 0 : i32
    %dma_start3A_231 = tpu.memref_slice %arg4[%add3A_221, %dma_start3A_229, %dma_start3A_230] : memref<16384x56x128xf32, #tpu.memory_space<hbm>> -> memref<1x50x32xf32, #tpu.memory_space<hbm>>
    %dma_start3A_232 = tpu.memref_squeeze %dma_start3A_231 : memref<1x50x32xf32, #tpu.memory_space<hbm>> -> memref<50x32xf32, #tpu.memory_space<hbm>>
    %dma_start3A_233 = arith.constant 50 : i32
    %dma_start3A_234 = arith.constant 0 : i32
    %dma_start3A_235 = tpu.memref_slice %arg9[%dma_start3A_233, %dma_start3A_234] : memref<100x32xf32, #tpu.memory_space<vmem>> -> memref<50x32xf32, #tpu.memory_space<vmem>>
    tpu.enqueue_dma source(%dma_start3A_235 : memref<50x32xf32, #tpu.memory_space<vmem>>) target(%dma_start3A_232 : memref<50x32xf32, #tpu.memory_space<hbm>>) target_semaphore(%arg25 : memref<!tpu.dma_semaphore, #tpu.memory_space<semaphore_mem>>)
    %dma_wait3A_236 = arith.constant 0 : i32
    %dma_wait3A_237 = arith.constant 0 : i32
    %dma_wait3A_238 = tpu.memref_slice %arg5[%dma_wait3A_236, %dma_wait3A_237] : memref<256x100xi32, #tpu.memory_space<vmem>> -> memref<1x100xi32, #tpu.memory_space<vmem>>
    %dma_wait3A_239 = tpu.memref_squeeze %dma_wait3A_238 : memref<1x100xi32, #tpu.memory_space<vmem>> -> memref<100xi32, #tpu.memory_space<vmem>>
    %dma_wait3A_240 = arith.constant 0 : i32
    %dma_wait3A_241 = arith.constant 0 : i32
    %dma_wait3A_242 = tpu.memref_slice %arg3[%dma_wait3A_240, %dma_wait3A_241] : memref<1000000x32xf32, #tpu.memory_space<hbm>> -> memref<1000000x32xf32, #tpu.memory_space<hbm>>
    tpu.wait_indirect_dma semaphore(%arg18 : memref<!tpu.dma_semaphore, #tpu.memory_space<semaphore_mem>>) src(%dma_wait3A_242 : memref<1000000x32xf32, #tpu.memory_space<hbm>>) dst(%arg10 : memref<100x32xf32, #tpu.memory_space<vmem>>)
    %add3A_243 = arith.constant 504 : i32
    %add3A_244 = arith.addi %mul3A_2, %add3A_243 : i32
    %add3A_245 = arith.constant 0 : i32
    %add3A_246 = arith.addi %add3A_244, %add3A_245 : i32
    %dma_start3A_247 = arith.constant 0 : i32
    %dma_start3A_248 = arith.constant 0 : i32
    %dma_start3A_249 = tpu.memref_slice %arg10[%dma_start3A_247, %dma_start3A_248] : memref<100x32xf32, #tpu.memory_space<vmem>> -> memref<50x32xf32, #tpu.memory_space<vmem>>
    %dma_start3A_250 = arith.constant 0 : i32
    %dma_start3A_251 = arith.constant 0 : i32
    %dma_start3A_252 = tpu.memref_slice %arg4[%add3A_246, %dma_start3A_250, %dma_start3A_251] : memref<16384x56x128xf32, #tpu.memory_space<hbm>> -> memref<1x50x32xf32, #tpu.memory_space<hbm>>
    %dma_start3A_253 = tpu.memref_squeeze %dma_start3A_252 : memref<1x50x32xf32, #tpu.memory_space<hbm>> -> memref<50x32xf32, #tpu.memory_space<hbm>>
    %dma_start3A_254 = arith.constant 0 : i32
    %dma_start3A_255 = arith.constant 0 : i32
    %dma_start3A_256 = tpu.memref_slice %arg4[%add3A_246, %dma_start3A_254, %dma_start3A_255] : memref<16384x56x128xf32, #tpu.memory_space<hbm>> -> memref<1x50x32xf32, #tpu.memory_space<hbm>>
    %dma_start3A_257 = tpu.memref_squeeze %dma_start3A_256 : memref<1x50x32xf32, #tpu.memory_space<hbm>> -> memref<50x32xf32, #tpu.memory_space<hbm>>
    %dma_start3A_258 = arith.constant 0 : i32
    %dma_start3A_259 = arith.constant 0 : i32
    %dma_start3A_260 = tpu.memref_slice %arg10[%dma_start3A_258, %dma_start3A_259] : memref<100x32xf32, #tpu.memory_space<vmem>> -> memref<50x32xf32, #tpu.memory_space<vmem>>
    tpu.enqueue_dma source(%dma_start3A_260 : memref<50x32xf32, #tpu.memory_space<vmem>>) target(%dma_start3A_257 : memref<50x32xf32, #tpu.memory_space<hbm>>) target_semaphore(%arg26 : memref<!tpu.dma_semaphore, #tpu.memory_space<semaphore_mem>>)
    %add3A_261 = arith.constant 504 : i32
    %add3A_262 = arith.addi %mul3A_2, %add3A_261 : i32
    %add3A_263 = arith.constant 1 : i32
    %add3A_264 = arith.addi %add3A_262, %add3A_263 : i32
    %dma_start3A_265 = arith.constant 50 : i32
    %dma_start3A_266 = arith.constant 0 : i32
    %dma_start3A_267 = tpu.memref_slice %arg10[%dma_start3A_265, %dma_start3A_266] : memref<100x32xf32, #tpu.memory_space<vmem>> -> memref<50x32xf32, #tpu.memory_space<vmem>>
    %dma_start3A_268 = arith.constant 0 : i32
    %dma_start3A_269 = arith.constant 0 : i32
    %dma_start3A_270 = tpu.memref_slice %arg4[%add3A_264, %dma_start3A_268, %dma_start3A_269] : memref<16384x56x128xf32, #tpu.memory_space<hbm>> -> memref<1x50x32xf32, #tpu.memory_space<hbm>>
    %dma_start3A_271 = tpu.memref_squeeze %dma_start3A_270 : memref<1x50x32xf32, #tpu.memory_space<hbm>> -> memref<50x32xf32, #tpu.memory_space<hbm>>
    %dma_start3A_272 = arith.constant 0 : i32
    %dma_start3A_273 = arith.constant 0 : i32
    %dma_start3A_274 = tpu.memref_slice %arg4[%add3A_264, %dma_start3A_272, %dma_start3A_273] : memref<16384x56x128xf32, #tpu.memory_space<hbm>> -> memref<1x50x32xf32, #tpu.memory_space<hbm>>
    %dma_start3A_275 = tpu.memref_squeeze %dma_start3A_274 : memref<1x50x32xf32, #tpu.memory_space<hbm>> -> memref<50x32xf32, #tpu.memory_space<hbm>>
    %dma_start3A_276 = arith.constant 50 : i32
    %dma_start3A_277 = arith.constant 0 : i32
    %dma_start3A_278 = tpu.memref_slice %arg10[%dma_start3A_276, %dma_start3A_277] : memref<100x32xf32, #tpu.memory_space<vmem>> -> memref<50x32xf32, #tpu.memory_space<vmem>>
    tpu.enqueue_dma source(%dma_start3A_278 : memref<50x32xf32, #tpu.memory_space<vmem>>) target(%dma_start3A_275 : memref<50x32xf32, #tpu.memory_space<hbm>>) target_semaphore(%arg26 : memref<!tpu.dma_semaphore, #tpu.memory_space<semaphore_mem>>)
    %dma_wait3A_279 = arith.constant 0 : i32
    %dma_wait3A_280 = arith.constant 0 : i32
    %dma_wait3A_281 = tpu.memref_slice %arg5[%dma_wait3A_279, %dma_wait3A_280] : memref<256x100xi32, #tpu.memory_space<vmem>> -> memref<1x100xi32, #tpu.memory_space<vmem>>
    %dma_wait3A_282 = tpu.memref_squeeze %dma_wait3A_281 : memref<1x100xi32, #tpu.memory_space<vmem>> -> memref<100xi32, #tpu.memory_space<vmem>>
    %dma_wait3A_283 = arith.constant 0 : i32
    %dma_wait3A_284 = arith.constant 0 : i32
    %dma_wait3A_285 = tpu.memref_slice %arg3[%dma_wait3A_283, %dma_wait3A_284] : memref<1000000x32xf32, #tpu.memory_space<hbm>> -> memref<1000000x32xf32, #tpu.memory_space<hbm>>
    tpu.wait_indirect_dma semaphore(%arg19 : memref<!tpu.dma_semaphore, #tpu.memory_space<semaphore_mem>>) src(%dma_wait3A_285 : memref<1000000x32xf32, #tpu.memory_space<hbm>>) dst(%arg11 : memref<100x32xf32, #tpu.memory_space<vmem>>)
    %add3A_286 = arith.constant 506 : i32
    %add3A_287 = arith.addi %mul3A_2, %add3A_286 : i32
    %add3A_288 = arith.constant 0 : i32
    %add3A_289 = arith.addi %add3A_287, %add3A_288 : i32
    %dma_start3A_290 = arith.constant 0 : i32
    %dma_start3A_291 = arith.constant 0 : i32
    %dma_start3A_292 = tpu.memref_slice %arg11[%dma_start3A_290, %dma_start3A_291] : memref<100x32xf32, #tpu.memory_space<vmem>> -> memref<50x32xf32, #tpu.memory_space<vmem>>
    %dma_start3A_293 = arith.constant 0 : i32
    %dma_start3A_294 = arith.constant 0 : i32
    %dma_start3A_295 = tpu.memref_slice %arg4[%add3A_289, %dma_start3A_293, %dma_start3A_294] : memref<16384x56x128xf32, #tpu.memory_space<hbm>> -> memref<1x50x32xf32, #tpu.memory_space<hbm>>
    %dma_start3A_296 = tpu.memref_squeeze %dma_start3A_295 : memref<1x50x32xf32, #tpu.memory_space<hbm>> -> memref<50x32xf32, #tpu.memory_space<hbm>>
    %dma_start3A_297 = arith.constant 0 : i32
    %dma_start3A_298 = arith.constant 0 : i32
    %dma_start3A_299 = tpu.memref_slice %arg4[%add3A_289, %dma_start3A_297, %dma_start3A_298] : memref<16384x56x128xf32, #tpu.memory_space<hbm>> -> memref<1x50x32xf32, #tpu.memory_space<hbm>>
    %dma_start3A_300 = tpu.memref_squeeze %dma_start3A_299 : memref<1x50x32xf32, #tpu.memory_space<hbm>> -> memref<50x32xf32, #tpu.memory_space<hbm>>
    %dma_start3A_301 = arith.constant 0 : i32
    %dma_start3A_302 = arith.constant 0 : i32
    %dma_start3A_303 = tpu.memref_slice %arg11[%dma_start3A_301, %dma_start3A_302] : memref<100x32xf32, #tpu.memory_space<vmem>> -> memref<50x32xf32, #tpu.memory_space<vmem>>
    tpu.enqueue_dma source(%dma_start3A_303 : memref<50x32xf32, #tpu.memory_space<vmem>>) target(%dma_start3A_300 : memref<50x32xf32, #tpu.memory_space<hbm>>) target_semaphore(%arg27 : memref<!tpu.dma_semaphore, #tpu.memory_space<semaphore_mem>>)
    %add3A_304 = arith.constant 506 : i32
    %add3A_305 = arith.addi %mul3A_2, %add3A_304 : i32
    %add3A_306 = arith.constant 1 : i32
    %add3A_307 = arith.addi %add3A_305, %add3A_306 : i32
    %dma_start3A_308 = arith.constant 50 : i32
    %dma_start3A_309 = arith.constant 0 : i32
    %dma_start3A_310 = tpu.memref_slice %arg11[%dma_start3A_308, %dma_start3A_309] : memref<100x32xf32, #tpu.memory_space<vmem>> -> memref<50x32xf32, #tpu.memory_space<vmem>>
    %dma_start3A_311 = arith.constant 0 : i32
    %dma_start3A_312 = arith.constant 0 : i32
    %dma_start3A_313 = tpu.memref_slice %arg4[%add3A_307, %dma_start3A_311, %dma_start3A_312] : memref<16384x56x128xf32, #tpu.memory_space<hbm>> -> memref<1x50x32xf32, #tpu.memory_space<hbm>>
    %dma_start3A_314 = tpu.memref_squeeze %dma_start3A_313 : memref<1x50x32xf32, #tpu.memory_space<hbm>> -> memref<50x32xf32, #tpu.memory_space<hbm>>
    %dma_start3A_315 = arith.constant 0 : i32
    %dma_start3A_316 = arith.constant 0 : i32
    %dma_start3A_317 = tpu.memref_slice %arg4[%add3A_307, %dma_start3A_315, %dma_start3A_316] : memref<16384x56x128xf32, #tpu.memory_space<hbm>> -> memref<1x50x32xf32, #tpu.memory_space<hbm>>
    %dma_start3A_318 = tpu.memref_squeeze %dma_start3A_317 : memref<1x50x32xf32, #tpu.memory_space<hbm>> -> memref<50x32xf32, #tpu.memory_space<hbm>>
    %dma_start3A_319 = arith.constant 50 : i32
    %dma_start3A_320 = arith.constant 0 : i32
    %dma_start3A_321 = tpu.memref_slice %arg11[%dma_start3A_319, %dma_start3A_320] : memref<100x32xf32, #tpu.memory_space<vmem>> -> memref<50x32xf32, #tpu.memory_space<vmem>>
    tpu.enqueue_dma source(%dma_start3A_321 : memref<50x32xf32, #tpu.memory_space<vmem>>) target(%dma_start3A_318 : memref<50x32xf32, #tpu.memory_space<hbm>>) target_semaphore(%arg27 : memref<!tpu.dma_semaphore, #tpu.memory_space<semaphore_mem>>)
    %dma_wait3A_322 = arith.constant 0 : i32
    %dma_wait3A_323 = arith.constant 0 : i32
    %dma_wait3A_324 = tpu.memref_slice %arg5[%dma_wait3A_322, %dma_wait3A_323] : memref<256x100xi32, #tpu.memory_space<vmem>> -> memref<1x100xi32, #tpu.memory_space<vmem>>
    %dma_wait3A_325 = tpu.memref_squeeze %dma_wait3A_324 : memref<1x100xi32, #tpu.memory_space<vmem>> -> memref<100xi32, #tpu.memory_space<vmem>>
    %dma_wait3A_326 = arith.constant 0 : i32
    %dma_wait3A_327 = arith.constant 0 : i32
    %dma_wait3A_328 = tpu.memref_slice %arg3[%dma_wait3A_326, %dma_wait3A_327] : memref<1000000x32xf32, #tpu.memory_space<hbm>> -> memref<1000000x32xf32, #tpu.memory_space<hbm>>
    tpu.wait_indirect_dma semaphore(%arg20 : memref<!tpu.dma_semaphore, #tpu.memory_space<semaphore_mem>>) src(%dma_wait3A_328 : memref<1000000x32xf32, #tpu.memory_space<hbm>>) dst(%arg12 : memref<100x32xf32, #tpu.memory_space<vmem>>)
    %add3A_329 = arith.constant 508 : i32
    %add3A_330 = arith.addi %mul3A_2, %add3A_329 : i32
    %add3A_331 = arith.constant 0 : i32
    %add3A_332 = arith.addi %add3A_330, %add3A_331 : i32
    %dma_start3A_333 = arith.constant 0 : i32
    %dma_start3A_334 = arith.constant 0 : i32
    %dma_start3A_335 = tpu.memref_slice %arg12[%dma_start3A_333, %dma_start3A_334] : memref<100x32xf32, #tpu.memory_space<vmem>> -> memref<50x32xf32, #tpu.memory_space<vmem>>
    %dma_start3A_336 = arith.constant 0 : i32
    %dma_start3A_337 = arith.constant 0 : i32
    %dma_start3A_338 = tpu.memref_slice %arg4[%add3A_332, %dma_start3A_336, %dma_start3A_337] : memref<16384x56x128xf32, #tpu.memory_space<hbm>> -> memref<1x50x32xf32, #tpu.memory_space<hbm>>
    %dma_start3A_339 = tpu.memref_squeeze %dma_start3A_338 : memref<1x50x32xf32, #tpu.memory_space<hbm>> -> memref<50x32xf32, #tpu.memory_space<hbm>>
    %dma_start3A_340 = arith.constant 0 : i32
    %dma_start3A_341 = arith.constant 0 : i32
    %dma_start3A_342 = tpu.memref_slice %arg4[%add3A_332, %dma_start3A_340, %dma_start3A_341] : memref<16384x56x128xf32, #tpu.memory_space<hbm>> -> memref<1x50x32xf32, #tpu.memory_space<hbm>>
    %dma_start3A_343 = tpu.memref_squeeze %dma_start3A_342 : memref<1x50x32xf32, #tpu.memory_space<hbm>> -> memref<50x32xf32, #tpu.memory_space<hbm>>
    %dma_start3A_344 = arith.constant 0 : i32
    %dma_start3A_345 = arith.constant 0 : i32
    %dma_start3A_346 = tpu.memref_slice %arg12[%dma_start3A_344, %dma_start3A_345] : memref<100x32xf32, #tpu.memory_space<vmem>> -> memref<50x32xf32, #tpu.memory_space<vmem>>
    tpu.enqueue_dma source(%dma_start3A_346 : memref<50x32xf32, #tpu.memory_space<vmem>>) target(%dma_start3A_343 : memref<50x32xf32, #tpu.memory_space<hbm>>) target_semaphore(%arg28 : memref<!tpu.dma_semaphore, #tpu.memory_space<semaphore_mem>>)
    %add3A_347 = arith.constant 508 : i32
    %add3A_348 = arith.addi %mul3A_2, %add3A_347 : i32
    %add3A_349 = arith.constant 1 : i32
    %add3A_350 = arith.addi %add3A_348, %add3A_349 : i32
    %dma_start3A_351 = arith.constant 50 : i32
    %dma_start3A_352 = arith.constant 0 : i32
    %dma_start3A_353 = tpu.memref_slice %arg12[%dma_start3A_351, %dma_start3A_352] : memref<100x32xf32, #tpu.memory_space<vmem>> -> memref<50x32xf32, #tpu.memory_space<vmem>>
    %dma_start3A_354 = arith.constant 0 : i32
    %dma_start3A_355 = arith.constant 0 : i32
    %dma_start3A_356 = tpu.memref_slice %arg4[%add3A_350, %dma_start3A_354, %dma_start3A_355] : memref<16384x56x128xf32, #tpu.memory_space<hbm>> -> memref<1x50x32xf32, #tpu.memory_space<hbm>>
    %dma_start3A_357 = tpu.memref_squeeze %dma_start3A_356 : memref<1x50x32xf32, #tpu.memory_space<hbm>> -> memref<50x32xf32, #tpu.memory_space<hbm>>
    %dma_start3A_358 = arith.constant 0 : i32
    %dma_start3A_359 = arith.constant 0 : i32
    %dma_start3A_360 = tpu.memref_slice %arg4[%add3A_350, %dma_start3A_358, %dma_start3A_359] : memref<16384x56x128xf32, #tpu.memory_space<hbm>> -> memref<1x50x32xf32, #tpu.memory_space<hbm>>
    %dma_start3A_361 = tpu.memref_squeeze %dma_start3A_360 : memref<1x50x32xf32, #tpu.memory_space<hbm>> -> memref<50x32xf32, #tpu.memory_space<hbm>>
    %dma_start3A_362 = arith.constant 50 : i32
    %dma_start3A_363 = arith.constant 0 : i32
    %dma_start3A_364 = tpu.memref_slice %arg12[%dma_start3A_362, %dma_start3A_363] : memref<100x32xf32, #tpu.memory_space<vmem>> -> memref<50x32xf32, #tpu.memory_space<vmem>>
    tpu.enqueue_dma source(%dma_start3A_364 : memref<50x32xf32, #tpu.memory_space<vmem>>) target(%dma_start3A_361 : memref<50x32xf32, #tpu.memory_space<hbm>>) target_semaphore(%arg28 : memref<!tpu.dma_semaphore, #tpu.memory_space<semaphore_mem>>)
    %dma_wait3A_365 = arith.constant 0 : i32
    %dma_wait3A_366 = arith.constant 0 : i32
    %dma_wait3A_367 = tpu.memref_slice %arg5[%dma_wait3A_365, %dma_wait3A_366] : memref<256x100xi32, #tpu.memory_space<vmem>> -> memref<1x100xi32, #tpu.memory_space<vmem>>
    %dma_wait3A_368 = tpu.memref_squeeze %dma_wait3A_367 : memref<1x100xi32, #tpu.memory_space<vmem>> -> memref<100xi32, #tpu.memory_space<vmem>>
    %dma_wait3A_369 = arith.constant 0 : i32
    %dma_wait3A_370 = arith.constant 0 : i32
    %dma_wait3A_371 = tpu.memref_slice %arg3[%dma_wait3A_369, %dma_wait3A_370] : memref<1000000x32xf32, #tpu.memory_space<hbm>> -> memref<1000000x32xf32, #tpu.memory_space<hbm>>
    tpu.wait_indirect_dma semaphore(%arg21 : memref<!tpu.dma_semaphore, #tpu.memory_space<semaphore_mem>>) src(%dma_wait3A_371 : memref<1000000x32xf32, #tpu.memory_space<hbm>>) dst(%arg13 : memref<100x32xf32, #tpu.memory_space<vmem>>)
    %add3A_372 = arith.constant 510 : i32
    %add3A_373 = arith.addi %mul3A_2, %add3A_372 : i32
    %add3A_374 = arith.constant 0 : i32
    %add3A_375 = arith.addi %add3A_373, %add3A_374 : i32
    %dma_start3A_376 = arith.constant 0 : i32
    %dma_start3A_377 = arith.constant 0 : i32
    %dma_start3A_378 = tpu.memref_slice %arg13[%dma_start3A_376, %dma_start3A_377] : memref<100x32xf32, #tpu.memory_space<vmem>> -> memref<50x32xf32, #tpu.memory_space<vmem>>
    %dma_start3A_379 = arith.constant 0 : i32
    %dma_start3A_380 = arith.constant 0 : i32
    %dma_start3A_381 = tpu.memref_slice %arg4[%add3A_375, %dma_start3A_379, %dma_start3A_380] : memref<16384x56x128xf32, #tpu.memory_space<hbm>> -> memref<1x50x32xf32, #tpu.memory_space<hbm>>
    %dma_start3A_382 = tpu.memref_squeeze %dma_start3A_381 : memref<1x50x32xf32, #tpu.memory_space<hbm>> -> memref<50x32xf32, #tpu.memory_space<hbm>>
    %dma_start3A_383 = arith.constant 0 : i32
    %dma_start3A_384 = arith.constant 0 : i32
    %dma_start3A_385 = tpu.memref_slice %arg4[%add3A_375, %dma_start3A_383, %dma_start3A_384] : memref<16384x56x128xf32, #tpu.memory_space<hbm>> -> memref<1x50x32xf32, #tpu.memory_space<hbm>>
    %dma_start3A_386 = tpu.memref_squeeze %dma_start3A_385 : memref<1x50x32xf32, #tpu.memory_space<hbm>> -> memref<50x32xf32, #tpu.memory_space<hbm>>
    %dma_start3A_387 = arith.constant 0 : i32
    %dma_start3A_388 = arith.constant 0 : i32
    %dma_start3A_389 = tpu.memref_slice %arg13[%dma_start3A_387, %dma_start3A_388] : memref<100x32xf32, #tpu.memory_space<vmem>> -> memref<50x32xf32, #tpu.memory_space<vmem>>
    tpu.enqueue_dma source(%dma_start3A_389 : memref<50x32xf32, #tpu.memory_space<vmem>>) target(%dma_start3A_386 : memref<50x32xf32, #tpu.memory_space<hbm>>) target_semaphore(%arg29 : memref<!tpu.dma_semaphore, #tpu.memory_space<semaphore_mem>>)
    %add3A_390 = arith.constant 510 : i32
    %add3A_391 = arith.addi %mul3A_2, %add3A_390 : i32
    %add3A_392 = arith.constant 1 : i32
    %add3A_393 = arith.addi %add3A_391, %add3A_392 : i32
    %dma_start3A_394 = arith.constant 50 : i32
    %dma_start3A_395 = arith.constant 0 : i32
    %dma_start3A_396 = tpu.memref_slice %arg13[%dma_start3A_394, %dma_start3A_395] : memref<100x32xf32, #tpu.memory_space<vmem>> -> memref<50x32xf32, #tpu.memory_space<vmem>>
    %dma_start3A_397 = arith.constant 0 : i32
    %dma_start3A_398 = arith.constant 0 : i32
    %dma_start3A_399 = tpu.memref_slice %arg4[%add3A_393, %dma_start3A_397, %dma_start3A_398] : memref<16384x56x128xf32, #tpu.memory_space<hbm>> -> memref<1x50x32xf32, #tpu.memory_space<hbm>>
    %dma_start3A_400 = tpu.memref_squeeze %dma_start3A_399 : memref<1x50x32xf32, #tpu.memory_space<hbm>> -> memref<50x32xf32, #tpu.memory_space<hbm>>
    %dma_start3A_401 = arith.constant 0 : i32
    %dma_start3A_402 = arith.constant 0 : i32
    %dma_start3A_403 = tpu.memref_slice %arg4[%add3A_393, %dma_start3A_401, %dma_start3A_402] : memref<16384x56x128xf32, #tpu.memory_space<hbm>> -> memref<1x50x32xf32, #tpu.memory_space<hbm>>
    %dma_start3A_404 = tpu.memref_squeeze %dma_start3A_403 : memref<1x50x32xf32, #tpu.memory_space<hbm>> -> memref<50x32xf32, #tpu.memory_space<hbm>>
    %dma_start3A_405 = arith.constant 50 : i32
    %dma_start3A_406 = arith.constant 0 : i32
    %dma_start3A_407 = tpu.memref_slice %arg13[%dma_start3A_405, %dma_start3A_406] : memref<100x32xf32, #tpu.memory_space<vmem>> -> memref<50x32xf32, #tpu.memory_space<vmem>>
    tpu.enqueue_dma source(%dma_start3A_407 : memref<50x32xf32, #tpu.memory_space<vmem>>) target(%dma_start3A_404 : memref<50x32xf32, #tpu.memory_space<hbm>>) target_semaphore(%arg29 : memref<!tpu.dma_semaphore, #tpu.memory_space<semaphore_mem>>)
    %add3A_408 = arith.constant 0 : i32
    %add3A_409 = arith.addi %mul3A_2, %add3A_408 : i32
    %dma_wait3A_410 = arith.constant 0 : i32
    %dma_wait3A_411 = arith.constant 0 : i32
    %dma_wait3A_412 = tpu.memref_slice %arg6[%dma_wait3A_410, %dma_wait3A_411] : memref<100x32xf32, #tpu.memory_space<vmem>> -> memref<50x32xf32, #tpu.memory_space<vmem>>
    %dma_wait3A_413 = arith.constant 0 : i32
    %dma_wait3A_414 = arith.constant 0 : i32
    %dma_wait3A_415 = tpu.memref_slice %arg4[%add3A_409, %dma_wait3A_413, %dma_wait3A_414] : memref<16384x56x128xf32, #tpu.memory_space<hbm>> -> memref<1x50x32xf32, #tpu.memory_space<hbm>>
    %dma_wait3A_416 = tpu.memref_squeeze %dma_wait3A_415 : memref<1x50x32xf32, #tpu.memory_space<hbm>> -> memref<50x32xf32, #tpu.memory_space<hbm>>
    %dma_wait3A_417 = arith.constant 0 : i32
    %dma_wait3A_418 = arith.constant 0 : i32
    %dma_wait3A_419 = tpu.memref_slice %arg4[%add3A_409, %dma_wait3A_417, %dma_wait3A_418] : memref<16384x56x128xf32, #tpu.memory_space<hbm>> -> memref<1x50x32xf32, #tpu.memory_space<hbm>>
    %dma_wait3A_420 = tpu.memref_squeeze %dma_wait3A_419 : memref<1x50x32xf32, #tpu.memory_space<hbm>> -> memref<50x32xf32, #tpu.memory_space<hbm>>
    %dma_wait3A_421 = arith.constant 0 : i32
    %dma_wait3A_422 = arith.constant 0 : i32
    %dma_wait3A_423 = tpu.memref_slice %arg6[%dma_wait3A_421, %dma_wait3A_422] : memref<100x32xf32, #tpu.memory_space<vmem>> -> memref<50x32xf32, #tpu.memory_space<vmem>>
    tpu.wait_dma2 semaphore(%arg22 : memref<!tpu.dma_semaphore, #tpu.memory_space<semaphore_mem>>) src(%dma_wait3A_423 : memref<50x32xf32, #tpu.memory_space<vmem>>) dst(%dma_wait3A_420 : memref<50x32xf32, #tpu.memory_space<hbm>>)
    %add3A_424 = arith.constant 1 : i32
    %add3A_425 = arith.addi %mul3A_2, %add3A_424 : i32
    %dma_wait3A_426 = arith.constant 50 : i32
    %dma_wait3A_427 = arith.constant 0 : i32
    %dma_wait3A_428 = tpu.memref_slice %arg6[%dma_wait3A_426, %dma_wait3A_427] : memref<100x32xf32, #tpu.memory_space<vmem>> -> memref<50x32xf32, #tpu.memory_space<vmem>>
    %dma_wait3A_429 = arith.constant 0 : i32
    %dma_wait3A_430 = arith.constant 0 : i32
    %dma_wait3A_431 = tpu.memref_slice %arg4[%add3A_425, %dma_wait3A_429, %dma_wait3A_430] : memref<16384x56x128xf32, #tpu.memory_space<hbm>> -> memref<1x50x32xf32, #tpu.memory_space<hbm>>
    %dma_wait3A_432 = tpu.memref_squeeze %dma_wait3A_431 : memref<1x50x32xf32, #tpu.memory_space<hbm>> -> memref<50x32xf32, #tpu.memory_space<hbm>>
    %dma_wait3A_433 = arith.constant 0 : i32
    %dma_wait3A_434 = arith.constant 0 : i32
    %dma_wait3A_435 = tpu.memref_slice %arg4[%add3A_425, %dma_wait3A_433, %dma_wait3A_434] : memref<16384x56x128xf32, #tpu.memory_space<hbm>> -> memref<1x50x32xf32, #tpu.memory_space<hbm>>
    %dma_wait3A_436 = tpu.memref_squeeze %dma_wait3A_435 : memref<1x50x32xf32, #tpu.memory_space<hbm>> -> memref<50x32xf32, #tpu.memory_space<hbm>>
    %dma_wait3A_437 = arith.constant 50 : i32
    %dma_wait3A_438 = arith.constant 0 : i32
    %dma_wait3A_439 = tpu.memref_slice %arg6[%dma_wait3A_437, %dma_wait3A_438] : memref<100x32xf32, #tpu.memory_space<vmem>> -> memref<50x32xf32, #tpu.memory_space<vmem>>
    tpu.wait_dma2 semaphore(%arg22 : memref<!tpu.dma_semaphore, #tpu.memory_space<semaphore_mem>>) src(%dma_wait3A_439 : memref<50x32xf32, #tpu.memory_space<vmem>>) dst(%dma_wait3A_436 : memref<50x32xf32, #tpu.memory_space<hbm>>)
    %add3A_440 = arith.constant 0 : i32
    %add3A_441 = arith.addi %mul3A_2, %add3A_440 : i32
    %dma_wait3A_442 = arith.constant 0 : i32
    %dma_wait3A_443 = arith.constant 0 : i32
    %dma_wait3A_444 = tpu.memref_slice %arg7[%dma_wait3A_442, %dma_wait3A_443] : memref<100x32xf32, #tpu.memory_space<vmem>> -> memref<50x32xf32, #tpu.memory_space<vmem>>
    %dma_wait3A_445 = arith.constant 0 : i32
    %dma_wait3A_446 = arith.constant 0 : i32
    %dma_wait3A_447 = tpu.memref_slice %arg4[%add3A_441, %dma_wait3A_445, %dma_wait3A_446] : memref<16384x56x128xf32, #tpu.memory_space<hbm>> -> memref<1x50x32xf32, #tpu.memory_space<hbm>>
    %dma_wait3A_448 = tpu.memref_squeeze %dma_wait3A_447 : memref<1x50x32xf32, #tpu.memory_space<hbm>> -> memref<50x32xf32, #tpu.memory_space<hbm>>
    %dma_wait3A_449 = arith.constant 0 : i32
    %dma_wait3A_450 = arith.constant 0 : i32
    %dma_wait3A_451 = tpu.memref_slice %arg4[%add3A_441, %dma_wait3A_449, %dma_wait3A_450] : memref<16384x56x128xf32, #tpu.memory_space<hbm>> -> memref<1x50x32xf32, #tpu.memory_space<hbm>>
    %dma_wait3A_452 = tpu.memref_squeeze %dma_wait3A_451 : memref<1x50x32xf32, #tpu.memory_space<hbm>> -> memref<50x32xf32, #tpu.memory_space<hbm>>
    %dma_wait3A_453 = arith.constant 0 : i32
    %dma_wait3A_454 = arith.constant 0 : i32
    %dma_wait3A_455 = tpu.memref_slice %arg7[%dma_wait3A_453, %dma_wait3A_454] : memref<100x32xf32, #tpu.memory_space<vmem>> -> memref<50x32xf32, #tpu.memory_space<vmem>>
    tpu.wait_dma2 semaphore(%arg23 : memref<!tpu.dma_semaphore, #tpu.memory_space<semaphore_mem>>) src(%dma_wait3A_455 : memref<50x32xf32, #tpu.memory_space<vmem>>) dst(%dma_wait3A_452 : memref<50x32xf32, #tpu.memory_space<hbm>>)
    %add3A_456 = arith.constant 1 : i32
    %add3A_457 = arith.addi %mul3A_2, %add3A_456 : i32
    %dma_wait3A_458 = arith.constant 50 : i32
    %dma_wait3A_459 = arith.constant 0 : i32
    %dma_wait3A_460 = tpu.memref_slice %arg7[%dma_wait3A_458, %dma_wait3A_459] : memref<100x32xf32, #tpu.memory_space<vmem>> -> memref<50x32xf32, #tpu.memory_space<vmem>>
    %dma_wait3A_461 = arith.constant 0 : i32
    %dma_wait3A_462 = arith.constant 0 : i32
    %dma_wait3A_463 = tpu.memref_slice %arg4[%add3A_457, %dma_wait3A_461, %dma_wait3A_462] : memref<16384x56x128xf32, #tpu.memory_space<hbm>> -> memref<1x50x32xf32, #tpu.memory_space<hbm>>
    %dma_wait3A_464 = tpu.memref_squeeze %dma_wait3A_463 : memref<1x50x32xf32, #tpu.memory_space<hbm>> -> memref<50x32xf32, #tpu.memory_space<hbm>>
    %dma_wait3A_465 = arith.constant 0 : i32
    %dma_wait3A_466 = arith.constant 0 : i32
    %dma_wait3A_467 = tpu.memref_slice %arg4[%add3A_457, %dma_wait3A_465, %dma_wait3A_466] : memref<16384x56x128xf32, #tpu.memory_space<hbm>> -> memref<1x50x32xf32, #tpu.memory_space<hbm>>
    %dma_wait3A_468 = tpu.memref_squeeze %dma_wait3A_467 : memref<1x50x32xf32, #tpu.memory_space<hbm>> -> memref<50x32xf32, #tpu.memory_space<hbm>>
    %dma_wait3A_469 = arith.constant 50 : i32
    %dma_wait3A_470 = arith.constant 0 : i32
    %dma_wait3A_471 = tpu.memref_slice %arg7[%dma_wait3A_469, %dma_wait3A_470] : memref<100x32xf32, #tpu.memory_space<vmem>> -> memref<50x32xf32, #tpu.memory_space<vmem>>
    tpu.wait_dma2 semaphore(%arg23 : memref<!tpu.dma_semaphore, #tpu.memory_space<semaphore_mem>>) src(%dma_wait3A_471 : memref<50x32xf32, #tpu.memory_space<vmem>>) dst(%dma_wait3A_468 : memref<50x32xf32, #tpu.memory_space<hbm>>)
    %add3A_472 = arith.constant 0 : i32
    %add3A_473 = arith.addi %mul3A_2, %add3A_472 : i32
    %dma_wait3A_474 = arith.constant 0 : i32
    %dma_wait3A_475 = arith.constant 0 : i32
    %dma_wait3A_476 = tpu.memref_slice %arg8[%dma_wait3A_474, %dma_wait3A_475] : memref<100x32xf32, #tpu.memory_space<vmem>> -> memref<50x32xf32, #tpu.memory_space<vmem>>
    %dma_wait3A_477 = arith.constant 0 : i32
    %dma_wait3A_478 = arith.constant 0 : i32
    %dma_wait3A_479 = tpu.memref_slice %arg4[%add3A_473, %dma_wait3A_477, %dma_wait3A_478] : memref<16384x56x128xf32, #tpu.memory_space<hbm>> -> memref<1x50x32xf32, #tpu.memory_space<hbm>>
    %dma_wait3A_480 = tpu.memref_squeeze %dma_wait3A_479 : memref<1x50x32xf32, #tpu.memory_space<hbm>> -> memref<50x32xf32, #tpu.memory_space<hbm>>
    %dma_wait3A_481 = arith.constant 0 : i32
    %dma_wait3A_482 = arith.constant 0 : i32
    %dma_wait3A_483 = tpu.memref_slice %arg4[%add3A_473, %dma_wait3A_481, %dma_wait3A_482] : memref<16384x56x128xf32, #tpu.memory_space<hbm>> -> memref<1x50x32xf32, #tpu.memory_space<hbm>>
    %dma_wait3A_484 = tpu.memref_squeeze %dma_wait3A_483 : memref<1x50x32xf32, #tpu.memory_space<hbm>> -> memref<50x32xf32, #tpu.memory_space<hbm>>
    %dma_wait3A_485 = arith.constant 0 : i32
    %dma_wait3A_486 = arith.constant 0 : i32
    %dma_wait3A_487 = tpu.memref_slice %arg8[%dma_wait3A_485, %dma_wait3A_486] : memref<100x32xf32, #tpu.memory_space<vmem>> -> memref<50x32xf32, #tpu.memory_space<vmem>>
    tpu.wait_dma2 semaphore(%arg24 : memref<!tpu.dma_semaphore, #tpu.memory_space<semaphore_mem>>) src(%dma_wait3A_487 : memref<50x32xf32, #tpu.memory_space<vmem>>) dst(%dma_wait3A_484 : memref<50x32xf32, #tpu.memory_space<hbm>>)
    %add3A_488 = arith.constant 1 : i32
    %add3A_489 = arith.addi %mul3A_2, %add3A_488 : i32
    %dma_wait3A_490 = arith.constant 50 : i32
    %dma_wait3A_491 = arith.constant 0 : i32
    %dma_wait3A_492 = tpu.memref_slice %arg8[%dma_wait3A_490, %dma_wait3A_491] : memref<100x32xf32, #tpu.memory_space<vmem>> -> memref<50x32xf32, #tpu.memory_space<vmem>>
    %dma_wait3A_493 = arith.constant 0 : i32
    %dma_wait3A_494 = arith.constant 0 : i32
    %dma_wait3A_495 = tpu.memref_slice %arg4[%add3A_489, %dma_wait3A_493, %dma_wait3A_494] : memref<16384x56x128xf32, #tpu.memory_space<hbm>> -> memref<1x50x32xf32, #tpu.memory_space<hbm>>
    %dma_wait3A_496 = tpu.memref_squeeze %dma_wait3A_495 : memref<1x50x32xf32, #tpu.memory_space<hbm>> -> memref<50x32xf32, #tpu.memory_space<hbm>>
    %dma_wait3A_497 = arith.constant 0 : i32
    %dma_wait3A_498 = arith.constant 0 : i32
    %dma_wait3A_499 = tpu.memref_slice %arg4[%add3A_489, %dma_wait3A_497, %dma_wait3A_498] : memref<16384x56x128xf32, #tpu.memory_space<hbm>> -> memref<1x50x32xf32, #tpu.memory_space<hbm>>
    %dma_wait3A_500 = tpu.memref_squeeze %dma_wait3A_499 : memref<1x50x32xf32, #tpu.memory_space<hbm>> -> memref<50x32xf32, #tpu.memory_space<hbm>>
    %dma_wait3A_501 = arith.constant 50 : i32
    %dma_wait3A_502 = arith.constant 0 : i32
    %dma_wait3A_503 = tpu.memref_slice %arg8[%dma_wait3A_501, %dma_wait3A_502] : memref<100x32xf32, #tpu.memory_space<vmem>> -> memref<50x32xf32, #tpu.memory_space<vmem>>
    tpu.wait_dma2 semaphore(%arg24 : memref<!tpu.dma_semaphore, #tpu.memory_space<semaphore_mem>>) src(%dma_wait3A_503 : memref<50x32xf32, #tpu.memory_space<vmem>>) dst(%dma_wait3A_500 : memref<50x32xf32, #tpu.memory_space<hbm>>)
    %add3A_504 = arith.constant 0 : i32
    %add3A_505 = arith.addi %mul3A_2, %add3A_504 : i32
    %dma_wait3A_506 = arith.constant 0 : i32
    %dma_wait3A_507 = arith.constant 0 : i32
    %dma_wait3A_508 = tpu.memref_slice %arg9[%dma_wait3A_506, %dma_wait3A_507] : memref<100x32xf32, #tpu.memory_space<vmem>> -> memref<50x32xf32, #tpu.memory_space<vmem>>
    %dma_wait3A_509 = arith.constant 0 : i32
    %dma_wait3A_510 = arith.constant 0 : i32
    %dma_wait3A_511 = tpu.memref_slice %arg4[%add3A_505, %dma_wait3A_509, %dma_wait3A_510] : memref<16384x56x128xf32, #tpu.memory_space<hbm>> -> memref<1x50x32xf32, #tpu.memory_space<hbm>>
    %dma_wait3A_512 = tpu.memref_squeeze %dma_wait3A_511 : memref<1x50x32xf32, #tpu.memory_space<hbm>> -> memref<50x32xf32, #tpu.memory_space<hbm>>
    %dma_wait3A_513 = arith.constant 0 : i32
    %dma_wait3A_514 = arith.constant 0 : i32
    %dma_wait3A_515 = tpu.memref_slice %arg4[%add3A_505, %dma_wait3A_513, %dma_wait3A_514] : memref<16384x56x128xf32, #tpu.memory_space<hbm>> -> memref<1x50x32xf32, #tpu.memory_space<hbm>>
    %dma_wait3A_516 = tpu.memref_squeeze %dma_wait3A_515 : memref<1x50x32xf32, #tpu.memory_space<hbm>> -> memref<50x32xf32, #tpu.memory_space<hbm>>
    %dma_wait3A_517 = arith.constant 0 : i32
    %dma_wait3A_518 = arith.constant 0 : i32
    %dma_wait3A_519 = tpu.memref_slice %arg9[%dma_wait3A_517, %dma_wait3A_518] : memref<100x32xf32, #tpu.memory_space<vmem>> -> memref<50x32xf32, #tpu.memory_space<vmem>>
    tpu.wait_dma2 semaphore(%arg25 : memref<!tpu.dma_semaphore, #tpu.memory_space<semaphore_mem>>) src(%dma_wait3A_519 : memref<50x32xf32, #tpu.memory_space<vmem>>) dst(%dma_wait3A_516 : memref<50x32xf32, #tpu.memory_space<hbm>>)
    %add3A_520 = arith.constant 1 : i32
    %add3A_521 = arith.addi %mul3A_2, %add3A_520 : i32
    %dma_wait3A_522 = arith.constant 50 : i32
    %dma_wait3A_523 = arith.constant 0 : i32
    %dma_wait3A_524 = tpu.memref_slice %arg9[%dma_wait3A_522, %dma_wait3A_523] : memref<100x32xf32, #tpu.memory_space<vmem>> -> memref<50x32xf32, #tpu.memory_space<vmem>>
    %dma_wait3A_525 = arith.constant 0 : i32
    %dma_wait3A_526 = arith.constant 0 : i32
    %dma_wait3A_527 = tpu.memref_slice %arg4[%add3A_521, %dma_wait3A_525, %dma_wait3A_526] : memref<16384x56x128xf32, #tpu.memory_space<hbm>> -> memref<1x50x32xf32, #tpu.memory_space<hbm>>
    %dma_wait3A_528 = tpu.memref_squeeze %dma_wait3A_527 : memref<1x50x32xf32, #tpu.memory_space<hbm>> -> memref<50x32xf32, #tpu.memory_space<hbm>>
    %dma_wait3A_529 = arith.constant 0 : i32
    %dma_wait3A_530 = arith.constant 0 : i32
    %dma_wait3A_531 = tpu.memref_slice %arg4[%add3A_521, %dma_wait3A_529, %dma_wait3A_530] : memref<16384x56x128xf32, #tpu.memory_space<hbm>> -> memref<1x50x32xf32, #tpu.memory_space<hbm>>
    %dma_wait3A_532 = tpu.memref_squeeze %dma_wait3A_531 : memref<1x50x32xf32, #tpu.memory_space<hbm>> -> memref<50x32xf32, #tpu.memory_space<hbm>>
    %dma_wait3A_533 = arith.constant 50 : i32
    %dma_wait3A_534 = arith.constant 0 : i32
    %dma_wait3A_535 = tpu.memref_slice %arg9[%dma_wait3A_533, %dma_wait3A_534] : memref<100x32xf32, #tpu.memory_space<vmem>> -> memref<50x32xf32, #tpu.memory_space<vmem>>
    tpu.wait_dma2 semaphore(%arg25 : memref<!tpu.dma_semaphore, #tpu.memory_space<semaphore_mem>>) src(%dma_wait3A_535 : memref<50x32xf32, #tpu.memory_space<vmem>>) dst(%dma_wait3A_532 : memref<50x32xf32, #tpu.memory_space<hbm>>)
    %add3A_536 = arith.constant 0 : i32
    %add3A_537 = arith.addi %mul3A_2, %add3A_536 : i32
    %dma_wait3A_538 = arith.constant 0 : i32
    %dma_wait3A_539 = arith.constant 0 : i32
    %dma_wait3A_540 = tpu.memref_slice %arg10[%dma_wait3A_538, %dma_wait3A_539] : memref<100x32xf32, #tpu.memory_space<vmem>> -> memref<50x32xf32, #tpu.memory_space<vmem>>
    %dma_wait3A_541 = arith.constant 0 : i32
    %dma_wait3A_542 = arith.constant 0 : i32
    %dma_wait3A_543 = tpu.memref_slice %arg4[%add3A_537, %dma_wait3A_541, %dma_wait3A_542] : memref<16384x56x128xf32, #tpu.memory_space<hbm>> -> memref<1x50x32xf32, #tpu.memory_space<hbm>>
    %dma_wait3A_544 = tpu.memref_squeeze %dma_wait3A_543 : memref<1x50x32xf32, #tpu.memory_space<hbm>> -> memref<50x32xf32, #tpu.memory_space<hbm>>
    %dma_wait3A_545 = arith.constant 0 : i32
    %dma_wait3A_546 = arith.constant 0 : i32
    %dma_wait3A_547 = tpu.memref_slice %arg4[%add3A_537, %dma_wait3A_545, %dma_wait3A_546] : memref<16384x56x128xf32, #tpu.memory_space<hbm>> -> memref<1x50x32xf32, #tpu.memory_space<hbm>>
    %dma_wait3A_548 = tpu.memref_squeeze %dma_wait3A_547 : memref<1x50x32xf32, #tpu.memory_space<hbm>> -> memref<50x32xf32, #tpu.memory_space<hbm>>
    %dma_wait3A_549 = arith.constant 0 : i32
    %dma_wait3A_550 = arith.constant 0 : i32
    %dma_wait3A_551 = tpu.memref_slice %arg10[%dma_wait3A_549, %dma_wait3A_550] : memref<100x32xf32, #tpu.memory_space<vmem>> -> memref<50x32xf32, #tpu.memory_space<vmem>>
    tpu.wait_dma2 semaphore(%arg26 : memref<!tpu.dma_semaphore, #tpu.memory_space<semaphore_mem>>) src(%dma_wait3A_551 : memref<50x32xf32, #tpu.memory_space<vmem>>) dst(%dma_wait3A_548 : memref<50x32xf32, #tpu.memory_space<hbm>>)
    %add3A_552 = arith.constant 1 : i32
    %add3A_553 = arith.addi %mul3A_2, %add3A_552 : i32
    %dma_wait3A_554 = arith.constant 50 : i32
    %dma_wait3A_555 = arith.constant 0 : i32
    %dma_wait3A_556 = tpu.memref_slice %arg10[%dma_wait3A_554, %dma_wait3A_555] : memref<100x32xf32, #tpu.memory_space<vmem>> -> memref<50x32xf32, #tpu.memory_space<vmem>>
    %dma_wait3A_557 = arith.constant 0 : i32
    %dma_wait3A_558 = arith.constant 0 : i32
    %dma_wait3A_559 = tpu.memref_slice %arg4[%add3A_553, %dma_wait3A_557, %dma_wait3A_558] : memref<16384x56x128xf32, #tpu.memory_space<hbm>> -> memref<1x50x32xf32, #tpu.memory_space<hbm>>
    %dma_wait3A_560 = tpu.memref_squeeze %dma_wait3A_559 : memref<1x50x32xf32, #tpu.memory_space<hbm>> -> memref<50x32xf32, #tpu.memory_space<hbm>>
    %dma_wait3A_561 = arith.constant 0 : i32
    %dma_wait3A_562 = arith.constant 0 : i32
    %dma_wait3A_563 = tpu.memref_slice %arg4[%add3A_553, %dma_wait3A_561, %dma_wait3A_562] : memref<16384x56x128xf32, #tpu.memory_space<hbm>> -> memref<1x50x32xf32, #tpu.memory_space<hbm>>
    %dma_wait3A_564 = tpu.memref_squeeze %dma_wait3A_563 : memref<1x50x32xf32, #tpu.memory_space<hbm>> -> memref<50x32xf32, #tpu.memory_space<hbm>>
    %dma_wait3A_565 = arith.constant 50 : i32
    %dma_wait3A_566 = arith.constant 0 : i32
    %dma_wait3A_567 = tpu.memref_slice %arg10[%dma_wait3A_565, %dma_wait3A_566] : memref<100x32xf32, #tpu.memory_space<vmem>> -> memref<50x32xf32, #tpu.memory_space<vmem>>
    tpu.wait_dma2 semaphore(%arg26 : memref<!tpu.dma_semaphore, #tpu.memory_space<semaphore_mem>>) src(%dma_wait3A_567 : memref<50x32xf32, #tpu.memory_space<vmem>>) dst(%dma_wait3A_564 : memref<50x32xf32, #tpu.memory_space<hbm>>)
    %add3A_568 = arith.constant 0 : i32
    %add3A_569 = arith.addi %mul3A_2, %add3A_568 : i32
    %dma_wait3A_570 = arith.constant 0 : i32
    %dma_wait3A_571 = arith.constant 0 : i32
    %dma_wait3A_572 = tpu.memref_slice %arg11[%dma_wait3A_570, %dma_wait3A_571] : memref<100x32xf32, #tpu.memory_space<vmem>> -> memref<50x32xf32, #tpu.memory_space<vmem>>
    %dma_wait3A_573 = arith.constant 0 : i32
    %dma_wait3A_574 = arith.constant 0 : i32
    %dma_wait3A_575 = tpu.memref_slice %arg4[%add3A_569, %dma_wait3A_573, %dma_wait3A_574] : memref<16384x56x128xf32, #tpu.memory_space<hbm>> -> memref<1x50x32xf32, #tpu.memory_space<hbm>>
    %dma_wait3A_576 = tpu.memref_squeeze %dma_wait3A_575 : memref<1x50x32xf32, #tpu.memory_space<hbm>> -> memref<50x32xf32, #tpu.memory_space<hbm>>
    %dma_wait3A_577 = arith.constant 0 : i32
    %dma_wait3A_578 = arith.constant 0 : i32
    %dma_wait3A_579 = tpu.memref_slice %arg4[%add3A_569, %dma_wait3A_577, %dma_wait3A_578] : memref<16384x56x128xf32, #tpu.memory_space<hbm>> -> memref<1x50x32xf32, #tpu.memory_space<hbm>>
    %dma_wait3A_580 = tpu.memref_squeeze %dma_wait3A_579 : memref<1x50x32xf32, #tpu.memory_space<hbm>> -> memref<50x32xf32, #tpu.memory_space<hbm>>
    %dma_wait3A_581 = arith.constant 0 : i32
    %dma_wait3A_582 = arith.constant 0 : i32
    %dma_wait3A_583 = tpu.memref_slice %arg11[%dma_wait3A_581, %dma_wait3A_582] : memref<100x32xf32, #tpu.memory_space<vmem>> -> memref<50x32xf32, #tpu.memory_space<vmem>>
    tpu.wait_dma2 semaphore(%arg27 : memref<!tpu.dma_semaphore, #tpu.memory_space<semaphore_mem>>) src(%dma_wait3A_583 : memref<50x32xf32, #tpu.memory_space<vmem>>) dst(%dma_wait3A_580 : memref<50x32xf32, #tpu.memory_space<hbm>>)
    %add3A_584 = arith.constant 1 : i32
    %add3A_585 = arith.addi %mul3A_2, %add3A_584 : i32
    %dma_wait3A_586 = arith.constant 50 : i32
    %dma_wait3A_587 = arith.constant 0 : i32
    %dma_wait3A_588 = tpu.memref_slice %arg11[%dma_wait3A_586, %dma_wait3A_587] : memref<100x32xf32, #tpu.memory_space<vmem>> -> memref<50x32xf32, #tpu.memory_space<vmem>>
    %dma_wait3A_589 = arith.constant 0 : i32
    %dma_wait3A_590 = arith.constant 0 : i32
    %dma_wait3A_591 = tpu.memref_slice %arg4[%add3A_585, %dma_wait3A_589, %dma_wait3A_590] : memref<16384x56x128xf32, #tpu.memory_space<hbm>> -> memref<1x50x32xf32, #tpu.memory_space<hbm>>
    %dma_wait3A_592 = tpu.memref_squeeze %dma_wait3A_591 : memref<1x50x32xf32, #tpu.memory_space<hbm>> -> memref<50x32xf32, #tpu.memory_space<hbm>>
    %dma_wait3A_593 = arith.constant 0 : i32
    %dma_wait3A_594 = arith.constant 0 : i32
    %dma_wait3A_595 = tpu.memref_slice %arg4[%add3A_585, %dma_wait3A_593, %dma_wait3A_594] : memref<16384x56x128xf32, #tpu.memory_space<hbm>> -> memref<1x50x32xf32, #tpu.memory_space<hbm>>
    %dma_wait3A_596 = tpu.memref_squeeze %dma_wait3A_595 : memref<1x50x32xf32, #tpu.memory_space<hbm>> -> memref<50x32xf32, #tpu.memory_space<hbm>>
    %dma_wait3A_597 = arith.constant 50 : i32
    %dma_wait3A_598 = arith.constant 0 : i32
    %dma_wait3A_599 = tpu.memref_slice %arg11[%dma_wait3A_597, %dma_wait3A_598] : memref<100x32xf32, #tpu.memory_space<vmem>> -> memref<50x32xf32, #tpu.memory_space<vmem>>
    tpu.wait_dma2 semaphore(%arg27 : memref<!tpu.dma_semaphore, #tpu.memory_space<semaphore_mem>>) src(%dma_wait3A_599 : memref<50x32xf32, #tpu.memory_space<vmem>>) dst(%dma_wait3A_596 : memref<50x32xf32, #tpu.memory_space<hbm>>)
    %add3A_600 = arith.constant 0 : i32
    %add3A_601 = arith.addi %mul3A_2, %add3A_600 : i32
    %dma_wait3A_602 = arith.constant 0 : i32
    %dma_wait3A_603 = arith.constant 0 : i32
    %dma_wait3A_604 = tpu.memref_slice %arg12[%dma_wait3A_602, %dma_wait3A_603] : memref<100x32xf32, #tpu.memory_space<vmem>> -> memref<50x32xf32, #tpu.memory_space<vmem>>
    %dma_wait3A_605 = arith.constant 0 : i32
    %dma_wait3A_606 = arith.constant 0 : i32
    %dma_wait3A_607 = tpu.memref_slice %arg4[%add3A_601, %dma_wait3A_605, %dma_wait3A_606] : memref<16384x56x128xf32, #tpu.memory_space<hbm>> -> memref<1x50x32xf32, #tpu.memory_space<hbm>>
    %dma_wait3A_608 = tpu.memref_squeeze %dma_wait3A_607 : memref<1x50x32xf32, #tpu.memory_space<hbm>> -> memref<50x32xf32, #tpu.memory_space<hbm>>
    %dma_wait3A_609 = arith.constant 0 : i32
    %dma_wait3A_610 = arith.constant 0 : i32
    %dma_wait3A_611 = tpu.memref_slice %arg4[%add3A_601, %dma_wait3A_609, %dma_wait3A_610] : memref<16384x56x128xf32, #tpu.memory_space<hbm>> -> memref<1x50x32xf32, #tpu.memory_space<hbm>>
    %dma_wait3A_612 = tpu.memref_squeeze %dma_wait3A_611 : memref<1x50x32xf32, #tpu.memory_space<hbm>> -> memref<50x32xf32, #tpu.memory_space<hbm>>
    %dma_wait3A_613 = arith.constant 0 : i32
    %dma_wait3A_614 = arith.constant 0 : i32
    %dma_wait3A_615 = tpu.memref_slice %arg12[%dma_wait3A_613, %dma_wait3A_614] : memref<100x32xf32, #tpu.memory_space<vmem>> -> memref<50x32xf32, #tpu.memory_space<vmem>>
    tpu.wait_dma2 semaphore(%arg28 : memref<!tpu.dma_semaphore, #tpu.memory_space<semaphore_mem>>) src(%dma_wait3A_615 : memref<50x32xf32, #tpu.memory_space<vmem>>) dst(%dma_wait3A_612 : memref<50x32xf32, #tpu.memory_space<hbm>>)
    %add3A_616 = arith.constant 1 : i32
    %add3A_617 = arith.addi %mul3A_2, %add3A_616 : i32
    %dma_wait3A_618 = arith.constant 50 : i32
    %dma_wait3A_619 = arith.constant 0 : i32
    %dma_wait3A_620 = tpu.memref_slice %arg12[%dma_wait3A_618, %dma_wait3A_619] : memref<100x32xf32, #tpu.memory_space<vmem>> -> memref<50x32xf32, #tpu.memory_space<vmem>>
    %dma_wait3A_621 = arith.constant 0 : i32
    %dma_wait3A_622 = arith.constant 0 : i32
    %dma_wait3A_623 = tpu.memref_slice %arg4[%add3A_617, %dma_wait3A_621, %dma_wait3A_622] : memref<16384x56x128xf32, #tpu.memory_space<hbm>> -> memref<1x50x32xf32, #tpu.memory_space<hbm>>
    %dma_wait3A_624 = tpu.memref_squeeze %dma_wait3A_623 : memref<1x50x32xf32, #tpu.memory_space<hbm>> -> memref<50x32xf32, #tpu.memory_space<hbm>>
    %dma_wait3A_625 = arith.constant 0 : i32
    %dma_wait3A_626 = arith.constant 0 : i32
    %dma_wait3A_627 = tpu.memref_slice %arg4[%add3A_617, %dma_wait3A_625, %dma_wait3A_626] : memref<16384x56x128xf32, #tpu.memory_space<hbm>> -> memref<1x50x32xf32, #tpu.memory_space<hbm>>
    %dma_wait3A_628 = tpu.memref_squeeze %dma_wait3A_627 : memref<1x50x32xf32, #tpu.memory_space<hbm>> -> memref<50x32xf32, #tpu.memory_space<hbm>>
    %dma_wait3A_629 = arith.constant 50 : i32
    %dma_wait3A_630 = arith.constant 0 : i32
    %dma_wait3A_631 = tpu.memref_slice %arg12[%dma_wait3A_629, %dma_wait3A_630] : memref<100x32xf32, #tpu.memory_space<vmem>> -> memref<50x32xf32, #tpu.memory_space<vmem>>
    tpu.wait_dma2 semaphore(%arg28 : memref<!tpu.dma_semaphore, #tpu.memory_space<semaphore_mem>>) src(%dma_wait3A_631 : memref<50x32xf32, #tpu.memory_space<vmem>>) dst(%dma_wait3A_628 : memref<50x32xf32, #tpu.memory_space<hbm>>)
    %add3A_632 = arith.constant 0 : i32
    %add3A_633 = arith.addi %mul3A_2, %add3A_632 : i32
    %dma_wait3A_634 = arith.constant 0 : i32
    %dma_wait3A_635 = arith.constant 0 : i32
    %dma_wait3A_636 = tpu.memref_slice %arg13[%dma_wait3A_634, %dma_wait3A_635] : memref<100x32xf32, #tpu.memory_space<vmem>> -> memref<50x32xf32, #tpu.memory_space<vmem>>
    %dma_wait3A_637 = arith.constant 0 : i32
    %dma_wait3A_638 = arith.constant 0 : i32
    %dma_wait3A_639 = tpu.memref_slice %arg4[%add3A_633, %dma_wait3A_637, %dma_wait3A_638] : memref<16384x56x128xf32, #tpu.memory_space<hbm>> -> memref<1x50x32xf32, #tpu.memory_space<hbm>>
    %dma_wait3A_640 = tpu.memref_squeeze %dma_wait3A_639 : memref<1x50x32xf32, #tpu.memory_space<hbm>> -> memref<50x32xf32, #tpu.memory_space<hbm>>
    %dma_wait3A_641 = arith.constant 0 : i32
    %dma_wait3A_642 = arith.constant 0 : i32
    %dma_wait3A_643 = tpu.memref_slice %arg4[%add3A_633, %dma_wait3A_641, %dma_wait3A_642] : memref<16384x56x128xf32, #tpu.memory_space<hbm>> -> memref<1x50x32xf32, #tpu.memory_space<hbm>>
    %dma_wait3A_644 = tpu.memref_squeeze %dma_wait3A_643 : memref<1x50x32xf32, #tpu.memory_space<hbm>> -> memref<50x32xf32, #tpu.memory_space<hbm>>
    %dma_wait3A_645 = arith.constant 0 : i32
    %dma_wait3A_646 = arith.constant 0 : i32
    %dma_wait3A_647 = tpu.memref_slice %arg13[%dma_wait3A_645, %dma_wait3A_646] : memref<100x32xf32, #tpu.memory_space<vmem>> -> memref<50x32xf32, #tpu.memory_space<vmem>>
    tpu.wait_dma2 semaphore(%arg29 : memref<!tpu.dma_semaphore, #tpu.memory_space<semaphore_mem>>) src(%dma_wait3A_647 : memref<50x32xf32, #tpu.memory_space<vmem>>) dst(%dma_wait3A_644 : memref<50x32xf32, #tpu.memory_space<hbm>>)
    %add3A_648 = arith.constant 1 : i32
    %add3A_649 = arith.addi %mul3A_2, %add3A_648 : i32
    %dma_wait3A_650 = arith.constant 50 : i32
    %dma_wait3A_651 = arith.constant 0 : i32
    %dma_wait3A_652 = tpu.memref_slice %arg13[%dma_wait3A_650, %dma_wait3A_651] : memref<100x32xf32, #tpu.memory_space<vmem>> -> memref<50x32xf32, #tpu.memory_space<vmem>>
    %dma_wait3A_653 = arith.constant 0 : i32
    %dma_wait3A_654 = arith.constant 0 : i32
    %dma_wait3A_655 = tpu.memref_slice %arg4[%add3A_649, %dma_wait3A_653, %dma_wait3A_654] : memref<16384x56x128xf32, #tpu.memory_space<hbm>> -> memref<1x50x32xf32, #tpu.memory_space<hbm>>
    %dma_wait3A_656 = tpu.memref_squeeze %dma_wait3A_655 : memref<1x50x32xf32, #tpu.memory_space<hbm>> -> memref<50x32xf32, #tpu.memory_space<hbm>>
    %dma_wait3A_657 = arith.constant 0 : i32
    %dma_wait3A_658 = arith.constant 0 : i32
    %dma_wait3A_659 = tpu.memref_slice %arg4[%add3A_649, %dma_wait3A_657, %dma_wait3A_658] : memref<16384x56x128xf32, #tpu.memory_space<hbm>> -> memref<1x50x32xf32, #tpu.memory_space<hbm>>
    %dma_wait3A_660 = tpu.memref_squeeze %dma_wait3A_659 : memref<1x50x32xf32, #tpu.memory_space<hbm>> -> memref<50x32xf32, #tpu.memory_space<hbm>>
    %dma_wait3A_661 = arith.constant 50 : i32
    %dma_wait3A_662 = arith.constant 0 : i32
    %dma_wait3A_663 = tpu.memref_slice %arg13[%dma_wait3A_661, %dma_wait3A_662] : memref<100x32xf32, #tpu.memory_space<vmem>> -> memref<50x32xf32, #tpu.memory_space<vmem>>
    tpu.wait_dma2 semaphore(%arg29 : memref<!tpu.dma_semaphore, #tpu.memory_space<semaphore_mem>>) src(%dma_wait3A_663 : memref<50x32xf32, #tpu.memory_space<vmem>>) dst(%dma_wait3A_660 : memref<50x32xf32, #tpu.memory_space<hbm>>)
    return
  }
}

</mosaic_0001>

<sc_bundles>
// kernel: kernel.3.cloned.1.call-start
scs
__scs_entry_jumppad:
0x0: {  	(pc) =	sbr.rel $0x88, $3  }
0x1: {  	(tag) =	ssettag $0x0;
	lr =	simm.s32 $0x1  }
0x2: {  	[smem:$0x3F9F] =	sst lr;
	_ =	strace $0xD0000000  }
0x3: {  	_ = 	snop  }
0x4: {  	_ = 	snop  }
0x5: {  	_ = 	snop  }
0x6: {  	_ = 	snop  }
0x7: {  	_ = 	snop  }
__scs_overlays_trampoline_lowered:
0x8: {  	[smem:$0x3FAE] =	sst s0  }
0x9: {  	[smem:$0x3FAF] =	sst s1  }
0xa: {  	[smem:$0x3FB0] =	sst s2  }
0xb: {  	[smem:$0x3FB1] =	sst s3  }
0xc: {  	[smem:$0x3FB2] =	sst s4  }
0xd: {  	[smem:$0x3FB3] =	sst s5  }
0xe: {  	[smem:$0x3FB4] =	sst s6  }
0xf: {  	[smem:$0x3FB5] =	sst s7  }
0x10: {  	[smem:$0x3FB6] =	sst s8  }
0x11: {  	[smem:$0x3FB7] =	sst s9;
	s0 =	simm.s32 @!p0 $0x0  }
0x12: {  	s1 =	sld [smem:$0x3F9D];
	s0 =	simm.s32 @p0 $0x1  }
0x13: {  	[smem:$0x3FB8] =	sst s0;
	s0 =	simm.s32 @!p1 $0x0  }
0x14: {  	s2 =	sld [smem:$0x3F9C];
	s0 =	simm.s32 @p1 $0x1  }
0x15: {  	[smem:$0x3FB9] =	sst s0;
	s0 =	simm.s32 @!p2 $0x0  }
0x16: {  	s3 =	sld [smem:$0x3FDB];
	s0 =	simm.s32 @p2 $0x1  }
0x17: {  	s4 =	simm.s32 $0x1BF5;
	[smem:$0x3FBB] =	sst s0  }
0x18: {  	s0 =	sld [smem:$0x3F9E];
	_ =	swait.ge [sflag:s4], $0x0  }
0x19: {  	s7 =	sld [smem:$0x3F9F]  }
0x1a: {  	s8 =	sadd.s32 $0xFFFFE003, lr  }
0x1b: {  	s9 =	sadd.s32 $0xFFFFFEF7, lr;
	s5 =	simm.s32 $0xFFFFFFFF;
	p2 =	slt.u32 s8, $0xFFFFF086  }
0x1c: {  	p1 =	slt.u32 s9, $0xF7A;
	s5 =	simm.s32 @!p2 $0x0  }
0x1d: {  	s5 =	simm.s32 @p1 $0x1;
	p0 =	seq.s32 s7, s2  }
0x1e: {  	s7 =	smul.u32 @!p0 $0xF7A, s2;
	p2 =	seq.s32 @!p0 s5, $0x0  }
0x1f: {  	s9 =	smul.u32 $0xF7A, s1;
	s8 =	simm.s32 @!p0 $0x1BF5;
	p2 =	por !p2, p0  }
0x20: {  	[sflag:s8] =	ssyncset.s32 @!p0 $0xFFFFF086;
	s6 =	sadd.s32 @!p0 s3, s7;
	s7 =	simm.s32 @!p0 $0x108  }
0x21: {  	s3 =	sadd.s32 s3, s9;
	s6 =	sadd.s32 @!p0 $0x88, s6;
	s7 =	simm.s32 @p2 $0x1082  }
0x22: {  	[simem:s7], [sflag:s8] =	dma.local @!p0 [hbm:s6], $0xF7A  }
0x23: {  	s9 =	sor.u32 $0xD0000000, s2;
	s6 =	simm.s32 $0x108;
	_ =	swait.ge @!p0 [sflag:s8], $0x0  }
0x24: {  	s3 =	sadd.s32 $0x88, s3;
	s6 =	simm.s32 @!p1 $0x1082;
	[sflag:s4] =	ssyncset.s32 $0xFFFFF086  }
0x25: {  	[simem:s6], [sflag:s4] =	dma.local [hbm:s3], $0xF7A  }
0x26: {  	[smem:$0x3F9F] =	sst s1;
	(tag) =	ssettag s2;
	_ =	strace s9  }
0x27: {  	s1 =	sld [smem:$0x3FAF]  }
0x28: {  	s2 =	sld [smem:$0x3FB0]  }
0x29: {  	s4 =	sld [smem:$0x3FB2]  }
0x2a: {  	p0 =	seq.s32 s5, $0x0;
	s5 =	sld [smem:$0x3FB3]  }
0x2b: {  	s6 =	sld [smem:$0x3FB4]  }
0x2c: {  	s7 =	sld [smem:$0x3FB5]  }
0x2d: {  	s3 =	simm.s32 $0x108;
	s8 =	sld [smem:$0x3FB6]  }
0x2e: {  	s3 =	simm.s32 @!p0 $0x1082;
	s9 =	sld [smem:$0x3FB7]  }
0x2f: {  	lr =	sadd.s32 s0, s3;
	s0 =	sld [smem:$0x3FAE]  }
0x30: {  	s3 =	sld [smem:$0x3FB1]  }
0x31: {  	[smem:$0x3FBA] =	sst s10  }
0x32: {  	s10 =	sld [smem:$0x3FB8];
	_ =	sdelay $0x3  }
0x33: {  	p0 =	seq.s32 s10, $0x1;
	s10 =	sld [smem:$0x3FBA];
	_ =	sdelay $0x3  }
0x34: {  	[smem:$0x3FBA] =	sst s10  }
0x35: {  	s10 =	sld [smem:$0x3FB9];
	_ =	sdelay $0x3  }
0x36: {  	p1 =	seq.s32 s10, $0x1;
	s10 =	sld [smem:$0x3FBA];
	_ =	sdelay $0x3  }
0x37: {  	[smem:$0x3FBA] =	sst s10  }
0x38: {  	s10 =	sld [smem:$0x3FBB]  }
0x39: {  	_ = 	snop;
	(pc) =	sbr.ind lr, $3  }
0x3a: {  	_ = 	snop  }
0x3b: {  	_ = 	snop  }
0x3c: {  	p2 =	seq.s32 s10, $0x1;
	s10 =	sld [smem:$0x3FBA]  }
0x3d: {  	_ =	shalt  }
0x3e: {  	_ =	shalt  }
0x3f: {  	_ =	shalt  }
0x40: {  	_ =	shalt  }
0x41: {  	_ =	shalt  }
0x42: {  	_ =	shalt  }
0x43: {  	_ =	shalt  }
0x44: {  	_ =	shalt  }
0x45: {  	_ =	shalt  }
0x46: {  	_ =	shalt  }
0x47: {  	_ =	shalt  }
0x48: {  	_ =	shalt  }
0x49: {  	_ =	shalt  }
0x4a: {  	_ =	shalt  }
0x4b: {  	_ =	shalt  }
0x4c: {  	_ =	shalt  }
0x4d: {  	_ =	shalt  }
0x4e: {  	_ =	shalt  }
0x4f: {  	_ =	shalt  }
0x50: {  	_ =	shalt  }
0x51: {  	_ =	shalt  }
0x52: {  	_ =	shalt  }
0x53: {  	_ =	shalt  }
0x54: {  	_ =	shalt  }
0x55: {  	_ =	shalt  }
0x56: {  	_ =	shalt  }
0x57: {  	_ =	shalt  }
0x58: {  	_ =	shalt  }
0x59: {  	_ =	shalt  }
0x5a: {  	_ =	shalt  }
0x5b: {  	_ =	shalt  }
0x5c: {  	_ =	shalt  }
0x5d: {  	_ =	shalt  }
0x5e: {  	_ =	shalt  }
0x5f: {  	_ =	shalt  }
0x60: {  	_ =	shalt  }
0x61: {  	_ =	shalt  }
0x62: {  	_ =	shalt  }
0x63: {  	_ =	shalt  }
0x64: {  	_ =	shalt  }
0x65: {  	_ =	shalt  }
0x66: {  	_ =	shalt  }
0x67: {  	_ =	shalt  }
0x68: {  	_ =	shalt  }
0x69: {  	_ =	shalt  }
0x6a: {  	_ =	shalt  }
0x6b: {  	_ =	shalt  }
0x6c: {  	_ =	shalt  }
0x6d: {  	_ =	shalt  }
0x6e: {  	_ =	shalt  }
0x6f: {  	_ =	shalt  }
0x70: {  	_ =	shalt  }
0x71: {  	_ =	shalt  }
0x72: {  	_ =	shalt  }
0x73: {  	_ =	shalt  }
0x74: {  	_ =	shalt  }
0x75: {  	_ =	shalt  }
0x76: {  	_ =	shalt  }
0x77: {  	_ =	shalt  }
0x78: {  	_ =	shalt  }
0x79: {  	_ =	shalt  }
0x7a: {  	_ =	shalt  }
0x7b: {  	_ =	shalt  }
0x7c: {  	_ =	shalt  }
0x7d: {  	_ =	shalt  }
0x7e: {  	_ =	shalt  }
0x7f: {  	_ =	shalt  }
0x80: {  	_ =	shalt  }
0x81: {  	_ =	shalt  }
0x82: {  	_ =	shalt  }
0x83: {  	_ =	shalt  }
0x84: {  	_ =	shalt  }
0x85: {  	_ =	shalt  }
0x86: {  	_ =	shalt  }
0x87: {  	_ =	shalt  }
.Lfunc_end0:
.L_simem_size_0:
called_computation.1_lowered:
.L_overlay_start_0:
0x88: {  	s2 =	sld [smem:$0x3FD9]  }
0x89: {  	s3 =	sld [smem:$0x3FFE];
	_ =	sdelay $0x1  }
0x8a: {  	s1 =	srdreg.scid  }
0x8b: {  	s0 =	sand.u32 $0x1, s1  }
0x8c: {  	s17 =	sshll.u32 s0, $0xA;
	s2 =	sadd.s32 s3, s2  }
0x8d: {  	s2 =	sadd.s32 s2, s17  }
0x8e: {  	[smem:$0x3FC6] =	sst s2  }
0x8f: {  	_ = 	snop  }
0x90: {  	s2 =	sld [smem:$0x3FD0];
	(tm) =	ssettm $0x1  }
0x91: {  	s18 =	sld [smem:$0x3FFB];
	_ =	sdelay $0x3  }
0x92: {  	_ =	strace s18  }
0x93: {  	s3 =	sld [smem:$0x3FFC];
	_ =	sdelay $0x3  }
0x94: {  	_ =	strace s3  }
0x95: {  	s3 =	sld [smem:$0x3FFD];
	_ =	sdelay $0x3  }
0x96: {  	_ =	strace s3  }
0x97: {  	_ =	strace $0x8FFFFFFF  }
0x98: {  	s19 =	sld [smem:$0x3FDB];
	_ =	sdelay $0x1  }
0x99: {  	s4 =	simm.s32 $_scs_section_size  }
0x9a: {  	s5 =	simm.s32 $_size__tile_overlayer_lowered;
	s6 =	simm.s32 $_tile_overlayer_lowered  }
0x9b: {  	s22 =	simm.s32 $0x1BFF;
	s21 =	sshll.u32 s6, $0x1;
	s3 =	sadd.s32 s4, s19  }
0x9c: {  	s7 =	simm.s32 $0x0;
	s20 =	sshll.u32 s5, $0x1;
	s5 =	sadd.s32 s21, s3  }
0x9d: {  	[timem:s7], [sflag:s22] =	dma.local [hbm:s5], s20  }
0x9e: {  	_ =	swait.ge [sflag:s22], s20  }
0x9f: {  	s4 =	ssub.s32 $0x0, s20;
	[sflag:s22] =	ssyncset.done $0x0  }
0xa0: {  	[sflag:s22] =	ssyncadd.s32 s4;
	_ =	sdelay $0x1  }
0xa1: {  	s23 =	simm.s32 $0x1B8B  }
0xa2: {  	_ =	swait.ge [sflag:s23], $0x1  }
0xa3: {  	[sflag:s23] =	ssyncset.done $0x0  }
0xa4: {  	s25 =	simm.s32 $0x1B8E;
	s24 =	sld [smem:$0x3FFE];
	[sflag:s23] =	ssyncadd.s32 $0xFFFFFFFF  }
0xa5: {  	s26 =	simm.s32 $execute0_lowered;
	[smem:$0x3FD2] =	sst s25  }
0xa6: {  	s5 =	sshll.u32 s26, $0x1;
	_ =	strace $0x80000046;
	[dreg:$0x1] =	wrdreg $0xFFFFFFFF  }
0xa7: {  	s28 =	simm.s32 $_size_execute0_lowered;
	s3 =	sadd.s32 s3, s5;
	[dreg:$0x0] =	wrdreg $0x0  }
0xa8: {  	s5 =	sshll.u32 s28, $0x1;
	[dreg:$0x2] =	wrdreg s3  }
0xa9: {  	[dreg:$0x3] =	wrdreg s5  }
0xaa: {  	[dreg:$0x4] =	wrdreg $0xC0  }
0xab: {  	_ =	task [dreg:s7], $0x5FFFF  }
0xac: {  	[dreg:$0x1] =	wrdreg $0xFFFFFFFF  }
0xad: {  	[dreg:$0x0] =	wrdreg $0x60  }
0xae: {  	[dreg:$0x2] =	wrdreg s2  }
0xaf: {  	[dreg:$0x3] =	wrdreg s24  }
0xb0: {  	[dreg:$0x4] =	wrdreg $0x9  }
0xb1: {  	_ =	task.clear_ibuf [dreg:s7], $0x5FFFF;
	_ =	strace $0x90000046  }
0xb2: {  	s29 =	simm.s32 $0x9;
	_ =	strace $0x80000048  }
0xb3: {  	_ =	swait.ge [sflag:s29], $0x1  }
0xb4: {  	[sflag:s29] =	ssyncadd.s32 $0xFFFFFFFF  }
0xb5: {  	_ =	strace $0x90000048  }
0xb6: {  	_ =	sfence  }
0xb7: {  	s30 =	sld [smem:$0x0];
	_ =	sdelay $0x2  }
0xb8: {  	s31 =	sshll.u32 s1, $0xD;
	s1 =	sshrl.u32 s1, $0x2  }
0xb9: {  	s3 =	sand.u32 $0x4000, s31;
	s1 =	sadd.s32 s1, s30  }
0xba: {  	s0 =	sor.u32 s3, s0;
	s1 =	sshll.u32 s1, $0x11  }
0xbb: {  	s0 =	sor.u32 s1, s0  }
0xbc: {  	s0 =	sadd.s32 $0x8F2B, s0  }
0xbd: {  	[sflag:s0] =	ssyncadd.remote.s32 $0x1  }
0xbe: {  	_ =	sfence.sel $0xFFFF  }
0xbf: {  	[dreg:$0x0] =	wrdreg $0xFFFFFFFF;
	(pc) =	sbr.abs _section_cstart, $3  }
0xc0: {  	[dreg:$0x1] =	wrdreg $0xFFFFFFFF  }
0xc1: {  	_ =	task.clear_ibuf [dreg:s7], $0x2FFFF;
	_ =	strace $0x9FFFFFFF  }
0xc2: {  	(tm) =	ssettm $0x7FFFFFFF  }
0xc3: {  	_ =	shalt  }
tec
execute0_lowered:
.L_overlay_start_1:
0x0: {  	(tag) =	ssettag $0x1  }
0x1: {  	s0 =	rddreg [dreg:$0x0]  }
0x2: {  	s2 =	srdreg.scid;
	s8 =	stileid.u32;
	s4 =	simm.s32 $0x0  }
0x3: {  	s2 =	sand.u32 $0x1, s2;
	s3 =	sshll.u32 s8, $0x1;
	s12 =	smul.u32 $0xE0000, s8  }
0x4: {  	[smem:$0x7FF] =	sst s4;
	s19 =	sor.u32 s2, s3;
	s24 =	smul.u32 $0x380000, s2  }
0x5: {  	s1 =	rddreg [dreg:$0x1];
	_ =	strace $0x80000047;
	s5 =	smul.u32 $0x380000, s19  }
0x6: {  	s3 =	sadd.s32 $0xF42E00, s1;
	s4 =	smul.u32 $0xD00, s19  }
0x7: {  	s6 =	ssub.s32 $0x2, s2;
	s1 =	sadd.s32 $0xA00, s1;
	s2 =	smul.u32 $0x70000, s2  }
0x8: {  	s15 =	sadd.s32 s12, s1;
	s5 =	sshrl.u32 s5, $0x3;
	s0 =	sadd.s32 s0, s4  }
0x9: {  	s2 =	sadd.s32 s2, s15;
	[dreg:$0xa] =	wrdreg s0;
	s0 =	sadd.s32 s1, s5  }
0xa: {  	[dreg:$0x4] =	wrdreg s2;
	s20 =	sadd.s32 $0x6C800, s0  }
0xb: {  	s21 =	sadd.s32 $0x6CB80, s0;
	[dreg:$0xb] =	wrdreg s20  }
0xc: {  	s5 =	sadd.s32 $0x6CF00, s0;
	[dreg:$0xc] =	wrdreg s21  }
0xd: {  	s23 =	sadd.s32 $0x6D280, s0;
	[dreg:$0xd] =	wrdreg s5  }
0xe: {  	s25 =	sadd.s32 $0x6D600, s0;
	[dreg:$0xe] =	wrdreg s23  }
0xf: {  	s26 =	sadd.s32 $0x6D980, s0;
	[dreg:$0xf] =	wrdreg s25  }
0x10: {  	s28 =	sadd.s32 $0x6DD00, s0;
	[dreg:$0x10] =	wrdreg s26  }
0x11: {  	s30 =	simm.s32 $0x8D80;
	s29 =	sadd.s32 $0x6E080, s0;
	[dreg:$0x11] =	wrdreg s28  }
0x12: {  	s7 =	sshrl.u32 s6, $0x1;
	s31 =	sadd.s32 $0x6E400, s0;
	[dreg:$0x12] =	wrdreg s29  }
0x13: {  	s6 =	ssub.s32 s6, s7;
	s7 =	sadd.s32 $0x6E780, s0;
	[dreg:$0x13] =	wrdreg s31  }
0x14: {  	s22 =	smul.u32 $0x700000, s8;
	s9 =	sadd.s32 $0x6EB00, s0;
	[dreg:$0x14] =	wrdreg s7  }
0x15: {  	s12 =	simm.s32 $0x5;
	s11 =	sadd.s32 $0x6EE80, s0;
	[dreg:$0x15] =	wrdreg s9  }
0x16: {  	s4 =	sadd.s32 s24, s22;
	s13 =	sadd.s32 $0x6F200, s0;
	[dreg:$0x16] =	wrdreg s11  }
0x17: {  	s10 =	sor.u32 $0x1A400, s4;
	s14 =	sadd.s32 $0x6F580, s0;
	[dreg:$0x17] =	wrdreg s13  }
0x18: {  	s17 =	sor.u32 $0x16C00, s4;
	s16 =	sadd.s32 $0x6F900, s0;
	[dreg:$0x18] =	wrdreg s14  }
0x19: {  	s19 =	sor.u32 $0x13400, s4;
	s0 =	sadd.s32 $0x6FC80, s0;
	[dreg:$0x19] =	wrdreg s16  }
0x1a: {  	s18 =	sshrl.u32 s17, $0x3;
	s5 =	sshrl.u32 s10, $0x3;
	[dreg:$0x1a] =	wrdreg s0  }
0x1b: {  	s20 =	sadd.s32 s18, s1;
	s21 =	sshrl.u32 s19, $0x3;
	s23 =	sor.u32 $0xC400, s4  }
0x1c: {  	s25 =	sor.u32 $0x8C00, s4;
	s4 =	sor.u32 $0x5400, s4;
	s29 =	smax.u32 s6, $0x1  }
0x1d: {  	s14 =	simm.s32 $0x6;
	s16 =	simm.s32 $0x7;
	s18 =	simm.s32 $0x8  }
0x1e: {  	s7 =	simm.s32 $0xD;
	s9 =	simm.s32 $0xE;
	s11 =	simm.s32 $0xF  }
0x1f: {  	s13 =	simm.s32 $0x10;
	s5 =	sadd.s32 s5, s1;
	[dreg:$0x5] =	wrdreg s20  }
0x20: {  	s22 =	sadd.s32 s21, s1;
	s24 =	sshrl.u32 s23, $0x3;
	s2 =	sshrl.u32 s25, $0x3  }
0x21: {  	s28 =	sshrl.u32 s4, $0x3;
	[dreg:$0x1b] =	wrdreg s29;
	s23 =	simm.s32 $0x64  }
0x22: {  	s4 =	simm.s32 $0x80;
	s20 =	simm.s32 $0x9;
	[dreg:$0x3] =	wrdreg s5  }
0x23: {  	s21 =	simm.s32 $0xA;
	[dreg:$0x6] =	wrdreg s22;
	s0 =	sadd.s32 s24, s1  }
0x24: {  	s26 =	sadd.s32 s2, s1;
	s31 =	sadd.s32 s28, s1;
	[dreg:$0x7] =	wrdreg s0  }
0x25: {  	s2 =	simm.s32 $0x20;
	s22 =	simm.s32 $0xB;
	[dreg:$0x8] =	wrdreg s26  }
0x26: {  	s5 =	simm.s32 $0xC;
	[dreg:$0x9] =	wrdreg s31;
	s0 =	simm.s32 $0x0  }
.LBB2_1:
0x27: {  	[dreg:$0x1c] =	wrdreg s0  }
0x28: {  	s15 =	simm.s32 $0x0;
	s17 =	rddreg [dreg:$0xa];
	s28 =	simm.s32 $0x11  }
0x29: {  	[tilespmem:s15], [sflag:$0x11] =	stream.linear.gather [hbm4b:s17+s15], $0x6800, $0x38;
	[tilespmem:$0xCC00] =	vst v63  }
0x2a: {  	_ =	swait.ge [sflag:s28], $0x6800  }
0x2b: {  	[sflag:s28] =	ssyncset.done $0x0  }
0x2c: {  	s1 =	simm.s32 $0x6800;
	[sflag:s28] =	ssyncadd.s32 $0xFFFF9800  }
0x2d: {  	[tilespmem:s1], [sflag:$0x1] =	stream.indirect.gather [hbm4b:s3+s23], $0x20, s15, s23, $0xb8;
	[tilespmem:$0xCC00] =	vst v63  }
0x2e: {  	s29 =	simm.s32 $0x68;
	s24 =	simm.s32 $0x7480  }
0x2f: {  	[tilespmem:s24], [sflag:$0x2] =	stream.indirect.gather [hbm4b:s3+s23], $0x20, s29, s23, $0xb8;
	[tilespmem:$0xCC00] =	vst v63  }
0x30: {  	s31 =	simm.s32 $0xD0;
	s0 =	simm.s32 $0x8100  }
0x31: {  	[tilespmem:s0], [sflag:$0x3] =	stream.indirect.gather [hbm4b:s3+s23], $0x20, s31, s23, $0xb8;
	[tilespmem:$0xCC00] =	vst v63  }
0x32: {  	s6 =	simm.s32 $0x138;
	s26 =	simm.s32 $0x8D80  }
0x33: {  	[tilespmem:s26], [sflag:$0x4] =	stream.indirect.gather [hbm4b:s3+s23], $0x20, s6, s23, $0xb8;
	[tilespmem:$0xCC00] =	vst v63  }
0x34: {  	s8 =	simm.s32 $0x1A0;
	s25 =	simm.s32 $0x9A00  }
0x35: {  	[tilespmem:s25], [sflag:$0x5] =	stream.indirect.gather [hbm4b:s3+s23], $0x20, s8, s23, $0xb8;
	[tilespmem:$0xCC00] =	vst v63  }
0x36: {  	s10 =	simm.s32 $0x208;
	s6 =	simm.s32 $0xA680  }
0x37: {  	[tilespmem:s6], [sflag:$0x6] =	stream.indirect.gather [hbm4b:s3+s23], $0x20, s10, s23, $0xb8;
	[tilespmem:$0xCC00] =	vst v63  }
0x38: {  	s17 =	simm.s32 $0x270;
	s8 =	simm.s32 $0xB300  }
0x39: {  	[tilespmem:s8], [sflag:$0x7] =	stream.indirect.gather [hbm4b:s3+s23], $0x20, s17, s23, $0xb8;
	[tilespmem:$0xCC00] =	vst v63  }
0x3a: {  	s19 =	simm.s32 $0x2D8;
	s28 =	simm.s32 $0x1;
	s10 =	simm.s32 $0xBF80  }
0x3b: {  	[tilespmem:s10], [sflag:$0x8] =	stream.indirect.gather [hbm4b:s3+s23], $0x20, s19, s23, $0xb8;
	[tilespmem:$0xCC00] =	vst v63  }
0x3c: {  	_ =	swait.ge [sflag:s28], $0xC80  }
0x3d: {  	s29 =	rddreg [dreg:$0x4];
	[sflag:s28] =	ssyncset.done $0x0  }
0x3e: {  	[sflag:s28] =	ssyncadd.s32 $0xFFFFF380;
	s15 =	sadd.s32 $0x0, s29  }
0x3f: {  	[hbm4b:s15+s2] =	stream.strided.scatter [tilespmem:s1], [sflag:$0x9], $0x640, s4, s2, $0x38;
	[tilespmem:$0xCC00] =	vst v63  }
0x40: {  	s17 =	simm.s32 $0x2;
	s19 =	simm.s32 $0x6E40;
	s31 =	sadd.s32 $0x380, s15  }
0x41: {  	[hbm4b:s31+s2] =	stream.strided.scatter [tilespmem:s19], [sflag:$0x9], $0x640, s4, s2, $0x38;
	[tilespmem:$0xCC00] =	vst v63  }
0x42: {  	_ =	swait.ge [sflag:s17], $0xC80  }
0x43: {  	[sflag:s17] =	ssyncset.done $0x0  }
0x44: {  	s29 =	sadd.s32 $0x700, s15;
	s28 =	rddreg [dreg:$0x9];
	[sflag:s17] =	ssyncadd.s32 $0xFFFFF380  }
0x45: {  	[hbm4b:s29+s2] =	stream.strided.scatter [tilespmem:s24], [sflag:$0xA], $0x640, s4, s2, $0x38;
	[tilespmem:$0xCC00] =	vst v63  }
0x46: {  	s31 =	simm.s32 $0x7AC0;
	s17 =	sadd.s32 $0x0, s28  }
0x47: {  	[hbm4b:s17+s2] =	stream.strided.scatter [tilespmem:s31], [sflag:$0xA], $0x640, s4, s2, $0x38;
	[tilespmem:$0xCC00] =	vst v63  }
0x48: {  	s17 =	simm.s32 $0x3  }
0x49: {  	_ =	swait.ge [sflag:s17], $0xC80  }
0x4a: {  	[sflag:s17] =	ssyncset.done $0x0  }
0x4b: {  	s29 =	sadd.s32 $0xE00, s15;
	s28 =	rddreg [dreg:$0x8];
	[sflag:s17] =	ssyncadd.s32 $0xFFFFF380  }
0x4c: {  	[hbm4b:s29+s2] =	stream.strided.scatter [tilespmem:s0], [sflag:$0xB], $0x640, s4, s2, $0x38;
	[tilespmem:$0xCC00] =	vst v63  }
0x4d: {  	s31 =	simm.s32 $0x8740;
	s17 =	sadd.s32 $0x0, s28  }
0x4e: {  	[hbm4b:s17+s2] =	stream.strided.scatter [tilespmem:s31], [sflag:$0xB], $0x640, s4, s2, $0x38;
	[tilespmem:$0xCC00] =	vst v63  }
0x4f: {  	s17 =	simm.s32 $0x4  }
0x50: {  	_ =	swait.ge [sflag:s17], $0xC80  }
0x51: {  	[sflag:s17] =	ssyncset.done $0x0  }
0x52: {  	s29 =	sadd.s32 $0x1500, s15;
	s28 =	rddreg [dreg:$0x7];
	[sflag:s17] =	ssyncadd.s32 $0xFFFFF380  }
0x53: {  	[hbm4b:s29+s2] =	stream.strided.scatter [tilespmem:s26], [sflag:$0xC], $0x640, s4, s2, $0x38;
	[tilespmem:$0xCC00] =	vst v63  }
0x54: {  	s31 =	simm.s32 $0x93C0;
	s17 =	sadd.s32 $0x0, s28  }
0x55: {  	[hbm4b:s17+s2] =	stream.strided.scatter [tilespmem:s31], [sflag:$0xC], $0x640, s4, s2, $0x38;
	[tilespmem:$0xCC00] =	vst v63  }
0x56: {  	_ =	swait.ge [sflag:s12], $0xC80  }
0x57: {  	[sflag:s12] =	ssyncset.done $0x0  }
0x58: {  	s28 =	sadd.s32 $0x1C00, s15;
	[sflag:s12] =	ssyncadd.s32 $0xFFFFF380  }
0x59: {  	[hbm4b:s28+s2] =	stream.strided.scatter [tilespmem:s25], [sflag:$0xD], $0x640, s4, s2, $0x38;
	[tilespmem:$0xCC00] =	vst v63  }
0x5a: {  	s29 =	sadd.s32 $0x1F80, s15;
	s31 =	simm.s32 $0xA040  }
0x5b: {  	[hbm4b:s29+s2] =	stream.strided.scatter [tilespmem:s31], [sflag:$0xD], $0x640, s4, s2, $0x38;
	[tilespmem:$0xCC00] =	vst v63  }
0x5c: {  	_ =	swait.ge [sflag:s14], $0xC80  }
0x5d: {  	[sflag:s14] =	ssyncset.done $0x0  }
0x5e: {  	s29 =	sadd.s32 $0x2300, s15;
	s28 =	rddreg [dreg:$0x6];
	[sflag:s14] =	ssyncadd.s32 $0xFFFFF380  }
0x5f: {  	[hbm4b:s29+s2] =	stream.strided.scatter [tilespmem:s6], [sflag:$0xE], $0x640, s4, s2, $0x38;
	[tilespmem:$0xCC00] =	vst v63  }
0x60: {  	s31 =	simm.s32 $0xACC0;
	s17 =	sadd.s32 $0x0, s28  }
0x61: {  	[hbm4b:s17+s2] =	stream.strided.scatter [tilespmem:s31], [sflag:$0xE], $0x640, s4, s2, $0x38;
	[tilespmem:$0xCC00] =	vst v63  }
0x62: {  	_ =	swait.ge [sflag:s16], $0xC80  }
0x63: {  	[sflag:s16] =	ssyncset.done $0x0  }
0x64: {  	s29 =	sadd.s32 $0x2A00, s15;
	s28 =	rddreg [dreg:$0x5];
	[sflag:s16] =	ssyncadd.s32 $0xFFFFF380  }
0x65: {  	[hbm4b:s29+s2] =	stream.strided.scatter [tilespmem:s8], [sflag:$0xF], $0x640, s4, s2, $0x38;
	[tilespmem:$0xCC00] =	vst v63  }
0x66: {  	s31 =	simm.s32 $0xB940;
	s17 =	sadd.s32 $0x0, s28  }
0x67: {  	[hbm4b:s17+s2] =	stream.strided.scatter [tilespmem:s31], [sflag:$0xF], $0x640, s4, s2, $0x38;
	[tilespmem:$0xCC00] =	vst v63  }
0x68: {  	_ =	swait.ge [sflag:s18], $0xC80  }
0x69: {  	[sflag:s18] =	ssyncset.done $0x0  }
0x6a: {  	s15 =	sadd.s32 $0x3100, s15;
	s28 =	rddreg [dreg:$0x3];
	[sflag:s18] =	ssyncadd.s32 $0xFFFFF380  }
0x6b: {  	[hbm4b:s15+s2] =	stream.strided.scatter [tilespmem:s10], [sflag:$0x10], $0x640, s4, s2, $0x38;
	[tilespmem:$0xCC00] =	vst v63  }
0x6c: {  	s31 =	simm.s32 $0xC5C0;
	s29 =	sadd.s32 $0x0, s28  }
0x6d: {  	[hbm4b:s29+s2] =	stream.strided.scatter [tilespmem:s31], [sflag:$0x10], $0x640, s4, s2, $0x38;
	[tilespmem:$0xCC00] =	vst v63  }
0x6e: {  	_ =	swait.ge [sflag:s20], $0x640  }
0x6f: {  	[sflag:s20] =	ssyncset.done $0x0  }
0x70: {  	[sflag:s20] =	ssyncadd.s32 $0xFFFFF9C0  }
0x71: {  	_ =	swait.ge [sflag:s20], $0x640  }
0x72: {  	[sflag:s20] =	ssyncset.done $0x0  }
0x73: {  	s10 =	simm.s32 $0x340;
	[sflag:s20] =	ssyncadd.s32 $0xFFFFF9C0  }
0x74: {  	[tilespmem:s1], [sflag:$0x1] =	stream.indirect.gather [hbm4b:s3+s23], $0x20, s10, s23, $0xb8;
	[tilespmem:$0xCC00] =	vst v63  }
0x75: {  	_ =	swait.ge [sflag:s21], $0x640  }
0x76: {  	[sflag:s21] =	ssyncset.done $0x0  }
0x77: {  	[sflag:s21] =	ssyncadd.s32 $0xFFFFF9C0  }
0x78: {  	_ =	swait.ge [sflag:s21], $0x640  }
0x79: {  	[sflag:s21] =	ssyncset.done $0x0  }
0x7a: {  	s17 =	simm.s32 $0x3A8;
	[sflag:s21] =	ssyncadd.s32 $0xFFFFF9C0  }
0x7b: {  	[tilespmem:s24], [sflag:$0x2] =	stream.indirect.gather [hbm4b:s3+s23], $0x20, s17, s23, $0xb8;
	[tilespmem:$0xCC00] =	vst v63  }
0x7c: {  	_ =	swait.ge [sflag:s22], $0x640  }
0x7d: {  	[sflag:s22] =	ssyncset.done $0x0  }
0x7e: {  	[sflag:s22] =	ssyncadd.s32 $0xFFFFF9C0  }
0x7f: {  	_ =	swait.ge [sflag:s22], $0x640  }
0x80: {  	[sflag:s22] =	ssyncset.done $0x0  }
0x81: {  	s19 =	simm.s32 $0x410;
	[sflag:s22] =	ssyncadd.s32 $0xFFFFF9C0  }
0x82: {  	[tilespmem:s0], [sflag:$0x3] =	stream.indirect.gather [hbm4b:s3+s23], $0x20, s19, s23, $0xb8;
	[tilespmem:$0xCC00] =	vst v63  }
0x83: {  	_ =	swait.ge [sflag:s5], $0x640  }
0x84: {  	[sflag:s5] =	ssyncset.done $0x0  }
0x85: {  	[sflag:s5] =	ssyncadd.s32 $0xFFFFF9C0  }
0x86: {  	_ =	swait.ge [sflag:s5], $0x640  }
0x87: {  	[sflag:s5] =	ssyncset.done $0x0  }
0x88: {  	s24 =	simm.s32 $0x478;
	[sflag:s5] =	ssyncadd.s32 $0xFFFFF9C0  }
0x89: {  	[tilespmem:s26], [sflag:$0x4] =	stream.indirect.gather [hbm4b:s3+s23], $0x20, s24, s23, $0xb8;
	[tilespmem:$0xCC00] =	vst v63  }
0x8a: {  	_ =	swait.ge [sflag:s7], $0x640  }
0x8b: {  	[sflag:s7] =	ssyncset.done $0x0  }
0x8c: {  	[sflag:s7] =	ssyncadd.s32 $0xFFFFF9C0  }
0x8d: {  	_ =	swait.ge [sflag:s7], $0x640  }
0x8e: {  	[sflag:s7] =	ssyncset.done $0x0  }
0x8f: {  	s28 =	simm.s32 $0x4E0;
	[sflag:s7] =	ssyncadd.s32 $0xFFFFF9C0  }
0x90: {  	[tilespmem:s25], [sflag:$0x5] =	stream.indirect.gather [hbm4b:s3+s23], $0x20, s28, s23, $0xb8;
	[tilespmem:$0xCC00] =	vst v63  }
0x91: {  	_ =	swait.ge [sflag:s9], $0x640  }
0x92: {  	[sflag:s9] =	ssyncset.done $0x0  }
0x93: {  	[sflag:s9] =	ssyncadd.s32 $0xFFFFF9C0  }
0x94: {  	_ =	swait.ge [sflag:s9], $0x640  }
0x95: {  	[sflag:s9] =	ssyncset.done $0x0  }
0x96: {  	s29 =	simm.s32 $0x548;
	[sflag:s9] =	ssyncadd.s32 $0xFFFFF9C0  }
0x97: {  	[tilespmem:s6], [sflag:$0x6] =	stream.indirect.gather [hbm4b:s3+s23], $0x20, s29, s23, $0xb8;
	[tilespmem:$0xCC00] =	vst v63  }
0x98: {  	_ =	swait.ge [sflag:s11], $0x640  }
0x99: {  	[sflag:s11] =	ssyncset.done $0x0  }
0x9a: {  	[sflag:s11] =	ssyncadd.s32 $0xFFFFF9C0  }
0x9b: {  	_ =	swait.ge [sflag:s11], $0x640  }
0x9c: {  	[sflag:s11] =	ssyncset.done $0x0  }
0x9d: {  	s31 =	simm.s32 $0x5B0;
	[sflag:s11] =	ssyncadd.s32 $0xFFFFF9C0  }
0x9e: {  	[tilespmem:s8], [sflag:$0x7] =	stream.indirect.gather [hbm4b:s3+s23], $0x20, s31, s23, $0xb8;
	[tilespmem:$0xCC00] =	vst v63  }
0x9f: {  	_ =	swait.ge [sflag:s13], $0x640  }
0xa0: {  	[sflag:s13] =	ssyncset.done $0x0  }
0xa1: {  	[sflag:s13] =	ssyncadd.s32 $0xFFFFF9C0  }
0xa2: {  	_ =	swait.ge [sflag:s13], $0x640  }
0xa3: {  	s15 =	simm.s32 $0x618;
	[sflag:s13] =	ssyncset.done $0x0  }
0xa4: {  	s17 =	simm.s32 $0x3800;
	s19 =	simm.s32 $0x958;
	[sflag:s13] =	ssyncadd.s32 $0xFFFFF9C0  }
.LBB2_2:
0xa5: {  	s10 =	simm.s32 $0xBF80;
	s0 =	simm.s32 $0x1  }
0xa6: {  	[tilespmem:s10], [sflag:$0x8] =	stream.indirect.gather [hbm4b:s3+s23], $0x20, s15, s23, $0xb8;
	[tilespmem:$0xCC00] =	vst v63  }
0xa7: {  	_ =	swait.ge [sflag:s0], $0xC80  }
0xa8: {  	s24 =	smov.u32 s17;
	s26 =	rddreg [dreg:$0x4];
	[sflag:s0] =	ssyncset.done $0x0  }
0xa9: {  	s1 =	simm.s32 $0x6800;
	[sflag:s0] =	ssyncadd.s32 $0xFFFFF380;
	s26 =	sadd.s32 s24, s26  }
0xaa: {  	[hbm4b:s26+s2] =	stream.strided.scatter [tilespmem:s1], [sflag:$0x9], $0x640, s4, s2, $0x38;
	[tilespmem:$0xCC00] =	vst v63  }
0xab: {  	s25 =	simm.s32 $0x6E40;
	s31 =	simm.s32 $0x2;
	s29 =	sadd.s32 $0x380, s26  }
0xac: {  	[hbm4b:s29+s2] =	stream.strided.scatter [tilespmem:s25], [sflag:$0x9], $0x640, s4, s2, $0x38;
	[tilespmem:$0xCC00] =	vst v63  }
0xad: {  	_ =	swait.ge [sflag:s31], $0xC80  }
0xae: {  	s28 =	simm.s32 $0x7480;
	[sflag:s31] =	ssyncset.done $0x0  }
0xaf: {  	s29 =	rddreg [dreg:$0x9];
	[sflag:s31] =	ssyncadd.s32 $0xFFFFF380;
	s31 =	sadd.s32 $0x700, s26  }
0xb0: {  	[hbm4b:s31+s2] =	stream.strided.scatter [tilespmem:s28], [sflag:$0xA], $0x640, s4, s2, $0x38;
	[tilespmem:$0xCC00] =	vst v63  }
0xb1: {  	s6 =	simm.s32 $0x7AC0;
	s8 =	simm.s32 $0x3;
	s29 =	sadd.s32 s24, s29  }
0xb2: {  	[hbm4b:s29+s2] =	stream.strided.scatter [tilespmem:s6], [sflag:$0xA], $0x640, s4, s2, $0x38;
	[tilespmem:$0xCC00] =	vst v63  }
0xb3: {  	_ =	swait.ge [sflag:s8], $0xC80  }
0xb4: {  	s0 =	simm.s32 $0x8100;
	[sflag:s8] =	ssyncset.done $0x0  }
0xb5: {  	s25 =	sadd.s32 $0xE00, s26;
	s29 =	rddreg [dreg:$0x8];
	[sflag:s8] =	ssyncadd.s32 $0xFFFFF380  }
0xb6: {  	[hbm4b:s25+s2] =	stream.strided.scatter [tilespmem:s0], [sflag:$0xB], $0x640, s4, s2, $0x38;
	[tilespmem:$0xCC00] =	vst v63  }
0xb7: {  	s31 =	simm.s32 $0x4;
	s6 =	simm.s32 $0x8740;
	s29 =	sadd.s32 s24, s29  }
0xb8: {  	[hbm4b:s29+s2] =	stream.strided.scatter [tilespmem:s6], [sflag:$0xB], $0x640, s4, s2, $0x38;
	[tilespmem:$0xCC00] =	vst v63  }
0xb9: {  	_ =	swait.ge [sflag:s31], $0xC80  }
0xba: {  	[sflag:s31] =	ssyncset.done $0x0  }
0xbb: {  	s8 =	sadd.s32 $0x1500, s26;
	s29 =	rddreg [dreg:$0x7];
	[sflag:s31] =	ssyncadd.s32 $0xFFFFF380  }
0xbc: {  	[hbm4b:s8+s2] =	stream.strided.scatter [tilespmem:s30], [sflag:$0xC], $0x640, s4, s2, $0x38;
	[tilespmem:$0xCC00] =	vst v63  }
0xbd: {  	s25 =	simm.s32 $0x93C0;
	s29 =	sadd.s32 s24, s29  }
0xbe: {  	[hbm4b:s29+s2] =	stream.strided.scatter [tilespmem:s25], [sflag:$0xC], $0x640, s4, s2, $0x38;
	[tilespmem:$0xCC00] =	vst v63  }
0xbf: {  	_ =	swait.ge [sflag:s12], $0xC80  }
0xc0: {  	[sflag:s12] =	ssyncset.done $0x0  }
0xc1: {  	s29 =	sadd.s32 $0x1C00, s26;
	s25 =	simm.s32 $0x9A00;
	[sflag:s12] =	ssyncadd.s32 $0xFFFFF380  }
0xc2: {  	[hbm4b:s29+s2] =	stream.strided.scatter [tilespmem:s25], [sflag:$0xD], $0x640, s4, s2, $0x38;
	[tilespmem:$0xCC00] =	vst v63  }
0xc3: {  	s31 =	simm.s32 $0xA040;
	s29 =	sadd.s32 $0x1F80, s26  }
0xc4: {  	[hbm4b:s29+s2] =	stream.strided.scatter [tilespmem:s31], [sflag:$0xD], $0x640, s4, s2, $0x38;
	[tilespmem:$0xCC00] =	vst v63  }
0xc5: {  	_ =	swait.ge [sflag:s14], $0xC80  }
0xc6: {  	s6 =	simm.s32 $0xA680;
	[sflag:s14] =	ssyncset.done $0x0  }
0xc7: {  	s8 =	sadd.s32 $0x2300, s26;
	s29 =	rddreg [dreg:$0x6];
	[sflag:s14] =	ssyncadd.s32 $0xFFFFF380  }
0xc8: {  	[hbm4b:s8+s2] =	stream.strided.scatter [tilespmem:s6], [sflag:$0xE], $0x640, s4, s2, $0x38;
	[tilespmem:$0xCC00] =	vst v63  }
0xc9: {  	s29 =	sadd.s32 s24, s29;
	s8 =	simm.s32 $0xACC0  }
0xca: {  	[hbm4b:s29+s2] =	stream.strided.scatter [tilespmem:s8], [sflag:$0xE], $0x640, s4, s2, $0x38;
	[tilespmem:$0xCC00] =	vst v63  }
0xcb: {  	_ =	swait.ge [sflag:s16], $0xC80  }
0xcc: {  	s31 =	sadd.s32 $0x2A00, s26;
	[sflag:s16] =	ssyncset.done $0x0  }
0xcd: {  	s8 =	simm.s32 $0xB300;
	s29 =	rddreg [dreg:$0x5];
	[sflag:s16] =	ssyncadd.s32 $0xFFFFF380  }
0xce: {  	[hbm4b:s31+s2] =	stream.strided.scatter [tilespmem:s8], [sflag:$0xF], $0x640, s4, s2, $0x38;
	[tilespmem:$0xCC00] =	vst v63  }
0xcf: {  	s29 =	sadd.s32 s24, s29;
	s31 =	simm.s32 $0xB940  }
0xd0: {  	[hbm4b:s29+s2] =	stream.strided.scatter [tilespmem:s31], [sflag:$0xF], $0x640, s4, s2, $0x38;
	[tilespmem:$0xCC00] =	vst v63  }
0xd1: {  	_ =	swait.ge [sflag:s18], $0xC80  }
0xd2: {  	[sflag:s18] =	ssyncset.done $0x0  }
0xd3: {  	s26 =	sadd.s32 $0x3100, s26;
	s29 =	rddreg [dreg:$0x3];
	[sflag:s18] =	ssyncadd.s32 $0xFFFFF380  }
0xd4: {  	[hbm4b:s26+s2] =	stream.strided.scatter [tilespmem:s10], [sflag:$0x10], $0x640, s4, s2, $0x38;
	[tilespmem:$0xCC00] =	vst v63  }
0xd5: {  	s24 =	sadd.s32 s24, s29;
	s26 =	simm.s32 $0xC5C0  }
0xd6: {  	[hbm4b:s24+s2] =	stream.strided.scatter [tilespmem:s26], [sflag:$0x10], $0x640, s4, s2, $0x38;
	[tilespmem:$0xCC00] =	vst v63  }
0xd7: {  	_ =	swait.ge [sflag:s20], $0x640  }
0xd8: {  	[sflag:s20] =	ssyncset.done $0x0  }
0xd9: {  	[sflag:s20] =	ssyncadd.s32 $0xFFFFF9C0  }
0xda: {  	_ =	swait.ge [sflag:s20], $0x640  }
0xdb: {  	[sflag:s20] =	ssyncset.done $0x0  }
0xdc: {  	s31 =	sadd.s32 $0xFFFFFD28, s19;
	[sflag:s20] =	ssyncadd.s32 $0xFFFFF9C0  }
0xdd: {  	[tilespmem:s1], [sflag:$0x1] =	stream.indirect.gather [hbm4b:s3+s23], $0x20, s31, s23, $0xb8;
	[tilespmem:$0xCC00] =	vst v63  }
0xde: {  	_ =	swait.ge [sflag:s21], $0x640  }
0xdf: {  	[sflag:s21] =	ssyncset.done $0x0  }
0xe0: {  	[sflag:s21] =	ssyncadd.s32 $0xFFFFF9C0  }
0xe1: {  	_ =	swait.ge [sflag:s21], $0x640  }
0xe2: {  	[sflag:s21] =	ssyncset.done $0x0  }
0xe3: {  	s10 =	sadd.s32 $0xFFFFFD90, s19;
	[sflag:s21] =	ssyncadd.s32 $0xFFFFF9C0  }
0xe4: {  	[tilespmem:s28], [sflag:$0x2] =	stream.indirect.gather [hbm4b:s3+s23], $0x20, s10, s23, $0xb8;
	[tilespmem:$0xCC00] =	vst v63  }
0xe5: {  	_ =	swait.ge [sflag:s22], $0x640  }
0xe6: {  	[sflag:s22] =	ssyncset.done $0x0  }
0xe7: {  	[sflag:s22] =	ssyncadd.s32 $0xFFFFF9C0  }
0xe8: {  	_ =	swait.ge [sflag:s22], $0x640  }
0xe9: {  	[sflag:s22] =	ssyncset.done $0x0  }
0xea: {  	s31 =	sadd.s32 $0xFFFFFDF8, s19;
	[sflag:s22] =	ssyncadd.s32 $0xFFFFF9C0  }
0xeb: {  	[tilespmem:s0], [sflag:$0x3] =	stream.indirect.gather [hbm4b:s3+s23], $0x20, s31, s23, $0xb8;
	[tilespmem:$0xCC00] =	vst v63  }
0xec: {  	_ =	swait.ge [sflag:s5], $0x640  }
0xed: {  	[sflag:s5] =	ssyncset.done $0x0  }
0xee: {  	[sflag:s5] =	ssyncadd.s32 $0xFFFFF9C0  }
0xef: {  	_ =	swait.ge [sflag:s5], $0x640  }
0xf0: {  	[sflag:s5] =	ssyncset.done $0x0  }
0xf1: {  	s10 =	sadd.s32 $0xFFFFFE60, s19;
	[sflag:s5] =	ssyncadd.s32 $0xFFFFF9C0  }
0xf2: {  	[tilespmem:s30], [sflag:$0x4] =	stream.indirect.gather [hbm4b:s3+s23], $0x20, s10, s23, $0xb8;
	[tilespmem:$0xCC00] =	vst v63  }
0xf3: {  	_ =	swait.ge [sflag:s7], $0x640  }
0xf4: {  	[sflag:s7] =	ssyncset.done $0x0  }
0xf5: {  	[sflag:s7] =	ssyncadd.s32 $0xFFFFF9C0  }
0xf6: {  	_ =	swait.ge [sflag:s7], $0x640  }
0xf7: {  	[sflag:s7] =	ssyncset.done $0x0  }
0xf8: {  	s31 =	sadd.s32 $0xFFFFFEC8, s19;
	[sflag:s7] =	ssyncadd.s32 $0xFFFFF9C0  }
0xf9: {  	[tilespmem:s25], [sflag:$0x5] =	stream.indirect.gather [hbm4b:s3+s23], $0x20, s31, s23, $0xb8;
	[tilespmem:$0xCC00] =	vst v63  }
0xfa: {  	_ =	swait.ge [sflag:s9], $0x640  }
0xfb: {  	[sflag:s9] =	ssyncset.done $0x0  }
0xfc: {  	[sflag:s9] =	ssyncadd.s32 $0xFFFFF9C0  }
0xfd: {  	_ =	swait.ge [sflag:s9], $0x640  }
0xfe: {  	[sflag:s9] =	ssyncset.done $0x0  }
0xff: {  	s10 =	sadd.s32 $0xFFFFFF30, s19;
	[sflag:s9] =	ssyncadd.s32 $0xFFFFF9C0  }
0x100: {  	[tilespmem:s6], [sflag:$0x6] =	stream.indirect.gather [hbm4b:s3+s23], $0x20, s10, s23, $0xb8;
	[tilespmem:$0xCC00] =	vst v63  }
0x101: {  	_ =	swait.ge [sflag:s11], $0x640  }
0x102: {  	[sflag:s11] =	ssyncset.done $0x0  }
0x103: {  	[sflag:s11] =	ssyncadd.s32 $0xFFFFF9C0  }
0x104: {  	_ =	swait.ge [sflag:s11], $0x640  }
0x105: {  	[sflag:s11] =	ssyncset.done $0x0  }
0x106: {  	s31 =	sadd.s32 $0xFFFFFF98, s19;
	[sflag:s11] =	ssyncadd.s32 $0xFFFFF9C0  }
0x107: {  	[tilespmem:s8], [sflag:$0x7] =	stream.indirect.gather [hbm4b:s3+s23], $0x20, s31, s23, $0xb8;
	[tilespmem:$0xCC00] =	vst v63  }
0x108: {  	p0 =	sne.s32 s17, $0x69000;
	s17 =	sadd.s32 $0x3800, s17;
	_ =	swait.ge [sflag:s13], $0x640  }
.Ltmp0:
0x109: {  	s15 =	smov.u32 s19;
	[sflag:s13] =	ssyncset.done $0x0;
	(pc) =	sbr.rel @p0 .LBB2_2-.Ltmp0, $4  }
0x10a: {  	s29 =	simm.s32 $0x9A00;
	s26 =	simm.s32 $0x6800;
	[sflag:s13] =	ssyncadd.s32 $0xFFFFF9C0  }
0x10b: {  	s1 =	simm.s32 $0x7480;
	s28 =	simm.s32 $0x8100;
	_ =	swait.ge [sflag:s13], $0x640  }
0x10c: {  	s0 =	simm.s32 $0x8D80;
	s25 =	simm.s32 $0xA680;
	[sflag:s13] =	ssyncset.done $0x0  }
0x10d: {  	s19 =	sadd.s32 $0x340, s19;
	s6 =	simm.s32 $0xB300;
	[sflag:s13] =	ssyncadd.s32 $0xFFFFF9C0  }
0x10e: {  	s8 =	simm.s32 $0xBF80;
	s10 =	simm.s32 $0x1  }
0x10f: {  	[tilespmem:s8], [sflag:$0x8] =	stream.indirect.gather [hbm4b:s3+s23], $0x20, s15, s23, $0xb8;
	[tilespmem:$0xCC00] =	vst v63  }
0x110: {  	_ =	swait.ge [sflag:s10], $0xC80  }
0x111: {  	[sflag:s10] =	ssyncset.done $0x0  }
0x112: {  	s24 =	rddreg [dreg:$0xb];
	[sflag:s10] =	ssyncadd.s32 $0xFFFFF380  }
0x113: {  	[hbm4b:s24+s2] =	stream.strided.scatter [tilespmem:s26], [sflag:$0x9], $0x640, s4, s2, $0x38;
	[tilespmem:$0xCC00] =	vst v63  }
0x114: {  	s31 =	simm.s32 $0x6E40;
	s15 =	simm.s32 $0x2;
	s26 =	rddreg [dreg:$0xc]  }
0x115: {  	[hbm4b:s26+s2] =	stream.strided.scatter [tilespmem:s31], [sflag:$0x9], $0x640, s4, s2, $0x38;
	[tilespmem:$0xCC00] =	vst v63  }
0x116: {  	_ =	swait.ge [sflag:s15], $0xC80  }
0x117: {  	[sflag:s15] =	ssyncset.done $0x0  }
0x118: {  	s17 =	rddreg [dreg:$0xd];
	[sflag:s15] =	ssyncadd.s32 $0xFFFFF380  }
0x119: {  	[hbm4b:s17+s2] =	stream.strided.scatter [tilespmem:s1], [sflag:$0xA], $0x640, s4, s2, $0x38;
	[tilespmem:$0xCC00] =	vst v63  }
0x11a: {  	s24 =	simm.s32 $0x7AC0;
	s26 =	simm.s32 $0x3;
	s19 =	rddreg [dreg:$0xe]  }
0x11b: {  	[hbm4b:s19+s2] =	stream.strided.scatter [tilespmem:s24], [sflag:$0xA], $0x640, s4, s2, $0x38;
	[tilespmem:$0xCC00] =	vst v63  }
0x11c: {  	_ =	swait.ge [sflag:s26], $0xC80  }
0x11d: {  	[sflag:s26] =	ssyncset.done $0x0  }
0x11e: {  	s31 =	rddreg [dreg:$0xf];
	[sflag:s26] =	ssyncadd.s32 $0xFFFFF380  }
0x11f: {  	[hbm4b:s31+s2] =	stream.strided.scatter [tilespmem:s28], [sflag:$0xB], $0x640, s4, s2, $0x38;
	[tilespmem:$0xCC00] =	vst v63  }
0x120: {  	s10 =	simm.s32 $0x8740;
	s17 =	simm.s32 $0x4;
	s1 =	rddreg [dreg:$0x10]  }
0x121: {  	[hbm4b:s1+s2] =	stream.strided.scatter [tilespmem:s10], [sflag:$0xB], $0x640, s4, s2, $0x38;
	[tilespmem:$0xCC00] =	vst v63  }
0x122: {  	_ =	swait.ge [sflag:s17], $0xC80  }
0x123: {  	[sflag:s17] =	ssyncset.done $0x0  }
0x124: {  	s19 =	rddreg [dreg:$0x11];
	[sflag:s17] =	ssyncadd.s32 $0xFFFFF380  }
0x125: {  	[hbm4b:s19+s2] =	stream.strided.scatter [tilespmem:s0], [sflag:$0xC], $0x640, s4, s2, $0x38;
	[tilespmem:$0xCC00] =	vst v63  }
0x126: {  	s26 =	simm.s32 $0x93C0;
	s24 =	rddreg [dreg:$0x12]  }
0x127: {  	[hbm4b:s24+s2] =	stream.strided.scatter [tilespmem:s26], [sflag:$0xC], $0x640, s4, s2, $0x38;
	[tilespmem:$0xCC00] =	vst v63  }
0x128: {  	_ =	swait.ge [sflag:s12], $0xC80  }
0x129: {  	[sflag:s12] =	ssyncset.done $0x0  }
0x12a: {  	s28 =	rddreg [dreg:$0x13];
	[sflag:s12] =	ssyncadd.s32 $0xFFFFF380  }
0x12b: {  	[hbm4b:s28+s2] =	stream.strided.scatter [tilespmem:s29], [sflag:$0xD], $0x640, s4, s2, $0x38;
	[tilespmem:$0xCC00] =	vst v63  }
0x12c: {  	s31 =	simm.s32 $0xA040;
	s29 =	rddreg [dreg:$0x14]  }
0x12d: {  	[hbm4b:s29+s2] =	stream.strided.scatter [tilespmem:s31], [sflag:$0xD], $0x640, s4, s2, $0x38;
	[tilespmem:$0xCC00] =	vst v63  }
0x12e: {  	_ =	swait.ge [sflag:s14], $0xC80  }
0x12f: {  	[sflag:s14] =	ssyncset.done $0x0  }
0x130: {  	s0 =	rddreg [dreg:$0x15];
	[sflag:s14] =	ssyncadd.s32 $0xFFFFF380  }
0x131: {  	[hbm4b:s0+s2] =	stream.strided.scatter [tilespmem:s25], [sflag:$0xE], $0x640, s4, s2, $0x38;
	[tilespmem:$0xCC00] =	vst v63  }
0x132: {  	s10 =	simm.s32 $0xACC0;
	s1 =	rddreg [dreg:$0x16]  }
0x133: {  	[hbm4b:s1+s2] =	stream.strided.scatter [tilespmem:s10], [sflag:$0xE], $0x640, s4, s2, $0x38;
	[tilespmem:$0xCC00] =	vst v63  }
0x134: {  	_ =	swait.ge [sflag:s16], $0xC80  }
0x135: {  	[sflag:s16] =	ssyncset.done $0x0  }
0x136: {  	s17 =	rddreg [dreg:$0x17];
	[sflag:s16] =	ssyncadd.s32 $0xFFFFF380  }
0x137: {  	[hbm4b:s17+s2] =	stream.strided.scatter [tilespmem:s6], [sflag:$0xF], $0x640, s4, s2, $0x38;
	[tilespmem:$0xCC00] =	vst v63  }
0x138: {  	s24 =	simm.s32 $0xB940;
	s19 =	rddreg [dreg:$0x18]  }
0x139: {  	[hbm4b:s19+s2] =	stream.strided.scatter [tilespmem:s24], [sflag:$0xF], $0x640, s4, s2, $0x38;
	[tilespmem:$0xCC00] =	vst v63  }
0x13a: {  	_ =	swait.ge [sflag:s18], $0xC80  }
0x13b: {  	[sflag:s18] =	ssyncset.done $0x0  }
0x13c: {  	s25 =	rddreg [dreg:$0x19];
	[sflag:s18] =	ssyncadd.s32 $0xFFFFF380  }
0x13d: {  	[hbm4b:s25+s2] =	stream.strided.scatter [tilespmem:s8], [sflag:$0x10], $0x640, s4, s2, $0x38;
	[tilespmem:$0xCC00] =	vst v63  }
0x13e: {  	s28 =	simm.s32 $0xC5C0;
	s26 =	rddreg [dreg:$0x1a]  }
0x13f: {  	[hbm4b:s26+s2] =	stream.strided.scatter [tilespmem:s28], [sflag:$0x10], $0x640, s4, s2, $0x38;
	[tilespmem:$0xCC00] =	vst v63  }
0x140: {  	_ =	swait.ge [sflag:s20], $0x640  }
0x141: {  	[sflag:s20] =	ssyncset.done $0x0  }
0x142: {  	[sflag:s20] =	ssyncadd.s32 $0xFFFFF9C0  }
0x143: {  	_ =	swait.ge [sflag:s20], $0x640  }
0x144: {  	[sflag:s20] =	ssyncset.done $0x0  }
0x145: {  	[sflag:s20] =	ssyncadd.s32 $0xFFFFF9C0  }
0x146: {  	_ =	swait.ge [sflag:s21], $0x640  }
0x147: {  	[sflag:s21] =	ssyncset.done $0x0  }
0x148: {  	[sflag:s21] =	ssyncadd.s32 $0xFFFFF9C0  }
0x149: {  	_ =	swait.ge [sflag:s21], $0x640  }
0x14a: {  	[sflag:s21] =	ssyncset.done $0x0  }
0x14b: {  	[sflag:s21] =	ssyncadd.s32 $0xFFFFF9C0  }
0x14c: {  	_ =	swait.ge [sflag:s22], $0x640  }
0x14d: {  	[sflag:s22] =	ssyncset.done $0x0  }
0x14e: {  	[sflag:s22] =	ssyncadd.s32 $0xFFFFF9C0  }
0x14f: {  	_ =	swait.ge [sflag:s22], $0x640  }
0x150: {  	[sflag:s22] =	ssyncset.done $0x0  }
0x151: {  	[sflag:s22] =	ssyncadd.s32 $0xFFFFF9C0  }
0x152: {  	_ =	swait.ge [sflag:s5], $0x640  }
0x153: {  	[sflag:s5] =	ssyncset.done $0x0  }
0x154: {  	[sflag:s5] =	ssyncadd.s32 $0xFFFFF9C0  }
0x155: {  	_ =	swait.ge [sflag:s5], $0x640  }
0x156: {  	[sflag:s5] =	ssyncset.done $0x0  }
0x157: {  	[sflag:s5] =	ssyncadd.s32 $0xFFFFF9C0  }
0x158: {  	_ =	swait.ge [sflag:s7], $0x640  }
0x159: {  	[sflag:s7] =	ssyncset.done $0x0  }
0x15a: {  	[sflag:s7] =	ssyncadd.s32 $0xFFFFF9C0  }
0x15b: {  	_ =	swait.ge [sflag:s7], $0x640  }
0x15c: {  	[sflag:s7] =	ssyncset.done $0x0  }
0x15d: {  	[sflag:s7] =	ssyncadd.s32 $0xFFFFF9C0  }
0x15e: {  	_ =	swait.ge [sflag:s9], $0x640  }
0x15f: {  	[sflag:s9] =	ssyncset.done $0x0  }
0x160: {  	[sflag:s9] =	ssyncadd.s32 $0xFFFFF9C0  }
0x161: {  	_ =	swait.ge [sflag:s9], $0x640  }
0x162: {  	[sflag:s9] =	ssyncset.done $0x0  }
0x163: {  	[sflag:s9] =	ssyncadd.s32 $0xFFFFF9C0  }
0x164: {  	_ =	swait.ge [sflag:s11], $0x640  }
0x165: {  	[sflag:s11] =	ssyncset.done $0x0  }
0x166: {  	[sflag:s11] =	ssyncadd.s32 $0xFFFFF9C0  }
0x167: {  	_ =	swait.ge [sflag:s11], $0x640  }
0x168: {  	[sflag:s11] =	ssyncset.done $0x0  }
0x169: {  	[sflag:s11] =	ssyncadd.s32 $0xFFFFF9C0  }
0x16a: {  	_ =	swait.ge [sflag:s13], $0x640  }
0x16b: {  	[sflag:s13] =	ssyncset.done $0x0  }
0x16c: {  	[sflag:s13] =	ssyncadd.s32 $0xFFFFF9C0  }
0x16d: {  	_ =	swait.ge [sflag:s13], $0x640  }
0x16e: {  	s29 =	rddreg [dreg:$0x1c]  }
0x16f: {  	s31 =	rddreg [dreg:$0x1b];
	s0 =	sadd.s32 $0x1, s29  }
0x170: {  	p0 =	sne.s32 s0, s31  }
.Ltmp1:
0x171: {  	_ = 	snop;
	(pc) =	sbr.rel @p0 .LBB2_1-.Ltmp1, $3  }
0x172: {  	_ =	sdelay $0x1  }
0x173: {  	[sflag:s13] =	ssyncset.done $0x0  }
0x174: {  	[sflag:s13] =	ssyncadd.s32 $0xFFFFF9C0  }
0x175: {  	_ =	sfence.sel $0x180000  }
0x176: {  	[bflag:$0x0] =	sbarrier.arrive $0xFFFF  }
0x177: {  	_ =	strace $0x90000047  }
0x178: {  	s0 =	stileid.u32;
	[bflag:$0x2] =	sbarrier.arrive $0xFFFF  }
0x179: {  	p0 =	sne.s32 s0, $0x0;
	s0 =	rddreg [dreg:$0x2]  }
0x17a: {  	s0 =	sadd.s32 @!p0 $0x100000, s0  }
0x17b: {  	[sflag:s0] =	ssyncadd.tile.s32 @!p0 $0x1;
	_ =	shalt  }
.Lfunc_end2:
_tile_overlayer_lowered:
.L_overlay_start_2:
0x17c: {  	(tag) =	ssettag $0x2  }
0x17d: {  	s0 =	rddreg [dreg:$0x0];
	s2 =	stileid.u32  }
0x17e: {  	s1 =	rddreg [dreg:$0x1];
	p0 =	sne.s32 s2, $0x0  }
0x17f: {  	s3 =	rddreg [dreg:$0x2];
	[bflag:$0x3] =	sbarrier.arrive $0xFFFF;
	s2 =	simm.s32 @!p0 $0x1C11  }
0x180: {  	[timem:s3], [sflag:s2] =	dma.local @!p0 [hbm:s0], s1  }
0x181: {  	s0 =	simm.s32 @!p0 $0x11  }
0x182: {  	_ =	swait.ge @!p0 [sflag:s0], s1  }
0x183: {  	s1 =	ssub.s32 @!p0 $0x0, s1;
	[sflag:s0] =	ssyncset.done @!p0 $0x0  }
0x184: {  	[sflag:s0] =	ssyncadd.s32 @!p0 s1  }
0x185: {  	[bflag:$0x3] =	sbarrier.arrive $0xFFFF  }
0x186: {  	_ =	shalt  }

// kernel: sparse-core-data-format-call.cloned.1.call-start
scs
called_computation_lowered:
.L_overlay_start_0:
0x0: {  	s2 =	sld [smem:$0x3FD9]  }
0x1: {  	s3 =	sld [smem:$0x3FFE];
	_ =	sdelay $0x1  }
0x2: {  	s1 =	srdreg.scid  }
0x3: {  	s0 =	sand.u32 $0x1, s1  }
0x4: {  	s18 =	sshll.u32 s0, $0xA;
	s2 =	sadd.s32 s3, s2  }
0x5: {  	s2 =	sadd.s32 s2, s18  }
0x6: {  	[smem:$0x3FC6] =	sst s2  }
0x7: {  	_ = 	snop  }
0x8: {  	s2 =	sld [smem:$0x3FD0];
	(tm) =	ssettm $0x1  }
0x9: {  	s19 =	sld [smem:$0x3FFB];
	_ =	sdelay $0x3  }
0xa: {  	_ =	strace s19  }
0xb: {  	s3 =	sld [smem:$0x3FFC];
	_ =	sdelay $0x3  }
0xc: {  	_ =	strace s3  }
0xd: {  	s3 =	sld [smem:$0x3FFD];
	_ =	sdelay $0x3  }
0xe: {  	_ =	strace s3  }
0xf: {  	_ =	strace $0x8FFFFFFF  }
0x10: {  	s20 =	sld [smem:$0x3FDB];
	_ =	sdelay $0x1  }
0x11: {  	s4 =	simm.s32 $_scs_section_size  }
0x12: {  	s5 =	simm.s32 $_size__tile_overlayer_lowered;
	s6 =	simm.s32 $_tile_overlayer_lowered  }
0x13: {  	s23 =	simm.s32 $0x1BFF;
	s22 =	sshll.u32 s6, $0x1;
	s3 =	sadd.s32 s4, s20  }
0x14: {  	s7 =	simm.s32 $0x0;
	s21 =	sshll.u32 s5, $0x1;
	s5 =	sadd.s32 s22, s3  }
0x15: {  	[timem:s7], [sflag:s23] =	dma.local [hbm:s5], s21  }
0x16: {  	_ =	swait.ge [sflag:s23], s21  }
0x17: {  	s4 =	ssub.s32 $0x0, s21;
	[sflag:s23] =	ssyncset.done $0x0  }
0x18: {  	[sflag:s23] =	ssyncadd.s32 s4;
	_ =	sdelay $0x1  }
0x19: {  	s24 =	simm.s32 $0x1B8B  }
0x1a: {  	_ =	swait.ge [sflag:s24], $0x1  }
0x1b: {  	[sflag:s24] =	ssyncset.done $0x0  }
0x1c: {  	s26 =	simm.s32 $0x1B8E;
	s25 =	sld [smem:$0x3FFE];
	[sflag:s24] =	ssyncadd.s32 $0xFFFFFFFF  }
0x1d: {  	s27 =	simm.s32 $execute0_lowered;
	[smem:$0x3FD2] =	sst s26  }
0x1e: {  	s5 =	sshll.u32 s27, $0x1;
	_ =	strace $0x80000049;
	[dreg:$0x1] =	wrdreg $0xFFFFFFFF  }
0x1f: {  	s28 =	simm.s32 $_size_execute0_lowered;
	s3 =	sadd.s32 s3, s5;
	[dreg:$0x0] =	wrdreg $0x0  }
0x20: {  	s5 =	sshll.u32 s28, $0x1;
	[dreg:$0x2] =	wrdreg s3  }
0x21: {  	[dreg:$0x3] =	wrdreg s5  }
0x22: {  	[dreg:$0x4] =	wrdreg $0xC0  }
0x23: {  	_ =	task [dreg:s7], $0x5FFFF  }
0x24: {  	[dreg:$0x1] =	wrdreg $0xFFFFFFFF  }
0x25: {  	[dreg:$0x0] =	wrdreg $0x60  }
0x26: {  	[dreg:$0x2] =	wrdreg s25  }
0x27: {  	[dreg:$0x3] =	wrdreg s2  }
0x28: {  	[dreg:$0x4] =	wrdreg $0x9  }
0x29: {  	_ =	task.clear_ibuf [dreg:s7], $0x5FFFF;
	_ =	strace $0x90000049  }
0x2a: {  	s29 =	simm.s32 $0x9;
	_ =	strace $0x8000004B  }
0x2b: {  	_ =	swait.ge [sflag:s29], $0x1  }
0x2c: {  	[sflag:s29] =	ssyncadd.s32 $0xFFFFFFFF  }
0x2d: {  	_ =	strace $0x9000004B  }
0x2e: {  	_ =	sfence  }
0x2f: {  	s30 =	sld [smem:$0x0];
	_ =	sdelay $0x2  }
0x30: {  	s31 =	sshll.u32 s1, $0xD;
	s1 =	sshrl.u32 s1, $0x2  }
0x31: {  	s3 =	sand.u32 $0x4000, s31;
	s1 =	sadd.s32 s1, s30  }
0x32: {  	s0 =	sor.u32 s3, s0;
	s1 =	sshll.u32 s1, $0x11  }
0x33: {  	s0 =	sor.u32 s1, s0  }
0x34: {  	s0 =	sadd.s32 $0x8F2B, s0  }
0x35: {  	[sflag:s0] =	ssyncadd.remote.s32 $0x1  }
0x36: {  	_ =	sfence.sel $0xFFFF  }
0x37: {  	[dreg:$0x0] =	wrdreg $0xFFFFFFFF;
	(pc) =	sbr.abs _section_cstart, $3  }
0x38: {  	[dreg:$0x1] =	wrdreg $0xFFFFFFFF  }
0x39: {  	_ =	task.clear_ibuf [dreg:s7], $0x2FFFF;
	_ =	strace $0x9FFFFFFF  }
0x3a: {  	(tm) =	ssettm $0x7FFFFFFF  }
0x3b: {  	_ =	shalt  }
tec
execute0_lowered:
.L_overlay_start_1:
0x0: {  	(tag) =	ssettag $0x1  }
0x1: {  	s0 =	srdreg.scid  }
0x2: {  	s1 =	sshll.u32 s0, $0x4  }
0x3: {  	s0 =	stileid.u32;
	s1 =	sand.u32 $0x10, s1  }
0x4: {  	s1 =	sor.u32 s0, s1  }
0x5: {  	s6 =	rddreg [dreg:$0x0];
	s4 =	simm.s32 $0x1;
	s2 =	sshll.u32 s1, $0x7  }
0x6: {  	s7 =	simm.s32 $0x2;
	s12 =	simm.s32 $0x0;
	s1 =	ssub.s32 $0x4000, s2  }
0x7: {  	s8 =	simm.s32 $0x20000;
	s13 =	simm.s32 $0x0;
	s3 =	sand.u32 $0xF80, s1  }
0x8: {  	s9 =	simm.s32 $0x0;
	s5 =	sshrl.u32 s1, $0xC;
	p0 =	sne.s32 s3, $0x0  }
.Ltmp0:
0x9: {  	s1 =	rddreg [dreg:$0x2];
	s4 =	simm.s32 @!p0 $0x0;
	(pc) =	sbr.rel .LBB1_1-.Ltmp0, $4  }
0xa: {  	s11 =	simm.s32 $0x0;
	s3 =	rddreg [dreg:$0x1];
	s5 =	sadd.s32 s4, s5  }
0xb: {  	_ =	strace $0x8000004A;
	s4 =	simm.s32 $0x1;
	s5 =	smul.u32 $0x32, s5  }
0xc: {  	s6 =	sadd.s32 $0xA00, s6;
	s10 =	smov.u32 s2;
	[sflag:s4] =	ssyncpa.u1 $0x0  }
0xd: {  	p0 =	por $0x0, $0x0;
	[sflag:s7] =	ssyncpa.u1 $0x0;
	s7 =	sor.u32 $0x1, s5  }
.LBB1_4:
0xe: {  	s16 =	sshll.u32 s13, $0x3;
	s17 =	sand.u32 $0x78, s13  }
0xf: {  	s30 =	sand.u32 $0xF800, s13;
	s12 =	sshll.u32 s12, $0x10;
	s16 =	sand.u32 $0x3C00, s16  }
0x10: {  	s31 =	sand.u32 $0x7, s13;
	s16 =	sor.u32 s17, s16;
	s17 =	sadd.s32 s3, s30  }
0x11: {  	s13 =	sshll.u32 s31, $0x12;
	s16 =	sshrl.u32 s16, $0x3;
	s12 =	sadd.s32 s12, s17  }
0x12: {  	[tilespmem:s15+$0x0 ss:$0x81] =	vst.msk $0xffff, v0;
	s13 =	sor.u32 $0x400, s13;
	s12 =	sadd.s32 s16, s12  }
0x13: {  	[hbm4b:s12+s13] =	stream.strided.scatter [tilespmem:s14], [sflag:$0x2], $0x1000, s8, s13, $0x20;
	[tilespmem:$0x4040] =	vst v63  }
.LBB1_5:
0x14: {  	s14 =	sadd.s32 $0x1, s9  }
0x15: {  	s12 =	sadd.s32 $0x1000, s10;
	s16 =	smov.u32 s10;
	p2 =	sgt.s32 s14, $0x31  }
0x16: {  	s16 =	smov.u32 @p2 s12  }
0x17: {  	s14 =	simm.s32 @p2 $0x0;
	p2 =	sgt.s32 s16, $0x3FFF  }
0x18: {  	s16 =	smov.u32 @p2 s2;
	p2 =	sne.s32 s11, s7  }
.Ltmp1:
0x19: {  	p1 =	slt.u32 s11, $0x2;
	(pc) =	sbr.rel @!p2 .LBB1_6-.Ltmp1, $4  }
0x1a: {  	s15 =	simm.s32 @!p1 $0x2  }
0x1b: {  	s13 =	smov.u32 s10;
	p0 =	por !p0, !p0;
	_ =	swait.ge @!p1 [sflag:s15], $0x1000  }
0x1c: {  	s12 =	smov.u32 s9;
	[sflag:s15] =	ssyncset.done @!p1 $0x0;
	s9 =	smov.u32 s14  }
0x1d: {  	s11 =	sadd.s32 $0x1, s11;
	[sflag:s15] =	ssyncadd.s32 @!p1 $0xFFFFF000;
	s10 =	smov.u32 s16  }
.LBB1_1:
0x1e: {  	p1 =	sge.u32 s11, s5  }
0x1f: {  	s14 =	sand.u32 @!p1 $0x1FFFFFF, s9  }
0x20: {  	s15 =	smulhi.u32 @!p1 $0x4924925, s14;
	_ =	sdelay $0x1  }
0x21: {  	s15 =	smul.u32 @!p1 $0x38, s15  }
0x22: {  	s16 =	sxor.u32 @!p1 $0xFFFFFFFF, s11;
	s17 =	smul.u32 @!p1 $0x380, s10  }
0x23: {  	s31 =	sadd.s32 $0xFFFFFFFF, s11;
	s16 =	sshll.u32 @!p1 s16, $0xC;
	s14 =	ssub.s32 @!p1 s14, s15  }
0x24: {  	s15 =	sand.u32 @!p1 $0x1000, s16;
	s16 =	sadd.s32 @!p1 s6, s17;
	s14 =	sshll.u32 @!p1 s14, $0x4  }
0x25: {  	s17 =	simm.s32 @!p1 $0x1C00;
	s14 =	sadd.s32 @!p1 s14, s16;
	s16 =	simm.s32 @!p1 $0x20  }
0x26: {  	[tilespmem:s15], [sflag:$0x1] =	stream.strided.gather @!p1 [hbm4b:s14+s16], $0x1000, s17, s16, $0x38;
	[tilespmem:$0x4040] =	vst v63  }
0x27: {  	p1 =	sge.u32 s31, s5  }
.Ltmp2:
0x28: {  	_ = 	snop;
	(pc) =	sbr.rel @p1 .LBB1_5-.Ltmp2, $1  }
0x29: {  	_ =	sdelay $0x3  }
0x2a: {  	s14 =	simm.s32 $0x1  }
0x2b: {  	_ =	swait.ge [sflag:s4], $0x1000;
	s14 =	simm.s32 @!p0 $0x0  }
0x2c: {  	[sflag:s4] =	ssyncset.done $0x0;
	s15 =	sshll.u32 s14, $0xC  }
0x2d: {  	[sflag:s4] =	ssyncadd.s32 $0xFFFFF000;
	s18 =	sor.u32 $0x10, s15  }
0x2e: {  	s14 =	smul.u32 $0x4080, s14;
	v1 =	vld [tilespmem:s18+$0x0]  }
0x2f: {  	s30 =	sand.u32 $0x1, s11;
	v0 =	vld [tilespmem:s18+$0xFFFFFFF0]  }
0x30: {  	s15 =	smul.u32 $0x4080, s30;
	s14 =	sshrl.u32 s14, $0x2  }
0x31: {  	s16 =	sor.u32 $0x2000, s14  }
0x32: {  	s31 =	sshrl.u32 s15, $0x2;
	s15 =	sadd.s32 $0x0, s16  }
0x33: {  	s17 =	simm.s32 $0x4;
	s18 =	sadd.s32 $0x20, s18;
	s14 =	sor.u32 $0x2000, s31;
	[tilespmem:s15+$0x810 ss:$0x81] =	vst.msk $0xffff, v1  }
.LBB1_3:
0x34: {  	v1 =	vld [tilespmem:s18+$0x0];
	p1 =	sne.s32 s17, $0x1FC;
	[tilespmem:s15+$0x0 ss:$0x81] =	vst.msk $0xffff, v0;
	s15 =	smov.u32 s17;
	s17 =	sadd.s32 $0x4, s17  }
.Ltmp3:
0x35: {  	v0 =	vld [tilespmem:s18+$0xFFFFFFF0];
	(pc) =	sbr.rel @p1 .LBB1_3-.Ltmp3, $4  }
0x36: {  	_ = 	snop  }
0x37: {  	s15 =	sshra.s32 s15, $0x2  }
0x38: {  	s15 =	sadd.s32 s15, s16  }
0x39: {  	s18 =	sadd.s32 $0x20, s18;
	[tilespmem:s15+$0x810 ss:$0x81] =	vst.msk $0xffff, v1  }
.Ltmp4:
0x3a: {  	_ = 	snop;
	(pc) =	sbr.rel .LBB1_4-.Ltmp4, $1  }
0x3b: {  	_ =	sdelay $0x3  }
.LBB1_6:
0x3c: {  	_ =	sfence.sel $0x180000  }
0x3d: {  	s2 =	simm.s32 $0x1;
	[bflag:$0x0] =	sbarrier.arrive $0xFFFF  }
0x3e: {  	s31 =	simm.s32 $0x2;
	[sflag:s2] =	ssyncpa.u1 $0x1  }
0x3f: {  	[sflag:s31] =	ssyncpa.u1 $0x1  }
0x40: {  	p0 =	sne.s32 s0, $0x0;
	_ =	strace $0x9000004A  }
0x41: {  	s0 =	sadd.s32 @!p0 $0x100000, s1;
	[bflag:$0x2] =	sbarrier.arrive $0xFFFF  }
0x42: {  	[sflag:s0] =	ssyncadd.tile.s32 @!p0 $0x1;
	_ =	shalt  }
.Lfunc_end1:
_tile_overlayer_lowered:
.L_overlay_start_2:
0x43: {  	(tag) =	ssettag $0x2  }
0x44: {  	s0 =	rddreg [dreg:$0x0];
	s2 =	stileid.u32  }
0x45: {  	s1 =	rddreg [dreg:$0x1];
	p0 =	sne.s32 s2, $0x0  }
0x46: {  	s3 =	rddreg [dreg:$0x2];
	[bflag:$0x3] =	sbarrier.arrive $0xFFFF;
	s2 =	simm.s32 @!p0 $0x1C01  }
0x47: {  	[timem:s3], [sflag:s2] =	dma.local @!p0 [hbm:s0], s1  }
0x48: {  	s0 =	simm.s32 @!p0 $0x1  }
0x49: {  	_ =	swait.ge @!p0 [sflag:s0], s1  }
0x4a: {  	s1 =	ssub.s32 @!p0 $0x0, s1;
	[sflag:s0] =	ssyncset.done @!p0 $0x0  }
0x4b: {  	[sflag:s0] =	ssyncadd.s32 @!p0 s1  }
0x4c: {  	[bflag:$0x3] =	sbarrier.arrive $0xFFFF  }
0x4d: {  	_ =	shalt  }

</sc_bundles>
